<compile_context>
chip_gen: v7x
topology: tpu7x:2x2x1
jax: 0.10.2.dev20260603
libtpu: 0.0.44.dev20260713+nightly
codegen_flags: <defaults>
</compile_context>

<pallas_src>
import functools

import jax
import jax.numpy as jnp
from jax.experimental import pallas as pl
from jax.experimental.pallas import tpu as pltpu
from jax.experimental.pallas import tpu_sc as plsc

_E = 8
_D = 2048
_DFF = 1408
_SFF = 5632

_TILE = 512
_MAXT = 16
_MAXR = _MAXT * _TILE
_CHK = 512
_SCH = 256
_TCH = 512
_GW = 128
_SUB = 256


def _routing_body(x_ref, gw_ref, p1_ref, p2_ref, w1_ref, w2_ref, te_ref,
                  tv_ref):
    x = x_ref[...]
    gw = gw_ref[...]
    t = x.shape[0]
    logits = jax.lax.dot_general(
        x, gw, (((1,), (1,)), ((), ())), preferred_element_type=jnp.float32)
    iota = jax.lax.broadcasted_iota(jnp.int32, logits.shape, 1)
    m1 = jnp.max(logits, axis=1, keepdims=True)
    i1 = jnp.min(jnp.where(logits == m1, iota, _E), axis=1, keepdims=True)
    oh1 = iota == i1
    l2 = jnp.where(oh1, -jnp.inf, logits)
    m2 = jnp.max(l2, axis=1, keepdims=True)
    i2 = jnp.min(jnp.where(l2 == m2, iota, _E), axis=1, keepdims=True)
    oh2 = iota == i2
    w1_ref[...] = 1.0 / (1.0 + jnp.exp(m2 - m1))
    w2_ref[...] = 1.0 - w1_ref[...]

    o1 = oh1.astype(jnp.float32)
    o2 = oh2.astype(jnp.float32)
    li = jax.lax.broadcasted_iota(jnp.int32, (_CHK, _CHK), 0)
    lj = jax.lax.broadcasted_iota(jnp.int32, (_CHK, _CHK), 1)
    ltri = (li > lj).astype(jnp.float32)
    ranks = []
    carry = jnp.zeros((1, _E), jnp.float32)
    for o, oh in ((o1, oh1), (o2, oh2)):
        rk = []
        for c in range(t // _CHK):
            oc = o[c * _CHK:(c + 1) * _CHK, :]
            pre = jax.lax.dot_general(
                ltri, oc, (((1,), (0,)), ((), ())),
                preferred_element_type=jnp.float32) + carry
            ohc = oh[c * _CHK:(c + 1) * _CHK, :]
            rk.append(jnp.sum(jnp.where(ohc, pre, 0.0), axis=1,
                              keepdims=True))
            carry = carry + jnp.sum(oc, axis=0, keepdims=True)
        ranks.append(jnp.concatenate(rk, axis=0))
    counts = carry
    padded = jnp.ceil(counts / _TILE) * _TILE
    ei = jax.lax.broadcasted_iota(jnp.int32, (_E, _E), 0)
    ej = jax.lax.broadcasted_iota(jnp.int32, (_E, _E), 1)
    etri = (ei < ej).astype(jnp.float32)
    padstart = jax.lax.dot_general(
        padded, etri, (((1,), (0,)), ((), ())),
        preferred_element_type=jnp.float32)
    start1 = jnp.sum(jnp.where(oh1, padstart, 0.0), axis=1, keepdims=True)
    start2 = jnp.sum(jnp.where(oh2, padstart, 0.0), axis=1, keepdims=True)
    p1_ref[...] = (start1 + ranks[0]).astype(jnp.int32)
    p2_ref[...] = (start2 + ranks[1]).astype(jnp.int32)

    padend = (padstart + padded).astype(jnp.int32)
    base = jax.lax.broadcasted_iota(jnp.int32, (_E, _MAXT), 1) * _TILE
    ends = jnp.swapaxes(padend, 0, 1)
    texp = jnp.sum((base >= ends).astype(jnp.int32), axis=0, keepdims=True)
    te_ref[...] = jnp.minimum(texp, _E - 1)
    total = jnp.sum(padded).astype(jnp.int32)
    tbase = jax.lax.broadcasted_iota(jnp.int32, (1, _MAXT), 1) * _TILE
    tv_ref[...] = (tbase < total).astype(jnp.int32)


def _gu_body(te_ref, tv_ref, xg_ref, ge_ref, ue_ref, h_ref):
    j = pl.program_id(0)

    @pl.when(tv_ref[j] > 0)
    def _():
        xg = xg_ref[...]
        ge = ge_ref[0].astype(jnp.bfloat16)
        ue = ue_ref[0].astype(jnp.bfloat16)
        g = jax.lax.dot_general(
            xg, ge, (((1,), (1,)), ((), ())),
            preferred_element_type=jnp.float32)
        u = jax.lax.dot_general(
            xg, ue, (((1,), (1,)), ((), ())),
            preferred_element_type=jnp.float32)
        h_ref[...] = (g * jax.nn.sigmoid(g) * u).astype(jnp.bfloat16)


def _dn_body(te_ref, tv_ref, h_ref, de_ref, y_ref):
    j = pl.program_id(0)

    @pl.when(tv_ref[j] > 0)
    def _():
        h = h_ref[...]
        de = de_ref[0].astype(jnp.bfloat16)
        y_ref[...] = jax.lax.dot_general(
            h, de, (((1,), (1,)), ((), ())),
            preferred_element_type=jnp.float32).astype(jnp.bfloat16)


def _combine_body(y1_ref, y2_ref, w1_ref, w2_ref, sh_ref, out_ref):
    y1 = y1_ref[...].astype(jnp.float32)
    y2 = y2_ref[...].astype(jnp.float32)
    out_ref[...] = y1 * w1_ref[...] + y2 * w2_ref[...] + sh_ref[...]


def _shared_body(xb_ref, wg_ref, wu_ref, wd_ref, wsg_ref, out_ref, sig_ref):
    s = pl.program_id(0)
    xb = xb_ref[...]

    @pl.when(s == 0)
    def _():
        xf = xb.astype(jnp.float32)
        logit = jnp.sum(xf * wsg_ref[...], axis=1, keepdims=True)
        sig_ref[...] = jax.nn.sigmoid(logit)

    wg = wg_ref[...].astype(jnp.bfloat16)
    wu = wu_ref[...].astype(jnp.bfloat16)
    wd = wd_ref[...].astype(jnp.bfloat16)
    g = jax.lax.dot_general(
        xb, wg, (((1,), (1,)), ((), ())), preferred_element_type=jnp.float32)
    u = jax.lax.dot_general(
        xb, wu, (((1,), (1,)), ((), ())), preferred_element_type=jnp.float32)
    h = (g * jax.nn.sigmoid(g) * u * sig_ref[...]).astype(jnp.bfloat16)
    for k in range(4):
        hk = h[k * _TCH:(k + 1) * _TCH, :]
        tmp = jax.lax.dot_general(
            hk, wd, (((1,), (1,)), ((), ())),
            preferred_element_type=jnp.float32)

        @pl.when(s == 0)
        def _():
            out_ref[k * _TCH:(k + 1) * _TCH, :] = tmp

        @pl.when(s > 0)
        def _():
            out_ref[k * _TCH:(k + 1) * _TCH, :] += tmp


def _expand_subrow_idx(idx, nsub):
    n = idx.shape[1]
    return (idx.reshape(n, 1) * nsub
            + jnp.arange(nsub, dtype=jnp.int32).reshape(1, nsub)
            ).reshape(1, n * nsub)


def _sc_scatter_rows(rows_src, idx, out_rows):
    n, d = rows_src.shape
    nsub = d // _SUB
    rs = rows_src.reshape(n * nsub, _SUB)
    idx8 = _expand_subrow_idx(idx, nsub)
    mesh = plsc.VectorSubcoreMesh(core_axis_name="core",
                                  subcore_axis_name="subcore")

    @functools.partial(
        pl.kernel,
        out_type=jax.ShapeDtypeStruct((out_rows * nsub, _SUB),
                                      rows_src.dtype),
        mesh=mesh)
    def k(x_hbm, i_hbm, o_hbm):
        def body(x_vmem, i_vmem):
            pltpu.sync_copy(x_vmem, o_hbm.at[i_vmem.at[0]])

        pltpu.emit_pipeline(
            body,
            grid=(n * nsub // _GW,),
            in_specs=[pl.BlockSpec((_GW, _SUB), lambda i: (i, 0)),
                      pl.BlockSpec((1, _GW), lambda i: (0, i))],
            out_specs=[],
            core_axis_name='subcore',
            dimension_semantics=(pltpu.PARALLEL,),
        )(x_hbm, i_hbm)

    return k(rs, idx8).reshape(out_rows, d)


def _sc_gather_rows(src, idx):
    n = idx.shape[1]
    r, d = src.shape
    nsub = d // _SUB
    srcs = src.reshape(r * nsub, _SUB)
    idx8 = _expand_subrow_idx(idx, nsub)
    mesh = plsc.VectorSubcoreMesh(core_axis_name="core",
                                  subcore_axis_name="subcore")

    @functools.partial(
        pl.kernel,
        out_type=jax.ShapeDtypeStruct((n * nsub, _SUB), src.dtype),
        mesh=mesh)
    def k(x_hbm, i_hbm, o_hbm):
        def body(i_vmem, o_vmem):
            pltpu.sync_copy(x_hbm.at[i_vmem.at[0]], o_vmem)

        pltpu.emit_pipeline(
            body,
            grid=(n * nsub // _GW,),
            in_specs=[pl.BlockSpec((1, _GW), lambda i: (0, i))],
            out_specs=[pl.BlockSpec((_GW, _SUB), lambda i: (i, 0))],
            core_axis_name='subcore',
            dimension_semantics=(pltpu.PARALLEL,),
        )(i_hbm, o_hbm)

    return k(srcs, idx8).reshape(n, d)


def kernel(hidden_states, gate_w, expert_gate_w, expert_up_w, expert_down_w,
           shared_gate_w, shared_up_w, shared_down_w, shared_expert_gate_w):
    b, seq, d = hidden_states.shape
    t = b * seq
    x = hidden_states.reshape(t, d)
    xb = x.astype(jnp.bfloat16)

    n_s = _SFF // _SCH
    shared_out = pl.pallas_call(
        _shared_body,
        grid=(n_s,),
        in_specs=[
            pl.BlockSpec((t, _D), lambda s: (0, 0)),
            pl.BlockSpec((_SCH, _D), lambda s: (s, 0)),
            pl.BlockSpec((_SCH, _D), lambda s: (s, 0)),
            pl.BlockSpec((_D, _SCH), lambda s: (0, s)),
            pl.BlockSpec((1, _D), lambda s: (0, 0)),
        ],
        out_specs=pl.BlockSpec((t, _D), lambda s: (0, 0)),
        out_shape=jax.ShapeDtypeStruct((t, _D), jnp.float32),
        scratch_shapes=[pltpu.VMEM((t, 1), jnp.float32)],
        compiler_params=pltpu.CompilerParams(
            vmem_limit_bytes=64 * 1024 * 1024),
    )(xb, shared_gate_w, shared_up_w, shared_down_w, shared_expert_gate_w)

    p1, p2, w1, w2, texp, tval = pl.pallas_call(
        _routing_body,
        out_shape=(
            jax.ShapeDtypeStruct((t, 1), jnp.int32),
            jax.ShapeDtypeStruct((t, 1), jnp.int32),
            jax.ShapeDtypeStruct((t, 1), jnp.float32),
            jax.ShapeDtypeStruct((t, 1), jnp.float32),
            jax.ShapeDtypeStruct((1, _MAXT), jnp.int32),
            jax.ShapeDtypeStruct((1, _MAXT), jnp.int32),
        ),
        compiler_params=pltpu.CompilerParams(
            vmem_limit_bytes=64 * 1024 * 1024),
    )(x, gate_w)

    pc = jnp.concatenate([p1.reshape(1, t), p2.reshape(1, t)], axis=1)
    xbi = jax.lax.bitcast_convert_type(
        xb.reshape(t, d // 2, 2), jnp.int32)
    x2 = jnp.concatenate([xbi, xbi], axis=0)
    xgi = _sc_scatter_rows(x2, pc, _MAXR)
    xg = jax.lax.bitcast_convert_type(
        xgi, jnp.bfloat16).reshape(_MAXR, d)

    gu_spec = pltpu.PrefetchScalarGridSpec(
        num_scalar_prefetch=2,
        grid=(_MAXT,),
        in_specs=[
            pl.BlockSpec((_TILE, _D), lambda j, te, tv: (j, 0)),
            pl.BlockSpec((1, _DFF, _D), lambda j, te, tv: (te[j], 0, 0)),
            pl.BlockSpec((1, _DFF, _D), lambda j, te, tv: (te[j], 0, 0)),
        ],
        out_specs=pl.BlockSpec((_TILE, _DFF), lambda j, te, tv: (j, 0)),
    )
    h = pl.pallas_call(
        _gu_body,
        grid_spec=gu_spec,
        out_shape=jax.ShapeDtypeStruct((_MAXR, _DFF), jnp.bfloat16),
        compiler_params=pltpu.CompilerParams(
            vmem_limit_bytes=64 * 1024 * 1024),
    )(texp.reshape(_MAXT), tval.reshape(_MAXT), xg,
      expert_gate_w, expert_up_w)

    dn_spec = pltpu.PrefetchScalarGridSpec(
        num_scalar_prefetch=2,
        grid=(_MAXT,),
        in_specs=[
            pl.BlockSpec((_TILE, _DFF), lambda j, te, tv: (j, 0)),
            pl.BlockSpec((1, _D, _DFF), lambda j, te, tv: (te[j], 0, 0)),
        ],
        out_specs=pl.BlockSpec((_TILE, _D), lambda j, te, tv: (j, 0)),
    )
    y = pl.pallas_call(
        _dn_body,
        grid_spec=dn_spec,
        out_shape=jax.ShapeDtypeStruct((_MAXR, _D), jnp.bfloat16),
        compiler_params=pltpu.CompilerParams(
            vmem_limit_bytes=64 * 1024 * 1024),
    )(texp.reshape(_MAXT), tval.reshape(_MAXT), h, expert_down_w)

    yi = jax.lax.bitcast_convert_type(
        y.reshape(_MAXR, _D // 2, 2), jnp.int32)
    ygi = _sc_gather_rows(yi, pc)
    yg = jax.lax.bitcast_convert_type(
        ygi, jnp.bfloat16).reshape(2 * t, d)

    nco = 4
    out = pl.pallas_call(
        _combine_body,
        grid=(nco,),
        in_specs=[
            pl.BlockSpec((t // nco, _D), lambda i: (i, 0)),
            pl.BlockSpec((t // nco, _D), lambda i: (i + nco, 0)),
            pl.BlockSpec((t // nco, 1), lambda i: (i, 0)),
            pl.BlockSpec((t // nco, 1), lambda i: (i, 0)),
            pl.BlockSpec((t // nco, _D), lambda i: (i, 0)),
        ],
        out_specs=pl.BlockSpec((t // nco, _D), lambda i: (i, 0)),
        out_shape=jax.ShapeDtypeStruct((t, _D), jnp.float32),
    )(yg, yg, w1, w2, shared_out)

    return out.reshape(b, seq, d)

# --- scband reference (transcript-rebuilt; emitter-appended) ---
"""Pipeline reference for scband-qwen2-moe-sparse-moe-block-75960791597568 (READ-ONLY COPY).

The authoritative reference and input builder live on the scoring server;
editing this copy changes nothing except your own understanding.
"""

import jax, jax.numpy as jnp
import numpy as np

E = 8
TOP_K = 2
NORM_TOPK_PROB = True
D = 2048
DFF = 1408
SFF = 5632
B = 1
S = 2048


def setup_inputs(seed: int = 0) -> dict:
    key = jax.random.key(seed)
    ks = jax.random.split(key, 9)
    inp = {}
    inp["hidden_states"] = jax.random.normal(ks[0], (B, S, D), dtype=jnp.float32)
    # learned parameters (nn.Linear weights, torch layout [out, in])
    inp["gate_w"] = jax.random.normal(ks[1], (E, D), dtype=jnp.float32) * 0.02
    inp["expert_gate_w"] = jax.random.normal(ks[2], (E, DFF, D), dtype=jnp.float32) * 0.02
    inp["expert_up_w"] = jax.random.normal(ks[3], (E, DFF, D), dtype=jnp.float32) * 0.02
    inp["expert_down_w"] = jax.random.normal(ks[4], (E, D, DFF), dtype=jnp.float32) * 0.02
    inp["shared_gate_w"] = jax.random.normal(ks[5], (SFF, D), dtype=jnp.float32) * 0.02
    inp["shared_up_w"] = jax.random.normal(ks[6], (SFF, D), dtype=jnp.float32) * 0.02
    inp["shared_down_w"] = jax.random.normal(ks[7], (D, SFF), dtype=jnp.float32) * 0.02
    inp["shared_expert_gate_w"] = jax.random.normal(ks[8], (1, D), dtype=jnp.float32) * 0.02
    return inp


def reference(hidden_states, gate_w, expert_gate_w, expert_up_w, expert_down_w,
              shared_gate_w, shared_up_w, shared_down_w, shared_expert_gate_w):
    b, s, d = hidden_states.shape
    x = hidden_states.reshape(-1, d)  # [T, D]

    # router
    router_logits = x @ gate_w.T  # [T, E]
    routing_weights = jax.nn.softmax(router_logits, axis=-1)
    topk_w, topk_idx = jax.lax.top_k(routing_weights, TOP_K)  # [T, K]
    if NORM_TOPK_PROB:
        topk_w = topk_w / jnp.sum(topk_w, axis=-1, keepdims=True)

    # per-token per-expert combine weight (0 for non-selected experts)
    one_hot = jax.nn.one_hot(topk_idx, E, dtype=x.dtype)  # [T, K, E]
    expert_weights = jnp.einsum("tk,tke->te", topk_w, one_hot)  # [T, E]

    # fused MoE GLU (computed densely across all experts, masked combine --
    # mathematically identical to custom_moe_glu top-k dispatch)
    gate_h = jnp.einsum("td,efd->tef", x, expert_gate_w)  # [T, E, DFF]
    up_h = jnp.einsum("td,efd->tef", x, expert_up_w)
    h = jax.nn.silu(gate_h) * up_h
    out_e = jnp.einsum("tef,edf->ted", h, expert_down_w)  # [T, E, D]
    moe_out = jnp.einsum("te,ted->td", expert_weights, out_e)  # [T, D]

    # shared expert with sigmoid gate
    shared = (jax.nn.silu(x @ shared_gate_w.T) * (x @ shared_up_w.T)) @ shared_down_w.T
    shared = jax.nn.sigmoid(x @ shared_expert_gate_w.T) * shared

    out = moe_out + shared
    return out.reshape(b, s, d)

if __name__ == "__main__":
    import jax
    _d = setup_inputs()
    print(jax.jit(kernel)(*tuple(_d.values())))

</pallas_src>

<mosaic_0001>
#map = affine_map<(d0, d1) -> (0, 0)>
module attributes {stable_mosaic.version = 14 : i64} {
  func.func @k(%arg0: i32, %arg1: i32, %arg2: memref<16384x256xi32, #tpu.memory_space<hbm>>, %arg3: memref<1x16384xi32, #tpu.memory_space<hbm>>, %arg4: memref<32768x256xi32, #tpu.memory_space<hbm>>) attributes {dimension_semantics = [#tpu.dimension_semantics<core_parallel>, #tpu.dimension_semantics<subcore_parallel>], iteration_bounds = array<i64: 2, 16>, scalar_prefetch = 0 : i64, scratch_operands = 0 : i64, tpu.core_type = #tpu.core_type<sc_vector_subcore>, window_params = [{transform_indices = #map}, {transform_indices = #map}, {transform_indices = #map}]} {
    %mul3A = arith.constant 8 : i32
    %mul3A_0 = arith.muli %arg1, %mul3A : i32
    "tpu.region"() ({
      %run_scoped3A = memref.alloca() : memref<2x128x256xi32, #tpu.memory_space<vmem>>
      %run_scoped3A_1 = tpu.sem_alloc : memref<2x!tpu.dma_semaphore, #tpu.memory_space<semaphore_mem>>
      %run_scoped3A_2 = memref.alloca() : memref<2x1x128xi32, #tpu.memory_space<vmem>>
      %run_scoped3A_3 = tpu.sem_alloc : memref<2x!tpu.dma_semaphore, #tpu.memory_space<semaphore_mem>>
      %add3A = arith.constant 0 : i32
      %add3A_4 = arith.addi %add3A, %mul3A_0 : i32
      %select_n3A = arith.constant true
      %select_n3A_5 = arith.constant 0 : i32
      %select_n3A_6 = arith.constant -1 : i32
      %select_n3A_7 = arith.select %select_n3A, %select_n3A_6, %select_n3A_5 : i32
      %eq3A = arith.constant -1 : i32
      %eq3A_8 = arith.cmpi eq, %select_n3A_7, %eq3A : i32
      %select_n3A_9 = arith.constant 7 : i32
      %select_n3A_10 = arith.select %eq3A_8, %select_n3A_9, %select_n3A_7 : i32
      %add3A_11 = arith.addi %select_n3A_10, %mul3A_0 : i32
      %select_n3A_12 = arith.constant true
      %select_n3A_13 = arith.constant 0 : i32
      %select_n3A_14 = arith.constant 1 : i32
      %select_n3A_15 = arith.select %select_n3A_12, %select_n3A_14, %select_n3A_13 : i32
      %eq3A_16 = arith.constant 8 : i32
      %eq3A_17 = arith.cmpi eq, %select_n3A_15, %eq3A_16 : i32
      %select_n3A_18 = arith.constant 0 : i32
      %select_n3A_19 = arith.select %eq3A_17, %select_n3A_18, %select_n3A_15 : i32
      %add3A_20 = arith.addi %select_n3A_19, %mul3A_0 : i32
      %add3A_21 = arith.constant 1 : i32
      %add3A_22 = arith.addi %select_n3A_19, %add3A_21 : i32
      %select_n3A_23 = arith.constant true
      %select_n3A_24 = arith.select %select_n3A_23, %add3A_22, %select_n3A_19 : i32
      %eq3A_25 = arith.constant 8 : i32
      %eq3A_26 = arith.cmpi eq, %select_n3A_24, %eq3A_25 : i32
      %select_n3A_27 = arith.constant 0 : i32
      %select_n3A_28 = arith.select %eq3A_26, %select_n3A_27, %select_n3A_24 : i32
      %add3A_29 = arith.addi %select_n3A_28, %mul3A_0 : i32
      "tpu.trace_start"() <{level = 10 : i32, message = "ep_initialize_0"}> : () -> ()
      %rem3A = arith.constant 0 : i32
      %rem3A_30 = arith.constant 2 : i32
      %rem3A_31 = arith.remui %rem3A, %rem3A_30 : i32
      %mul3A_32 = arith.constant 128 : i32
      %mul3A_33 = arith.muli %mul3A_32, %add3A_4 : i32
      %dma_start3A = arith.constant 0 : i32
      %dma_start3A_34 = arith.constant 0 : i32
      %dma_start3A_35 = tpu.memref_slice %run_scoped3A[%rem3A_31, %dma_start3A, %dma_start3A_34] : memref<2x128x256xi32, #tpu.memory_space<vmem>> -> memref<1x128x256xi32, #tpu.memory_space<vmem>>
      %dma_start3A_36 = tpu.memref_squeeze %dma_start3A_35 : memref<1x128x256xi32, #tpu.memory_space<vmem>> -> memref<128x256xi32, #tpu.memory_space<vmem>>
      %dma_start3A_37 = arith.constant 0 : i32
      %dma_start3A_38 = tpu.memref_slice %arg2[%mul3A_33, %dma_start3A_37] : memref<16384x256xi32, #tpu.memory_space<hbm>> -> memref<128x256xi32, #tpu.memory_space<hbm>>
      %dma_start3A_39 = tpu.memref_slice %run_scoped3A_1[%rem3A_31] : memref<2x!tpu.dma_semaphore, #tpu.memory_space<semaphore_mem>> -> memref<1x!tpu.dma_semaphore, #tpu.memory_space<semaphore_mem>>
      %dma_start3A_40 = tpu.memref_squeeze %dma_start3A_39 : memref<1x!tpu.dma_semaphore, #tpu.memory_space<semaphore_mem>> -> memref<!tpu.dma_semaphore, #tpu.memory_space<semaphore_mem>>
      %dma_start3A_41 = arith.constant 0 : i32
      %dma_start3A_42 = arith.constant 0 : i32
      %dma_start3A_43 = tpu.memref_slice %run_scoped3A[%rem3A_31, %dma_start3A_41, %dma_start3A_42] : memref<2x128x256xi32, #tpu.memory_space<vmem>> -> memref<1x128x256xi32, #tpu.memory_space<vmem>>
      %dma_start3A_44 = tpu.memref_squeeze %dma_start3A_43 : memref<1x128x256xi32, #tpu.memory_space<vmem>> -> memref<128x256xi32, #tpu.memory_space<vmem>>
      %dma_start3A_45 = arith.constant 0 : i32
      %dma_start3A_46 = tpu.memref_slice %arg2[%mul3A_33, %dma_start3A_45] : memref<16384x256xi32, #tpu.memory_space<hbm>> -> memref<128x256xi32, #tpu.memory_space<hbm>>
      tpu.enqueue_dma source(%dma_start3A_46 : memref<128x256xi32, #tpu.memory_space<hbm>>) target(%dma_start3A_44 : memref<128x256xi32, #tpu.memory_space<vmem>>) target_semaphore(%dma_start3A_40 : memref<!tpu.dma_semaphore, #tpu.memory_space<semaphore_mem>>)
      %add3A_47 = arith.constant 0 : i32
      %add3A_48 = arith.constant 1 : i32
      %add3A_49 = arith.addi %add3A_47, %add3A_48 : i32
      %select_n3A_50 = arith.constant true
      %select_n3A_51 = arith.constant 0 : i32
      %select_n3A_52 = arith.select %select_n3A_50, %add3A_49, %select_n3A_51 : i32
      %rem3A_53 = arith.constant 0 : i32
      %rem3A_54 = arith.constant 2 : i32
      %rem3A_55 = arith.remui %rem3A_53, %rem3A_54 : i32
      %mul3A_56 = arith.constant 128 : i32
      %mul3A_57 = arith.muli %mul3A_56, %add3A_4 : i32
      %dma_start3A_58 = arith.constant 0 : i32
      %dma_start3A_59 = arith.constant 0 : i32
      %dma_start3A_60 = tpu.memref_slice %run_scoped3A_2[%rem3A_55, %dma_start3A_58, %dma_start3A_59] : memref<2x1x128xi32, #tpu.memory_space<vmem>> -> memref<1x1x128xi32, #tpu.memory_space<vmem>>
      %dma_start3A_61 = tpu.memref_squeeze %dma_start3A_60 : memref<1x1x128xi32, #tpu.memory_space<vmem>> -> memref<1x128xi32, #tpu.memory_space<vmem>>
      %dma_start3A_62 = arith.constant 0 : i32
      %dma_start3A_63 = tpu.memref_slice %arg3[%dma_start3A_62, %mul3A_57] : memref<1x16384xi32, #tpu.memory_space<hbm>> -> memref<1x128xi32, #tpu.memory_space<hbm>>
      %dma_start3A_64 = tpu.memref_slice %run_scoped3A_3[%rem3A_55] : memref<2x!tpu.dma_semaphore, #tpu.memory_space<semaphore_mem>> -> memref<1x!tpu.dma_semaphore, #tpu.memory_space<semaphore_mem>>
      %dma_start3A_65 = tpu.memref_squeeze %dma_start3A_64 : memref<1x!tpu.dma_semaphore, #tpu.memory_space<semaphore_mem>> -> memref<!tpu.dma_semaphore, #tpu.memory_space<semaphore_mem>>
      %dma_start3A_66 = arith.constant 0 : i32
      %dma_start3A_67 = arith.constant 0 : i32
      %dma_start3A_68 = tpu.memref_slice %run_scoped3A_2[%rem3A_55, %dma_start3A_66, %dma_start3A_67] : memref<2x1x128xi32, #tpu.memory_space<vmem>> -> memref<1x1x128xi32, #tpu.memory_space<vmem>>
      %dma_start3A_69 = tpu.memref_squeeze %dma_start3A_68 : memref<1x1x128xi32, #tpu.memory_space<vmem>> -> memref<1x128xi32, #tpu.memory_space<vmem>>
      %dma_start3A_70 = arith.constant 0 : i32
      %dma_start3A_71 = tpu.memref_slice %arg3[%dma_start3A_70, %mul3A_57] : memref<1x16384xi32, #tpu.memory_space<hbm>> -> memref<1x128xi32, #tpu.memory_space<hbm>>
      tpu.enqueue_dma source(%dma_start3A_71 : memref<1x128xi32, #tpu.memory_space<hbm>>) target(%dma_start3A_69 : memref<1x128xi32, #tpu.memory_space<vmem>>) target_semaphore(%dma_start3A_65 : memref<!tpu.dma_semaphore, #tpu.memory_space<semaphore_mem>>)
      %add3A_72 = arith.constant 0 : i32
      %add3A_73 = arith.constant 1 : i32
      %add3A_74 = arith.addi %add3A_72, %add3A_73 : i32
      %select_n3A_75 = arith.constant true
      %select_n3A_76 = arith.constant 0 : i32
      %select_n3A_77 = arith.select %select_n3A_75, %add3A_74, %select_n3A_76 : i32
      "tpu.trace_stop"() : () -> ()
      %scan3A = arith.constant 0 : i32
      %scan3A_78 = arith.constant 0 : i32
      %scan3A_79 = arith.constant 0 : i32
      %scan3A_80 = arith.constant 0 : i32
      %scan3A_81 = arith.constant 8 : i32
      %scan3A_82 = arith.addi %scan3A_80, %scan3A_81 : i32
      %scan3A_83 = arith.constant 1 : i32
      %scan3A_84:5 = scf.for %scan3A_121 = %scan3A_80 to %scan3A_82 step %scan3A_83 iter_args(%scan3A_122 = %select_n3A_52, %scan3A_123 = %scan3A, %scan3A_124 = %select_n3A_77, %scan3A_125 = %scan3A_78, %scan3A_126 = %scan3A_79) -> (i32, i32, i32, i32, i32)  : i32 {
        %eq3A_127 = arith.constant 0 : i32
        %eq3A_128 = arith.cmpi eq, %scan3A_121, %eq3A_127 : i32
        %eq3A_129 = arith.constant 7 : i32
        %eq3A_130 = arith.cmpi eq, %scan3A_121, %eq3A_129 : i32
        %add3A_131 = arith.addi %scan3A_126, %mul3A_0 : i32
        %sub3A_132 = arith.constant 1 : i32
        %sub3A_133 = arith.subi %scan3A_126, %sub3A_132 : i32
        %select_n3A_134 = arith.constant true
        %select_n3A_135 = arith.select %select_n3A_134, %sub3A_133, %scan3A_126 : i32
        %eq3A_136 = arith.constant -1 : i32
        %eq3A_137 = arith.cmpi eq, %select_n3A_135, %eq3A_136 : i32
        %select_n3A_138 = arith.constant 7 : i32
        %select_n3A_139 = arith.select %eq3A_137, %select_n3A_138, %select_n3A_135 : i32
        %add3A_140 = arith.addi %select_n3A_139, %mul3A_0 : i32
        %add3A_141 = arith.constant 1 : i32
        %add3A_142 = arith.addi %scan3A_126, %add3A_141 : i32
        %select_n3A_143 = arith.constant true
        %select_n3A_144 = arith.select %select_n3A_143, %add3A_142, %scan3A_126 : i32
        %eq3A_145 = arith.constant 8 : i32
        %eq3A_146 = arith.cmpi eq, %select_n3A_144, %eq3A_145 : i32
        %select_n3A_147 = arith.constant 0 : i32
        %select_n3A_148 = arith.select %eq3A_146, %select_n3A_147, %select_n3A_144 : i32
        %add3A_149 = arith.addi %select_n3A_148, %mul3A_0 : i32
        %add3A_150 = arith.constant 1 : i32
        %add3A_151 = arith.addi %select_n3A_148, %add3A_150 : i32
        %select_n3A_152 = arith.constant true
        %select_n3A_153 = arith.select %select_n3A_152, %add3A_151, %select_n3A_148 : i32
        %eq3A_154 = arith.constant 8 : i32
        %eq3A_155 = arith.cmpi eq, %select_n3A_153, %eq3A_154 : i32
        %select_n3A_156 = arith.constant 0 : i32
        %select_n3A_157 = arith.select %eq3A_155, %select_n3A_156, %select_n3A_153 : i32
        %add3A_158 = arith.addi %select_n3A_157, %mul3A_0 : i32
        %ne3A = arith.cmpi ne, %add3A_131, %add3A_149 : i32
        %or3A = arith.constant false
        %or3A_159 = arith.ori %or3A, %ne3A : i1
        %or3A_160 = arith.constant false
        %or3A_161 = arith.ori %or3A_159, %or3A_160 : i1
        %ge3A = arith.constant 7 : i32
        %ge3A_162 = arith.cmpi sge, %scan3A_121, %ge3A : i32
        %not3A = arith.constant true
        %not3A_163 = arith.xori %ge3A_162, %not3A : i1
        %and3A = arith.andi %or3A_161, %not3A_163 : i1
        %convert_element_type3A = arith.extui %and3A : i1 to i32
        %cond3A = arith.constant 0 : i32
        %cond3A_164 = arith.cmpi ne, %convert_element_type3A, %cond3A : i32
        scf.if %cond3A_164 {
          "tpu.trace_start"() <{level = 10 : i32, message = "ep_copy_in"}> : () -> ()
          %rem3A_275 = arith.constant 2 : i32
          %rem3A_276 = arith.remui %scan3A_122, %rem3A_275 : i32
          %mul3A_277 = arith.constant 128 : i32
          %mul3A_278 = arith.muli %mul3A_277, %add3A_149 : i32
          %dma_start3A_279 = arith.constant 0 : i32
          %dma_start3A_280 = arith.constant 0 : i32
          %dma_start3A_281 = tpu.memref_slice %run_scoped3A[%rem3A_276, %dma_start3A_279, %dma_start3A_280] : memref<2x128x256xi32, #tpu.memory_space<vmem>> -> memref<1x128x256xi32, #tpu.memory_space<vmem>>
          %dma_start3A_282 = tpu.memref_squeeze %dma_start3A_281 : memref<1x128x256xi32, #tpu.memory_space<vmem>> -> memref<128x256xi32, #tpu.memory_space<vmem>>
          %dma_start3A_283 = arith.constant 0 : i32
          %dma_start3A_284 = tpu.memref_slice %arg2[%mul3A_278, %dma_start3A_283] : memref<16384x256xi32, #tpu.memory_space<hbm>> -> memref<128x256xi32, #tpu.memory_space<hbm>>
          %dma_start3A_285 = tpu.memref_slice %run_scoped3A_1[%rem3A_276] : memref<2x!tpu.dma_semaphore, #tpu.memory_space<semaphore_mem>> -> memref<1x!tpu.dma_semaphore, #tpu.memory_space<semaphore_mem>>
          %dma_start3A_286 = tpu.memref_squeeze %dma_start3A_285 : memref<1x!tpu.dma_semaphore, #tpu.memory_space<semaphore_mem>> -> memref<!tpu.dma_semaphore, #tpu.memory_space<semaphore_mem>>
          %dma_start3A_287 = arith.constant 0 : i32
          %dma_start3A_288 = arith.constant 0 : i32
          %dma_start3A_289 = tpu.memref_slice %run_scoped3A[%rem3A_276, %dma_start3A_287, %dma_start3A_288] : memref<2x128x256xi32, #tpu.memory_space<vmem>> -> memref<1x128x256xi32, #tpu.memory_space<vmem>>
          %dma_start3A_290 = tpu.memref_squeeze %dma_start3A_289 : memref<1x128x256xi32, #tpu.memory_space<vmem>> -> memref<128x256xi32, #tpu.memory_space<vmem>>
          %dma_start3A_291 = arith.constant 0 : i32
          %dma_start3A_292 = tpu.memref_slice %arg2[%mul3A_278, %dma_start3A_291] : memref<16384x256xi32, #tpu.memory_space<hbm>> -> memref<128x256xi32, #tpu.memory_space<hbm>>
          tpu.enqueue_dma source(%dma_start3A_292 : memref<128x256xi32, #tpu.memory_space<hbm>>) target(%dma_start3A_290 : memref<128x256xi32, #tpu.memory_space<vmem>>) target_semaphore(%dma_start3A_286 : memref<!tpu.dma_semaphore, #tpu.memory_space<semaphore_mem>>)
          "tpu.trace_stop"() : () -> ()
        } else {
        }
        %and3A_165 = arith.constant true
        %and3A_166 = arith.andi %and3A, %and3A_165 : i1
        %add3A_167 = arith.constant 1 : i32
        %add3A_168 = arith.addi %scan3A_122, %add3A_167 : i32
        %select_n3A_169 = arith.select %and3A_166, %add3A_168, %scan3A_122 : i32
        %ne3A_170 = arith.cmpi ne, %add3A_131, %add3A_149 : i32
        %or3A_171 = arith.constant false
        %or3A_172 = arith.ori %or3A_171, %ne3A_170 : i1
        %ge3A_173 = arith.constant 7 : i32
        %ge3A_174 = arith.cmpi sge, %scan3A_121, %ge3A_173 : i32
        %not3A_175 = arith.constant true
        %not3A_176 = arith.xori %ge3A_174, %not3A_175 : i1
        %and3A_177 = arith.andi %or3A_172, %not3A_176 : i1
        %convert_element_type3A_178 = arith.extui %and3A_177 : i1 to i32
        %cond3A_179 = arith.constant 0 : i32
        %cond3A_180 = arith.cmpi ne, %convert_element_type3A_178, %cond3A_179 : i32
        scf.if %cond3A_180 {
          "tpu.trace_start"() <{level = 10 : i32, message = "ep_copy_in"}> : () -> ()
          %rem3A_275 = arith.constant 2 : i32
          %rem3A_276 = arith.remui %scan3A_124, %rem3A_275 : i32
          %mul3A_277 = arith.constant 128 : i32
          %mul3A_278 = arith.muli %mul3A_277, %add3A_149 : i32
          %dma_start3A_279 = arith.constant 0 : i32
          %dma_start3A_280 = arith.constant 0 : i32
          %dma_start3A_281 = tpu.memref_slice %run_scoped3A_2[%rem3A_276, %dma_start3A_279, %dma_start3A_280] : memref<2x1x128xi32, #tpu.memory_space<vmem>> -> memref<1x1x128xi32, #tpu.memory_space<vmem>>
          %dma_start3A_282 = tpu.memref_squeeze %dma_start3A_281 : memref<1x1x128xi32, #tpu.memory_space<vmem>> -> memref<1x128xi32, #tpu.memory_space<vmem>>
          %dma_start3A_283 = arith.constant 0 : i32
          %dma_start3A_284 = tpu.memref_slice %arg3[%dma_start3A_283, %mul3A_278] : memref<1x16384xi32, #tpu.memory_space<hbm>> -> memref<1x128xi32, #tpu.memory_space<hbm>>
          %dma_start3A_285 = tpu.memref_slice %run_scoped3A_3[%rem3A_276] : memref<2x!tpu.dma_semaphore, #tpu.memory_space<semaphore_mem>> -> memref<1x!tpu.dma_semaphore, #tpu.memory_space<semaphore_mem>>
          %dma_start3A_286 = tpu.memref_squeeze %dma_start3A_285 : memref<1x!tpu.dma_semaphore, #tpu.memory_space<semaphore_mem>> -> memref<!tpu.dma_semaphore, #tpu.memory_space<semaphore_mem>>
          %dma_start3A_287 = arith.constant 0 : i32
          %dma_start3A_288 = arith.constant 0 : i32
          %dma_start3A_289 = tpu.memref_slice %run_scoped3A_2[%rem3A_276, %dma_start3A_287, %dma_start3A_288] : memref<2x1x128xi32, #tpu.memory_space<vmem>> -> memref<1x1x128xi32, #tpu.memory_space<vmem>>
          %dma_start3A_290 = tpu.memref_squeeze %dma_start3A_289 : memref<1x1x128xi32, #tpu.memory_space<vmem>> -> memref<1x128xi32, #tpu.memory_space<vmem>>
          %dma_start3A_291 = arith.constant 0 : i32
          %dma_start3A_292 = tpu.memref_slice %arg3[%dma_start3A_291, %mul3A_278] : memref<1x16384xi32, #tpu.memory_space<hbm>> -> memref<1x128xi32, #tpu.memory_space<hbm>>
          tpu.enqueue_dma source(%dma_start3A_292 : memref<1x128xi32, #tpu.memory_space<hbm>>) target(%dma_start3A_290 : memref<1x128xi32, #tpu.memory_space<vmem>>) target_semaphore(%dma_start3A_286 : memref<!tpu.dma_semaphore, #tpu.memory_space<semaphore_mem>>)
          "tpu.trace_stop"() : () -> ()
        } else {
        }
        %and3A_181 = arith.constant true
        %and3A_182 = arith.andi %and3A_177, %and3A_181 : i1
        %add3A_183 = arith.constant 1 : i32
        %add3A_184 = arith.addi %scan3A_124, %add3A_183 : i32
        %select_n3A_185 = arith.select %and3A_182, %add3A_184, %scan3A_124 : i32
        %ne3A_186 = arith.cmpi ne, %add3A_131, %add3A_140 : i32
        %or3A_187 = arith.constant false
        %or3A_188 = arith.ori %or3A_187, %ne3A_186 : i1
        %or3A_189 = arith.constant false
        %or3A_190 = arith.ori %or3A_188, %or3A_189 : i1
        %or3A_191 = arith.ori %or3A_190, %eq3A_128 : i1
        %convert_element_type3A_192 = arith.extui %or3A_191 : i1 to i32
        %cond3A_193 = arith.constant 0 : i32
        %cond3A_194 = arith.cmpi ne, %convert_element_type3A_192, %cond3A_193 : i32
        scf.if %cond3A_194 {
          "tpu.trace_start"() <{level = 10 : i32, message = "ep_wait_in"}> : () -> ()
          %mul3A_275 = arith.constant 128 : i32
          %mul3A_276 = arith.muli %mul3A_275, %add3A_131 : i32
          %rem3A_277 = arith.constant 2 : i32
          %rem3A_278 = arith.remui %scan3A_123, %rem3A_277 : i32
          %dma_wait3A = arith.constant 0 : i32
          %dma_wait3A_279 = arith.constant 0 : i32
          %dma_wait3A_280 = tpu.memref_slice %run_scoped3A[%rem3A_278, %dma_wait3A, %dma_wait3A_279] : memref<2x128x256xi32, #tpu.memory_space<vmem>> -> memref<1x128x256xi32, #tpu.memory_space<vmem>>
          %dma_wait3A_281 = tpu.memref_squeeze %dma_wait3A_280 : memref<1x128x256xi32, #tpu.memory_space<vmem>> -> memref<128x256xi32, #tpu.memory_space<vmem>>
          %dma_wait3A_282 = arith.constant 0 : i32
          %dma_wait3A_283 = tpu.memref_slice %arg2[%mul3A_276, %dma_wait3A_282] : memref<16384x256xi32, #tpu.memory_space<hbm>> -> memref<128x256xi32, #tpu.memory_space<hbm>>
          %dma_wait3A_284 = tpu.memref_slice %run_scoped3A_1[%rem3A_278] : memref<2x!tpu.dma_semaphore, #tpu.memory_space<semaphore_mem>> -> memref<1x!tpu.dma_semaphore, #tpu.memory_space<semaphore_mem>>
          %dma_wait3A_285 = tpu.memref_squeeze %dma_wait3A_284 : memref<1x!tpu.dma_semaphore, #tpu.memory_space<semaphore_mem>> -> memref<!tpu.dma_semaphore, #tpu.memory_space<semaphore_mem>>
          %dma_wait3A_286 = arith.constant 0 : i32
          %dma_wait3A_287 = arith.constant 0 : i32
          %dma_wait3A_288 = tpu.memref_slice %run_scoped3A[%rem3A_278, %dma_wait3A_286, %dma_wait3A_287] : memref<2x128x256xi32, #tpu.memory_space<vmem>> -> memref<1x128x256xi32, #tpu.memory_space<vmem>>
          %dma_wait3A_289 = tpu.memref_squeeze %dma_wait3A_288 : memref<1x128x256xi32, #tpu.memory_space<vmem>> -> memref<128x256xi32, #tpu.memory_space<vmem>>
          %dma_wait3A_290 = arith.constant 0 : i32
          %dma_wait3A_291 = tpu.memref_slice %arg2[%mul3A_276, %dma_wait3A_290] : memref<16384x256xi32, #tpu.memory_space<hbm>> -> memref<128x256xi32, #tpu.memory_space<hbm>>
          tpu.wait_dma2 semaphore(%dma_wait3A_285 : memref<!tpu.dma_semaphore, #tpu.memory_space<semaphore_mem>>) src(%dma_wait3A_291 : memref<128x256xi32, #tpu.memory_space<hbm>>) dst(%dma_wait3A_289 : memref<128x256xi32, #tpu.memory_space<vmem>>)
          "tpu.trace_stop"() : () -> ()
        } else {
        }
        %ne3A_195 = arith.cmpi ne, %add3A_131, %add3A_140 : i32
        %or3A_196 = arith.constant false
        %or3A_197 = arith.ori %or3A_196, %ne3A_195 : i1
        %or3A_198 = arith.ori %or3A_197, %eq3A_128 : i1
        %convert_element_type3A_199 = arith.extui %or3A_198 : i1 to i32
        %cond3A_200 = arith.constant 0 : i32
        %cond3A_201 = arith.cmpi ne, %convert_element_type3A_199, %cond3A_200 : i32
        scf.if %cond3A_201 {
          "tpu.trace_start"() <{level = 10 : i32, message = "ep_wait_in"}> : () -> ()
          %mul3A_275 = arith.constant 128 : i32
          %mul3A_276 = arith.muli %mul3A_275, %add3A_131 : i32
          %rem3A_277 = arith.constant 2 : i32
          %rem3A_278 = arith.remui %scan3A_125, %rem3A_277 : i32
          %dma_wait3A = arith.constant 0 : i32
          %dma_wait3A_279 = arith.constant 0 : i32
          %dma_wait3A_280 = tpu.memref_slice %run_scoped3A_2[%rem3A_278, %dma_wait3A, %dma_wait3A_279] : memref<2x1x128xi32, #tpu.memory_space<vmem>> -> memref<1x1x128xi32, #tpu.memory_space<vmem>>
          %dma_wait3A_281 = tpu.memref_squeeze %dma_wait3A_280 : memref<1x1x128xi32, #tpu.memory_space<vmem>> -> memref<1x128xi32, #tpu.memory_space<vmem>>
          %dma_wait3A_282 = arith.constant 0 : i32
          %dma_wait3A_283 = tpu.memref_slice %arg3[%dma_wait3A_282, %mul3A_276] : memref<1x16384xi32, #tpu.memory_space<hbm>> -> memref<1x128xi32, #tpu.memory_space<hbm>>
          %dma_wait3A_284 = tpu.memref_slice %run_scoped3A_3[%rem3A_278] : memref<2x!tpu.dma_semaphore, #tpu.memory_space<semaphore_mem>> -> memref<1x!tpu.dma_semaphore, #tpu.memory_space<semaphore_mem>>
          %dma_wait3A_285 = tpu.memref_squeeze %dma_wait3A_284 : memref<1x!tpu.dma_semaphore, #tpu.memory_space<semaphore_mem>> -> memref<!tpu.dma_semaphore, #tpu.memory_space<semaphore_mem>>
          %dma_wait3A_286 = arith.constant 0 : i32
          %dma_wait3A_287 = arith.constant 0 : i32
          %dma_wait3A_288 = tpu.memref_slice %run_scoped3A_2[%rem3A_278, %dma_wait3A_286, %dma_wait3A_287] : memref<2x1x128xi32, #tpu.memory_space<vmem>> -> memref<1x1x128xi32, #tpu.memory_space<vmem>>
          %dma_wait3A_289 = tpu.memref_squeeze %dma_wait3A_288 : memref<1x1x128xi32, #tpu.memory_space<vmem>> -> memref<1x128xi32, #tpu.memory_space<vmem>>
          %dma_wait3A_290 = arith.constant 0 : i32
          %dma_wait3A_291 = tpu.memref_slice %arg3[%dma_wait3A_290, %mul3A_276] : memref<1x16384xi32, #tpu.memory_space<hbm>> -> memref<1x128xi32, #tpu.memory_space<hbm>>
          tpu.wait_dma2 semaphore(%dma_wait3A_285 : memref<!tpu.dma_semaphore, #tpu.memory_space<semaphore_mem>>) src(%dma_wait3A_291 : memref<1x128xi32, #tpu.memory_space<hbm>>) dst(%dma_wait3A_289 : memref<1x128xi32, #tpu.memory_space<vmem>>)
          "tpu.trace_stop"() : () -> ()
        } else {
        }
        %rem3A_202 = arith.constant 2 : i32
        %rem3A_203 = arith.remui %scan3A_123, %rem3A_202 : i32
        %rem3A_204 = arith.constant 2 : i32
        %rem3A_205 = arith.remui %scan3A_125, %rem3A_204 : i32
        %run_scoped3A_206 = arith.constant 0 : i32
        "tpu.trace_start"() <{level = 10 : i32, message = "ep_run_kernel"}> : () -> ()
        "tpu.region"() ({
          %run_scoped3A_275 = tpu.sem_alloc : memref<!tpu.dma_semaphore, #tpu.memory_space<semaphore_mem>>
          %dma_start3A_276 = arith.constant 0 : i32
          %dma_start3A_277 = arith.constant 0 : i32
          %dma_start3A_278 = tpu.memref_slice %run_scoped3A[%rem3A_203, %dma_start3A_276, %dma_start3A_277] : memref<2x128x256xi32, #tpu.memory_space<vmem>> -> memref<1x128x256xi32, #tpu.memory_space<vmem>>
          %dma_start3A_279 = tpu.memref_squeeze %dma_start3A_278 : memref<1x128x256xi32, #tpu.memory_space<vmem>> -> memref<128x256xi32, #tpu.memory_space<vmem>>
          %dma_start3A_280 = arith.constant 0 : i32
          %dma_start3A_281 = arith.constant 0 : i32
          %dma_start3A_282 = tpu.memref_slice %run_scoped3A_2[%rem3A_205, %dma_start3A_280, %dma_start3A_281] : memref<2x1x128xi32, #tpu.memory_space<vmem>> -> memref<1x1x128xi32, #tpu.memory_space<vmem>>
          %dma_start3A_283 = tpu.memref_squeeze %dma_start3A_282 : memref<1x1x128xi32, #tpu.memory_space<vmem>> -> memref<1x128xi32, #tpu.memory_space<vmem>>
          %dma_start3A_284 = arith.constant 0 : i32
          %dma_start3A_285 = tpu.memref_slice %dma_start3A_283[%run_scoped3A_206, %dma_start3A_284] : memref<1x128xi32, #tpu.memory_space<vmem>> -> memref<1x128xi32, #tpu.memory_space<vmem>>
          %dma_start3A_286 = tpu.memref_squeeze %dma_start3A_285 : memref<1x128xi32, #tpu.memory_space<vmem>> -> memref<128xi32, #tpu.memory_space<vmem>>
          %dma_start3A_287 = arith.constant 0 : i32
          %dma_start3A_288 = arith.constant 0 : i32
          %dma_start3A_289 = tpu.memref_slice %arg4[%dma_start3A_287, %dma_start3A_288] : memref<32768x256xi32, #tpu.memory_space<hbm>> -> memref<32768x256xi32, #tpu.memory_space<hbm>>
          tpu.enqueue_indirect_dma source(%dma_start3A_279 : memref<128x256xi32, #tpu.memory_space<vmem>>) target(%dma_start3A_289 : memref<32768x256xi32, #tpu.memory_space<hbm>>) offsets(%dma_start3A_286 : memref<128xi32, #tpu.memory_space<vmem>>) semaphore(%run_scoped3A_275 : memref<!tpu.dma_semaphore, #tpu.memory_space<semaphore_mem>>)
          %dma_wait3A = arith.constant 0 : i32
          %dma_wait3A_290 = arith.constant 0 : i32
          %dma_wait3A_291 = tpu.memref_slice %run_scoped3A[%rem3A_203, %dma_wait3A, %dma_wait3A_290] : memref<2x128x256xi32, #tpu.memory_space<vmem>> -> memref<1x128x256xi32, #tpu.memory_space<vmem>>
          %dma_wait3A_292 = tpu.memref_squeeze %dma_wait3A_291 : memref<1x128x256xi32, #tpu.memory_space<vmem>> -> memref<128x256xi32, #tpu.memory_space<vmem>>
          %dma_wait3A_293 = arith.constant 0 : i32
          %dma_wait3A_294 = arith.constant 0 : i32
          %dma_wait3A_295 = tpu.memref_slice %run_scoped3A_2[%rem3A_205, %dma_wait3A_293, %dma_wait3A_294] : memref<2x1x128xi32, #tpu.memory_space<vmem>> -> memref<1x1x128xi32, #tpu.memory_space<vmem>>
          %dma_wait3A_296 = tpu.memref_squeeze %dma_wait3A_295 : memref<1x1x128xi32, #tpu.memory_space<vmem>> -> memref<1x128xi32, #tpu.memory_space<vmem>>
          %dma_wait3A_297 = arith.constant 0 : i32
          %dma_wait3A_298 = tpu.memref_slice %dma_wait3A_296[%run_scoped3A_206, %dma_wait3A_297] : memref<1x128xi32, #tpu.memory_space<vmem>> -> memref<1x128xi32, #tpu.memory_space<vmem>>
          %dma_wait3A_299 = tpu.memref_squeeze %dma_wait3A_298 : memref<1x128xi32, #tpu.memory_space<vmem>> -> memref<128xi32, #tpu.memory_space<vmem>>
          %dma_wait3A_300 = arith.constant 0 : i32
          %dma_wait3A_301 = arith.constant 0 : i32
          %dma_wait3A_302 = tpu.memref_slice %arg4[%dma_wait3A_300, %dma_wait3A_301] : memref<32768x256xi32, #tpu.memory_space<hbm>> -> memref<32768x256xi32, #tpu.memory_space<hbm>>
          tpu.wait_indirect_dma semaphore(%run_scoped3A_275 : memref<!tpu.dma_semaphore, #tpu.memory_space<semaphore_mem>>) src(%dma_wait3A_292 : memref<128x256xi32, #tpu.memory_space<vmem>>) dst(%dma_wait3A_302 : memref<32768x256xi32, #tpu.memory_space<hbm>>)
          tpu.yield
        }) : () -> ()
        "tpu.trace_stop"() : () -> ()
        %ne3A_207 = arith.cmpi ne, %add3A_131, %add3A_149 : i32
        %or3A_208 = arith.constant false
        %or3A_209 = arith.ori %or3A_208, %ne3A_207 : i1
        %or3A_210 = arith.constant false
        %or3A_211 = arith.ori %or3A_209, %or3A_210 : i1
        %or3A_212 = arith.ori %or3A_211, %eq3A_130 : i1
        %convert_element_type3A_213 = arith.extui %or3A_212 : i1 to i32
        %cond3A_214 = arith.constant 0 : i32
        %cond3A_215 = arith.cmpi ne, %convert_element_type3A_213, %cond3A_214 : i32
        scf.if %cond3A_215 {
        } else {
        }
        %and3A_216 = arith.constant false
        %and3A_217 = arith.andi %or3A_212, %and3A_216 : i1
        %ne3A_218 = arith.cmpi ne, %add3A_131, %add3A_149 : i32
        %or3A_219 = arith.constant false
        %or3A_220 = arith.ori %or3A_219, %ne3A_218 : i1
        %or3A_221 = arith.ori %or3A_220, %eq3A_130 : i1
        %convert_element_type3A_222 = arith.extui %or3A_221 : i1 to i32
        %cond3A_223 = arith.constant 0 : i32
        %cond3A_224 = arith.cmpi ne, %convert_element_type3A_222, %cond3A_223 : i32
        scf.if %cond3A_224 {
        } else {
        }
        %and3A_225 = arith.constant false
        %and3A_226 = arith.andi %or3A_221, %and3A_225 : i1
        %ne3A_227 = arith.cmpi ne, %add3A_131, %add3A_140 : i32
        %or3A_228 = arith.constant false
        %or3A_229 = arith.ori %or3A_228, %ne3A_227 : i1
        %or3A_230 = arith.constant false
        %or3A_231 = arith.ori %or3A_229, %or3A_230 : i1
        %not3A_232 = arith.constant true
        %not3A_233 = arith.xori %eq3A_128, %not3A_232 : i1
        %and3A_234 = arith.andi %or3A_231, %not3A_233 : i1
        %convert_element_type3A_235 = arith.extui %and3A_234 : i1 to i32
        %cond3A_236 = arith.constant 0 : i32
        %cond3A_237 = arith.cmpi ne, %convert_element_type3A_235, %cond3A_236 : i32
        scf.if %cond3A_237 {
        } else {
        }
        %and3A_238 = arith.constant false
        %and3A_239 = arith.andi %and3A_234, %and3A_238 : i1
        %ne3A_240 = arith.cmpi ne, %add3A_131, %add3A_140 : i32
        %or3A_241 = arith.constant false
        %or3A_242 = arith.ori %or3A_241, %ne3A_240 : i1
        %not3A_243 = arith.constant true
        %not3A_244 = arith.xori %eq3A_128, %not3A_243 : i1
        %and3A_245 = arith.andi %or3A_242, %not3A_244 : i1
        %convert_element_type3A_246 = arith.extui %and3A_245 : i1 to i32
        %cond3A_247 = arith.constant 0 : i32
        %cond3A_248 = arith.cmpi ne, %convert_element_type3A_246, %cond3A_247 : i32
        scf.if %cond3A_248 {
        } else {
        }
        %and3A_249 = arith.constant false
        %and3A_250 = arith.andi %and3A_245, %and3A_249 : i1
        %ne3A_251 = arith.cmpi ne, %add3A_131, %add3A_149 : i32
        %or3A_252 = arith.constant false
        %or3A_253 = arith.ori %or3A_252, %ne3A_251 : i1
        %or3A_254 = arith.constant false
        %or3A_255 = arith.ori %or3A_253, %or3A_254 : i1
        %or3A_256 = arith.ori %or3A_255, %eq3A_130 : i1
        %add3A_257 = arith.constant 1 : i32
        %add3A_258 = arith.addi %scan3A_123, %add3A_257 : i32
        %select_n3A_259 = arith.select %or3A_256, %add3A_258, %scan3A_123 : i32
        %ne3A_260 = arith.cmpi ne, %add3A_131, %add3A_149 : i32
        %or3A_261 = arith.constant false
        %or3A_262 = arith.ori %or3A_261, %ne3A_260 : i1
        %or3A_263 = arith.ori %or3A_262, %eq3A_130 : i1
        %add3A_264 = arith.constant 1 : i32
        %add3A_265 = arith.addi %scan3A_125, %add3A_264 : i32
        %select_n3A_266 = arith.select %or3A_263, %add3A_265, %scan3A_125 : i32
        %add3A_267 = arith.constant 1 : i32
        %add3A_268 = arith.addi %scan3A_126, %add3A_267 : i32
        %select_n3A_269 = arith.constant true
        %select_n3A_270 = arith.select %select_n3A_269, %add3A_268, %scan3A_126 : i32
        %eq3A_271 = arith.constant 8 : i32
        %eq3A_272 = arith.cmpi eq, %select_n3A_270, %eq3A_271 : i32
        %select_n3A_273 = arith.constant 0 : i32
        %select_n3A_274 = arith.select %eq3A_272, %select_n3A_273, %select_n3A_270 : i32
        scf.yield %select_n3A_169, %select_n3A_259, %select_n3A_185, %select_n3A_266, %select_n3A_274 : i32, i32, i32, i32, i32
      }
      %scan3A_85 = arith.constant 8 : i32
      %sub3A = arith.constant 1 : i32
      %sub3A_86 = arith.subi %scan3A_84#4, %sub3A : i32
      %select_n3A_87 = arith.constant true
      %select_n3A_88 = arith.select %select_n3A_87, %sub3A_86, %scan3A_84#4 : i32
      %eq3A_89 = arith.constant -1 : i32
      %eq3A_90 = arith.cmpi eq, %select_n3A_88, %eq3A_89 : i32
      %select_n3A_91 = arith.constant 7 : i32
      %select_n3A_92 = arith.select %eq3A_90, %select_n3A_91, %select_n3A_88 : i32
      %add3A_93 = arith.addi %select_n3A_92, %mul3A_0 : i32
      %sub3A_94 = arith.constant 1 : i32
      %sub3A_95 = arith.subi %select_n3A_92, %sub3A_94 : i32
      %select_n3A_96 = arith.constant true
      %select_n3A_97 = arith.select %select_n3A_96, %sub3A_95, %select_n3A_92 : i32
      %eq3A_98 = arith.constant -1 : i32
      %eq3A_99 = arith.cmpi eq, %select_n3A_97, %eq3A_98 : i32
      %select_n3A_100 = arith.constant 7 : i32
      %select_n3A_101 = arith.select %eq3A_99, %select_n3A_100, %select_n3A_97 : i32
      %add3A_102 = arith.addi %select_n3A_101, %mul3A_0 : i32
      %add3A_103 = arith.constant 1 : i32
      %add3A_104 = arith.addi %select_n3A_92, %add3A_103 : i32
      %select_n3A_105 = arith.constant true
      %select_n3A_106 = arith.select %select_n3A_105, %add3A_104, %select_n3A_92 : i32
      %eq3A_107 = arith.constant 8 : i32
      %eq3A_108 = arith.cmpi eq, %select_n3A_106, %eq3A_107 : i32
      %select_n3A_109 = arith.constant 0 : i32
      %select_n3A_110 = arith.select %eq3A_108, %select_n3A_109, %select_n3A_106 : i32
      %add3A_111 = arith.addi %select_n3A_110, %mul3A_0 : i32
      %add3A_112 = arith.constant 1 : i32
      %add3A_113 = arith.addi %select_n3A_110, %add3A_112 : i32
      %select_n3A_114 = arith.constant true
      %select_n3A_115 = arith.select %select_n3A_114, %add3A_113, %select_n3A_110 : i32
      %eq3A_116 = arith.constant 8 : i32
      %eq3A_117 = arith.cmpi eq, %select_n3A_115, %eq3A_116 : i32
      %select_n3A_118 = arith.constant 0 : i32
      %select_n3A_119 = arith.select %eq3A_117, %select_n3A_118, %select_n3A_115 : i32
      %add3A_120 = arith.addi %select_n3A_119, %mul3A_0 : i32
      tpu.yield
    }) : () -> ()
    return
  }
}

#map = affine_map<(d0, d1) -> (0, 0)>
module attributes {stable_mosaic.version = 14 : i64} {
  func.func @k(%arg0: i32, %arg1: i32, %arg2: memref<32768x256xi32, #tpu.memory_space<hbm>>, %arg3: memref<1x16384xi32, #tpu.memory_space<hbm>>, %arg4: memref<16384x256xi32, #tpu.memory_space<hbm>>) attributes {dimension_semantics = [#tpu.dimension_semantics<core_parallel>, #tpu.dimension_semantics<subcore_parallel>], iteration_bounds = array<i64: 2, 16>, scalar_prefetch = 0 : i64, scratch_operands = 0 : i64, tpu.core_type = #tpu.core_type<sc_vector_subcore>, window_params = [{transform_indices = #map}, {transform_indices = #map}, {transform_indices = #map}]} {
    %mul3A = arith.constant 8 : i32
    %mul3A_0 = arith.muli %arg1, %mul3A : i32
    "tpu.region"() ({
      %run_scoped3A = memref.alloca() : memref<2x1x128xi32, #tpu.memory_space<vmem>>
      %run_scoped3A_1 = tpu.sem_alloc : memref<2x!tpu.dma_semaphore, #tpu.memory_space<semaphore_mem>>
      %run_scoped3A_2 = memref.alloca() : memref<2x128x256xi32, #tpu.memory_space<vmem>>
      %run_scoped3A_3 = tpu.sem_alloc : memref<2x!tpu.dma_semaphore, #tpu.memory_space<semaphore_mem>>
      %add3A = arith.constant 0 : i32
      %add3A_4 = arith.addi %add3A, %mul3A_0 : i32
      %select_n3A = arith.constant true
      %select_n3A_5 = arith.constant 0 : i32
      %select_n3A_6 = arith.constant -1 : i32
      %select_n3A_7 = arith.select %select_n3A, %select_n3A_6, %select_n3A_5 : i32
      %eq3A = arith.constant -1 : i32
      %eq3A_8 = arith.cmpi eq, %select_n3A_7, %eq3A : i32
      %select_n3A_9 = arith.constant 7 : i32
      %select_n3A_10 = arith.select %eq3A_8, %select_n3A_9, %select_n3A_7 : i32
      %add3A_11 = arith.addi %select_n3A_10, %mul3A_0 : i32
      %select_n3A_12 = arith.constant true
      %select_n3A_13 = arith.constant 0 : i32
      %select_n3A_14 = arith.constant 1 : i32
      %select_n3A_15 = arith.select %select_n3A_12, %select_n3A_14, %select_n3A_13 : i32
      %eq3A_16 = arith.constant 8 : i32
      %eq3A_17 = arith.cmpi eq, %select_n3A_15, %eq3A_16 : i32
      %select_n3A_18 = arith.constant 0 : i32
      %select_n3A_19 = arith.select %eq3A_17, %select_n3A_18, %select_n3A_15 : i32
      %add3A_20 = arith.addi %select_n3A_19, %mul3A_0 : i32
      %add3A_21 = arith.constant 1 : i32
      %add3A_22 = arith.addi %select_n3A_19, %add3A_21 : i32
      %select_n3A_23 = arith.constant true
      %select_n3A_24 = arith.select %select_n3A_23, %add3A_22, %select_n3A_19 : i32
      %eq3A_25 = arith.constant 8 : i32
      %eq3A_26 = arith.cmpi eq, %select_n3A_24, %eq3A_25 : i32
      %select_n3A_27 = arith.constant 0 : i32
      %select_n3A_28 = arith.select %eq3A_26, %select_n3A_27, %select_n3A_24 : i32
      %add3A_29 = arith.addi %select_n3A_28, %mul3A_0 : i32
      "tpu.trace_start"() <{level = 10 : i32, message = "ep_initialize_0"}> : () -> ()
      %rem3A = arith.constant 0 : i32
      %rem3A_30 = arith.constant 2 : i32
      %rem3A_31 = arith.remui %rem3A, %rem3A_30 : i32
      %mul3A_32 = arith.constant 128 : i32
      %mul3A_33 = arith.muli %mul3A_32, %add3A_4 : i32
      %dma_start3A = arith.constant 0 : i32
      %dma_start3A_34 = arith.constant 0 : i32
      %dma_start3A_35 = tpu.memref_slice %run_scoped3A[%rem3A_31, %dma_start3A, %dma_start3A_34] : memref<2x1x128xi32, #tpu.memory_space<vmem>> -> memref<1x1x128xi32, #tpu.memory_space<vmem>>
      %dma_start3A_36 = tpu.memref_squeeze %dma_start3A_35 : memref<1x1x128xi32, #tpu.memory_space<vmem>> -> memref<1x128xi32, #tpu.memory_space<vmem>>
      %dma_start3A_37 = arith.constant 0 : i32
      %dma_start3A_38 = tpu.memref_slice %arg3[%dma_start3A_37, %mul3A_33] : memref<1x16384xi32, #tpu.memory_space<hbm>> -> memref<1x128xi32, #tpu.memory_space<hbm>>
      %dma_start3A_39 = tpu.memref_slice %run_scoped3A_1[%rem3A_31] : memref<2x!tpu.dma_semaphore, #tpu.memory_space<semaphore_mem>> -> memref<1x!tpu.dma_semaphore, #tpu.memory_space<semaphore_mem>>
      %dma_start3A_40 = tpu.memref_squeeze %dma_start3A_39 : memref<1x!tpu.dma_semaphore, #tpu.memory_space<semaphore_mem>> -> memref<!tpu.dma_semaphore, #tpu.memory_space<semaphore_mem>>
      %dma_start3A_41 = arith.constant 0 : i32
      %dma_start3A_42 = arith.constant 0 : i32
      %dma_start3A_43 = tpu.memref_slice %run_scoped3A[%rem3A_31, %dma_start3A_41, %dma_start3A_42] : memref<2x1x128xi32, #tpu.memory_space<vmem>> -> memref<1x1x128xi32, #tpu.memory_space<vmem>>
      %dma_start3A_44 = tpu.memref_squeeze %dma_start3A_43 : memref<1x1x128xi32, #tpu.memory_space<vmem>> -> memref<1x128xi32, #tpu.memory_space<vmem>>
      %dma_start3A_45 = arith.constant 0 : i32
      %dma_start3A_46 = tpu.memref_slice %arg3[%dma_start3A_45, %mul3A_33] : memref<1x16384xi32, #tpu.memory_space<hbm>> -> memref<1x128xi32, #tpu.memory_space<hbm>>
      tpu.enqueue_dma source(%dma_start3A_46 : memref<1x128xi32, #tpu.memory_space<hbm>>) target(%dma_start3A_44 : memref<1x128xi32, #tpu.memory_space<vmem>>) target_semaphore(%dma_start3A_40 : memref<!tpu.dma_semaphore, #tpu.memory_space<semaphore_mem>>)
      %add3A_47 = arith.constant 0 : i32
      %add3A_48 = arith.constant 1 : i32
      %add3A_49 = arith.addi %add3A_47, %add3A_48 : i32
      %select_n3A_50 = arith.constant true
      %select_n3A_51 = arith.constant 0 : i32
      %select_n3A_52 = arith.select %select_n3A_50, %add3A_49, %select_n3A_51 : i32
      "tpu.trace_stop"() : () -> ()
      %scan3A = arith.constant 0 : i32
      %scan3A_53 = arith.constant 0 : i32
      %scan3A_54 = arith.constant 0 : i32
      %scan3A_55 = arith.constant 0 : i32
      %scan3A_56 = arith.constant 0 : i32
      %scan3A_57 = arith.constant 8 : i32
      %scan3A_58 = arith.addi %scan3A_56, %scan3A_57 : i32
      %scan3A_59 = arith.constant 1 : i32
      %scan3A_60:5 = scf.for %scan3A_114 = %scan3A_56 to %scan3A_58 step %scan3A_59 iter_args(%scan3A_115 = %select_n3A_52, %scan3A_116 = %scan3A, %scan3A_117 = %scan3A_53, %scan3A_118 = %scan3A_54, %scan3A_119 = %scan3A_55) -> (i32, i32, i32, i32, i32)  : i32 {
        %eq3A_120 = arith.constant 0 : i32
        %eq3A_121 = arith.cmpi eq, %scan3A_114, %eq3A_120 : i32
        %eq3A_122 = arith.constant 7 : i32
        %eq3A_123 = arith.cmpi eq, %scan3A_114, %eq3A_122 : i32
        %add3A_124 = arith.addi %scan3A_119, %mul3A_0 : i32
        %sub3A_125 = arith.constant 1 : i32
        %sub3A_126 = arith.subi %scan3A_119, %sub3A_125 : i32
        %select_n3A_127 = arith.constant true
        %select_n3A_128 = arith.select %select_n3A_127, %sub3A_126, %scan3A_119 : i32
        %eq3A_129 = arith.constant -1 : i32
        %eq3A_130 = arith.cmpi eq, %select_n3A_128, %eq3A_129 : i32
        %select_n3A_131 = arith.constant 7 : i32
        %select_n3A_132 = arith.select %eq3A_130, %select_n3A_131, %select_n3A_128 : i32
        %add3A_133 = arith.addi %select_n3A_132, %mul3A_0 : i32
        %add3A_134 = arith.constant 1 : i32
        %add3A_135 = arith.addi %scan3A_119, %add3A_134 : i32
        %select_n3A_136 = arith.constant true
        %select_n3A_137 = arith.select %select_n3A_136, %add3A_135, %scan3A_119 : i32
        %eq3A_138 = arith.constant 8 : i32
        %eq3A_139 = arith.cmpi eq, %select_n3A_137, %eq3A_138 : i32
        %select_n3A_140 = arith.constant 0 : i32
        %select_n3A_141 = arith.select %eq3A_139, %select_n3A_140, %select_n3A_137 : i32
        %add3A_142 = arith.addi %select_n3A_141, %mul3A_0 : i32
        %add3A_143 = arith.constant 1 : i32
        %add3A_144 = arith.addi %select_n3A_141, %add3A_143 : i32
        %select_n3A_145 = arith.constant true
        %select_n3A_146 = arith.select %select_n3A_145, %add3A_144, %select_n3A_141 : i32
        %eq3A_147 = arith.constant 8 : i32
        %eq3A_148 = arith.cmpi eq, %select_n3A_146, %eq3A_147 : i32
        %select_n3A_149 = arith.constant 0 : i32
        %select_n3A_150 = arith.select %eq3A_148, %select_n3A_149, %select_n3A_146 : i32
        %add3A_151 = arith.addi %select_n3A_150, %mul3A_0 : i32
        %ne3A = arith.cmpi ne, %add3A_124, %add3A_142 : i32
        %or3A = arith.constant false
        %or3A_152 = arith.ori %or3A, %ne3A : i1
        %ge3A = arith.constant 7 : i32
        %ge3A_153 = arith.cmpi sge, %scan3A_114, %ge3A : i32
        %not3A = arith.constant true
        %not3A_154 = arith.xori %ge3A_153, %not3A : i1
        %and3A = arith.andi %or3A_152, %not3A_154 : i1
        %convert_element_type3A = arith.extui %and3A : i1 to i32
        %cond3A = arith.constant 0 : i32
        %cond3A_155 = arith.cmpi ne, %convert_element_type3A, %cond3A : i32
        scf.if %cond3A_155 {
          "tpu.trace_start"() <{level = 10 : i32, message = "ep_copy_in"}> : () -> ()
          %rem3A_257 = arith.constant 2 : i32
          %rem3A_258 = arith.remui %scan3A_115, %rem3A_257 : i32
          %mul3A_259 = arith.constant 128 : i32
          %mul3A_260 = arith.muli %mul3A_259, %add3A_142 : i32
          %dma_start3A_261 = arith.constant 0 : i32
          %dma_start3A_262 = arith.constant 0 : i32
          %dma_start3A_263 = tpu.memref_slice %run_scoped3A[%rem3A_258, %dma_start3A_261, %dma_start3A_262] : memref<2x1x128xi32, #tpu.memory_space<vmem>> -> memref<1x1x128xi32, #tpu.memory_space<vmem>>
          %dma_start3A_264 = tpu.memref_squeeze %dma_start3A_263 : memref<1x1x128xi32, #tpu.memory_space<vmem>> -> memref<1x128xi32, #tpu.memory_space<vmem>>
          %dma_start3A_265 = arith.constant 0 : i32
          %dma_start3A_266 = tpu.memref_slice %arg3[%dma_start3A_265, %mul3A_260] : memref<1x16384xi32, #tpu.memory_space<hbm>> -> memref<1x128xi32, #tpu.memory_space<hbm>>
          %dma_start3A_267 = tpu.memref_slice %run_scoped3A_1[%rem3A_258] : memref<2x!tpu.dma_semaphore, #tpu.memory_space<semaphore_mem>> -> memref<1x!tpu.dma_semaphore, #tpu.memory_space<semaphore_mem>>
          %dma_start3A_268 = tpu.memref_squeeze %dma_start3A_267 : memref<1x!tpu.dma_semaphore, #tpu.memory_space<semaphore_mem>> -> memref<!tpu.dma_semaphore, #tpu.memory_space<semaphore_mem>>
          %dma_start3A_269 = arith.constant 0 : i32
          %dma_start3A_270 = arith.constant 0 : i32
          %dma_start3A_271 = tpu.memref_slice %run_scoped3A[%rem3A_258, %dma_start3A_269, %dma_start3A_270] : memref<2x1x128xi32, #tpu.memory_space<vmem>> -> memref<1x1x128xi32, #tpu.memory_space<vmem>>
          %dma_start3A_272 = tpu.memref_squeeze %dma_start3A_271 : memref<1x1x128xi32, #tpu.memory_space<vmem>> -> memref<1x128xi32, #tpu.memory_space<vmem>>
          %dma_start3A_273 = arith.constant 0 : i32
          %dma_start3A_274 = tpu.memref_slice %arg3[%dma_start3A_273, %mul3A_260] : memref<1x16384xi32, #tpu.memory_space<hbm>> -> memref<1x128xi32, #tpu.memory_space<hbm>>
          tpu.enqueue_dma source(%dma_start3A_274 : memref<1x128xi32, #tpu.memory_space<hbm>>) target(%dma_start3A_272 : memref<1x128xi32, #tpu.memory_space<vmem>>) target_semaphore(%dma_start3A_268 : memref<!tpu.dma_semaphore, #tpu.memory_space<semaphore_mem>>)
          "tpu.trace_stop"() : () -> ()
        } else {
        }
        %and3A_156 = arith.constant true
        %and3A_157 = arith.andi %and3A, %and3A_156 : i1
        %add3A_158 = arith.constant 1 : i32
        %add3A_159 = arith.addi %scan3A_115, %add3A_158 : i32
        %select_n3A_160 = arith.select %and3A_157, %add3A_159, %scan3A_115 : i32
        %ne3A_161 = arith.cmpi ne, %add3A_124, %add3A_142 : i32
        %or3A_162 = arith.constant false
        %or3A_163 = arith.ori %or3A_162, %ne3A_161 : i1
        %or3A_164 = arith.constant false
        %or3A_165 = arith.ori %or3A_163, %or3A_164 : i1
        %ge3A_166 = arith.constant 7 : i32
        %ge3A_167 = arith.cmpi sge, %scan3A_114, %ge3A_166 : i32
        %not3A_168 = arith.constant true
        %not3A_169 = arith.xori %ge3A_167, %not3A_168 : i1
        %and3A_170 = arith.andi %or3A_165, %not3A_169 : i1
        %ne3A_171 = arith.cmpi ne, %add3A_124, %add3A_133 : i32
        %or3A_172 = arith.constant false
        %or3A_173 = arith.ori %or3A_172, %ne3A_171 : i1
        %or3A_174 = arith.ori %or3A_173, %eq3A_121 : i1
        %convert_element_type3A_175 = arith.extui %or3A_174 : i1 to i32
        %cond3A_176 = arith.constant 0 : i32
        %cond3A_177 = arith.cmpi ne, %convert_element_type3A_175, %cond3A_176 : i32
        scf.if %cond3A_177 {
          "tpu.trace_start"() <{level = 10 : i32, message = "ep_wait_in"}> : () -> ()
          %mul3A_257 = arith.constant 128 : i32
          %mul3A_258 = arith.muli %mul3A_257, %add3A_124 : i32
          %rem3A_259 = arith.constant 2 : i32
          %rem3A_260 = arith.remui %scan3A_116, %rem3A_259 : i32
          %dma_wait3A_261 = arith.constant 0 : i32
          %dma_wait3A_262 = arith.constant 0 : i32
          %dma_wait3A_263 = tpu.memref_slice %run_scoped3A[%rem3A_260, %dma_wait3A_261, %dma_wait3A_262] : memref<2x1x128xi32, #tpu.memory_space<vmem>> -> memref<1x1x128xi32, #tpu.memory_space<vmem>>
          %dma_wait3A_264 = tpu.memref_squeeze %dma_wait3A_263 : memref<1x1x128xi32, #tpu.memory_space<vmem>> -> memref<1x128xi32, #tpu.memory_space<vmem>>
          %dma_wait3A_265 = arith.constant 0 : i32
          %dma_wait3A_266 = tpu.memref_slice %arg3[%dma_wait3A_265, %mul3A_258] : memref<1x16384xi32, #tpu.memory_space<hbm>> -> memref<1x128xi32, #tpu.memory_space<hbm>>
          %dma_wait3A_267 = tpu.memref_slice %run_scoped3A_1[%rem3A_260] : memref<2x!tpu.dma_semaphore, #tpu.memory_space<semaphore_mem>> -> memref<1x!tpu.dma_semaphore, #tpu.memory_space<semaphore_mem>>
          %dma_wait3A_268 = tpu.memref_squeeze %dma_wait3A_267 : memref<1x!tpu.dma_semaphore, #tpu.memory_space<semaphore_mem>> -> memref<!tpu.dma_semaphore, #tpu.memory_space<semaphore_mem>>
          %dma_wait3A_269 = arith.constant 0 : i32
          %dma_wait3A_270 = arith.constant 0 : i32
          %dma_wait3A_271 = tpu.memref_slice %run_scoped3A[%rem3A_260, %dma_wait3A_269, %dma_wait3A_270] : memref<2x1x128xi32, #tpu.memory_space<vmem>> -> memref<1x1x128xi32, #tpu.memory_space<vmem>>
          %dma_wait3A_272 = tpu.memref_squeeze %dma_wait3A_271 : memref<1x1x128xi32, #tpu.memory_space<vmem>> -> memref<1x128xi32, #tpu.memory_space<vmem>>
          %dma_wait3A_273 = arith.constant 0 : i32
          %dma_wait3A_274 = tpu.memref_slice %arg3[%dma_wait3A_273, %mul3A_258] : memref<1x16384xi32, #tpu.memory_space<hbm>> -> memref<1x128xi32, #tpu.memory_space<hbm>>
          tpu.wait_dma2 semaphore(%dma_wait3A_268 : memref<!tpu.dma_semaphore, #tpu.memory_space<semaphore_mem>>) src(%dma_wait3A_274 : memref<1x128xi32, #tpu.memory_space<hbm>>) dst(%dma_wait3A_272 : memref<1x128xi32, #tpu.memory_space<vmem>>)
          "tpu.trace_stop"() : () -> ()
        } else {
        }
        %ne3A_178 = arith.cmpi ne, %add3A_124, %add3A_133 : i32
        %or3A_179 = arith.constant false
        %or3A_180 = arith.ori %or3A_179, %ne3A_178 : i1
        %or3A_181 = arith.constant false
        %or3A_182 = arith.ori %or3A_180, %or3A_181 : i1
        %or3A_183 = arith.ori %or3A_182, %eq3A_121 : i1
        %convert_element_type3A_184 = arith.extui %or3A_183 : i1 to i32
        %cond3A_185 = arith.constant 0 : i32
        %cond3A_186 = arith.cmpi ne, %convert_element_type3A_184, %cond3A_185 : i32
        scf.if %cond3A_186 {
        } else {
        }
        %rem3A_187 = arith.constant 2 : i32
        %rem3A_188 = arith.remui %scan3A_116, %rem3A_187 : i32
        %rem3A_189 = arith.constant 2 : i32
        %rem3A_190 = arith.remui %scan3A_117, %rem3A_189 : i32
        %run_scoped3A_191 = arith.constant 0 : i32
        "tpu.trace_start"() <{level = 10 : i32, message = "ep_run_kernel"}> : () -> ()
        "tpu.region"() ({
          %run_scoped3A_257 = tpu.sem_alloc : memref<!tpu.dma_semaphore, #tpu.memory_space<semaphore_mem>>
          %dma_start3A_258 = arith.constant 0 : i32
          %dma_start3A_259 = arith.constant 0 : i32
          %dma_start3A_260 = tpu.memref_slice %run_scoped3A_2[%rem3A_190, %dma_start3A_258, %dma_start3A_259] : memref<2x128x256xi32, #tpu.memory_space<vmem>> -> memref<1x128x256xi32, #tpu.memory_space<vmem>>
          %dma_start3A_261 = tpu.memref_squeeze %dma_start3A_260 : memref<1x128x256xi32, #tpu.memory_space<vmem>> -> memref<128x256xi32, #tpu.memory_space<vmem>>
          %dma_start3A_262 = arith.constant 0 : i32
          %dma_start3A_263 = arith.constant 0 : i32
          %dma_start3A_264 = tpu.memref_slice %run_scoped3A[%rem3A_188, %dma_start3A_262, %dma_start3A_263] : memref<2x1x128xi32, #tpu.memory_space<vmem>> -> memref<1x1x128xi32, #tpu.memory_space<vmem>>
          %dma_start3A_265 = tpu.memref_squeeze %dma_start3A_264 : memref<1x1x128xi32, #tpu.memory_space<vmem>> -> memref<1x128xi32, #tpu.memory_space<vmem>>
          %dma_start3A_266 = arith.constant 0 : i32
          %dma_start3A_267 = tpu.memref_slice %dma_start3A_265[%run_scoped3A_191, %dma_start3A_266] : memref<1x128xi32, #tpu.memory_space<vmem>> -> memref<1x128xi32, #tpu.memory_space<vmem>>
          %dma_start3A_268 = tpu.memref_squeeze %dma_start3A_267 : memref<1x128xi32, #tpu.memory_space<vmem>> -> memref<128xi32, #tpu.memory_space<vmem>>
          %dma_start3A_269 = arith.constant 0 : i32
          %dma_start3A_270 = arith.constant 0 : i32
          %dma_start3A_271 = tpu.memref_slice %arg2[%dma_start3A_269, %dma_start3A_270] : memref<32768x256xi32, #tpu.memory_space<hbm>> -> memref<32768x256xi32, #tpu.memory_space<hbm>>
          tpu.enqueue_indirect_dma source(%dma_start3A_271 : memref<32768x256xi32, #tpu.memory_space<hbm>>) target(%dma_start3A_261 : memref<128x256xi32, #tpu.memory_space<vmem>>) offsets(%dma_start3A_268 : memref<128xi32, #tpu.memory_space<vmem>>) semaphore(%run_scoped3A_257 : memref<!tpu.dma_semaphore, #tpu.memory_space<semaphore_mem>>)
          %dma_wait3A_272 = arith.constant 0 : i32
          %dma_wait3A_273 = arith.constant 0 : i32
          %dma_wait3A_274 = tpu.memref_slice %run_scoped3A_2[%rem3A_190, %dma_wait3A_272, %dma_wait3A_273] : memref<2x128x256xi32, #tpu.memory_space<vmem>> -> memref<1x128x256xi32, #tpu.memory_space<vmem>>
          %dma_wait3A_275 = tpu.memref_squeeze %dma_wait3A_274 : memref<1x128x256xi32, #tpu.memory_space<vmem>> -> memref<128x256xi32, #tpu.memory_space<vmem>>
          %dma_wait3A_276 = arith.constant 0 : i32
          %dma_wait3A_277 = arith.constant 0 : i32
          %dma_wait3A_278 = tpu.memref_slice %run_scoped3A[%rem3A_188, %dma_wait3A_276, %dma_wait3A_277] : memref<2x1x128xi32, #tpu.memory_space<vmem>> -> memref<1x1x128xi32, #tpu.memory_space<vmem>>
          %dma_wait3A_279 = tpu.memref_squeeze %dma_wait3A_278 : memref<1x1x128xi32, #tpu.memory_space<vmem>> -> memref<1x128xi32, #tpu.memory_space<vmem>>
          %dma_wait3A_280 = arith.constant 0 : i32
          %dma_wait3A_281 = tpu.memref_slice %dma_wait3A_279[%run_scoped3A_191, %dma_wait3A_280] : memref<1x128xi32, #tpu.memory_space<vmem>> -> memref<1x128xi32, #tpu.memory_space<vmem>>
          %dma_wait3A_282 = tpu.memref_squeeze %dma_wait3A_281 : memref<1x128xi32, #tpu.memory_space<vmem>> -> memref<128xi32, #tpu.memory_space<vmem>>
          %dma_wait3A_283 = arith.constant 0 : i32
          %dma_wait3A_284 = arith.constant 0 : i32
          %dma_wait3A_285 = tpu.memref_slice %arg2[%dma_wait3A_283, %dma_wait3A_284] : memref<32768x256xi32, #tpu.memory_space<hbm>> -> memref<32768x256xi32, #tpu.memory_space<hbm>>
          tpu.wait_indirect_dma semaphore(%run_scoped3A_257 : memref<!tpu.dma_semaphore, #tpu.memory_space<semaphore_mem>>) src(%dma_wait3A_285 : memref<32768x256xi32, #tpu.memory_space<hbm>>) dst(%dma_wait3A_275 : memref<128x256xi32, #tpu.memory_space<vmem>>)
          tpu.yield
        }) : () -> ()
        "tpu.trace_stop"() : () -> ()
        %ne3A_192 = arith.cmpi ne, %add3A_124, %add3A_142 : i32
        %or3A_193 = arith.constant false
        %or3A_194 = arith.ori %or3A_193, %ne3A_192 : i1
        %or3A_195 = arith.ori %or3A_194, %eq3A_123 : i1
        %convert_element_type3A_196 = arith.extui %or3A_195 : i1 to i32
        %cond3A_197 = arith.constant 0 : i32
        %cond3A_198 = arith.cmpi ne, %convert_element_type3A_196, %cond3A_197 : i32
        scf.if %cond3A_198 {
        } else {
        }
        %and3A_199 = arith.constant false
        %and3A_200 = arith.andi %or3A_195, %and3A_199 : i1
        %ne3A_201 = arith.cmpi ne, %add3A_124, %add3A_142 : i32
        %or3A_202 = arith.constant false
        %or3A_203 = arith.ori %or3A_202, %ne3A_201 : i1
        %or3A_204 = arith.constant false
        %or3A_205 = arith.ori %or3A_203, %or3A_204 : i1
        %or3A_206 = arith.ori %or3A_205, %eq3A_123 : i1
        %convert_element_type3A_207 = arith.extui %or3A_206 : i1 to i32
        %cond3A_208 = arith.constant 0 : i32
        %cond3A_209 = arith.cmpi ne, %convert_element_type3A_207, %cond3A_208 : i32
        scf.if %cond3A_209 {
          "tpu.trace_start"() <{level = 10 : i32, message = "ep_copy_out"}> : () -> ()
          %rem3A_257 = arith.constant 2 : i32
          %rem3A_258 = arith.remui %scan3A_117, %rem3A_257 : i32
          %mul3A_259 = arith.constant 128 : i32
          %mul3A_260 = arith.muli %mul3A_259, %add3A_124 : i32
          %dma_start3A_261 = arith.constant 0 : i32
          %dma_start3A_262 = arith.constant 0 : i32
          %dma_start3A_263 = tpu.memref_slice %run_scoped3A_2[%rem3A_258, %dma_start3A_261, %dma_start3A_262] : memref<2x128x256xi32, #tpu.memory_space<vmem>> -> memref<1x128x256xi32, #tpu.memory_space<vmem>>
          %dma_start3A_264 = tpu.memref_squeeze %dma_start3A_263 : memref<1x128x256xi32, #tpu.memory_space<vmem>> -> memref<128x256xi32, #tpu.memory_space<vmem>>
          %dma_start3A_265 = arith.constant 0 : i32
          %dma_start3A_266 = tpu.memref_slice %arg4[%mul3A_260, %dma_start3A_265] : memref<16384x256xi32, #tpu.memory_space<hbm>> -> memref<128x256xi32, #tpu.memory_space<hbm>>
          %dma_start3A_267 = tpu.memref_slice %run_scoped3A_3[%rem3A_258] : memref<2x!tpu.dma_semaphore, #tpu.memory_space<semaphore_mem>> -> memref<1x!tpu.dma_semaphore, #tpu.memory_space<semaphore_mem>>
          %dma_start3A_268 = tpu.memref_squeeze %dma_start3A_267 : memref<1x!tpu.dma_semaphore, #tpu.memory_space<semaphore_mem>> -> memref<!tpu.dma_semaphore, #tpu.memory_space<semaphore_mem>>
          %dma_start3A_269 = arith.constant 0 : i32
          %dma_start3A_270 = tpu.memref_slice %arg4[%mul3A_260, %dma_start3A_269] : memref<16384x256xi32, #tpu.memory_space<hbm>> -> memref<128x256xi32, #tpu.memory_space<hbm>>
          %dma_start3A_271 = arith.constant 0 : i32
          %dma_start3A_272 = arith.constant 0 : i32
          %dma_start3A_273 = tpu.memref_slice %run_scoped3A_2[%rem3A_258, %dma_start3A_271, %dma_start3A_272] : memref<2x128x256xi32, #tpu.memory_space<vmem>> -> memref<1x128x256xi32, #tpu.memory_space<vmem>>
          %dma_start3A_274 = tpu.memref_squeeze %dma_start3A_273 : memref<1x128x256xi32, #tpu.memory_space<vmem>> -> memref<128x256xi32, #tpu.memory_space<vmem>>
          tpu.enqueue_dma source(%dma_start3A_274 : memref<128x256xi32, #tpu.memory_space<vmem>>) target(%dma_start3A_270 : memref<128x256xi32, #tpu.memory_space<hbm>>) target_semaphore(%dma_start3A_268 : memref<!tpu.dma_semaphore, #tpu.memory_space<semaphore_mem>>)
          "tpu.trace_stop"() : () -> ()
        } else {
        }
        %and3A_210 = arith.constant true
        %and3A_211 = arith.andi %or3A_206, %and3A_210 : i1
        %add3A_212 = arith.constant 1 : i32
        %add3A_213 = arith.addi %scan3A_117, %add3A_212 : i32
        %select_n3A_214 = arith.select %and3A_211, %add3A_213, %scan3A_117 : i32
        %ne3A_215 = arith.cmpi ne, %add3A_124, %add3A_133 : i32
        %or3A_216 = arith.constant false
        %or3A_217 = arith.ori %or3A_216, %ne3A_215 : i1
        %not3A_218 = arith.constant true
        %not3A_219 = arith.xori %eq3A_121, %not3A_218 : i1
        %and3A_220 = arith.andi %or3A_217, %not3A_219 : i1
        %convert_element_type3A_221 = arith.extui %and3A_220 : i1 to i32
        %cond3A_222 = arith.constant 0 : i32
        %cond3A_223 = arith.cmpi ne, %convert_element_type3A_221, %cond3A_222 : i32
        scf.if %cond3A_223 {
        } else {
        }
        %and3A_224 = arith.constant false
        %and3A_225 = arith.andi %and3A_220, %and3A_224 : i1
        %ne3A_226 = arith.cmpi ne, %add3A_124, %add3A_133 : i32
        %or3A_227 = arith.constant false
        %or3A_228 = arith.ori %or3A_227, %ne3A_226 : i1
        %or3A_229 = arith.constant false
        %or3A_230 = arith.ori %or3A_228, %or3A_229 : i1
        %not3A_231 = arith.constant true
        %not3A_232 = arith.xori %eq3A_121, %not3A_231 : i1
        %and3A_233 = arith.andi %or3A_230, %not3A_232 : i1
        %convert_element_type3A_234 = arith.extui %and3A_233 : i1 to i32
        %cond3A_235 = arith.constant 0 : i32
        %cond3A_236 = arith.cmpi ne, %convert_element_type3A_234, %cond3A_235 : i32
        scf.if %cond3A_236 {
          "tpu.trace_start"() <{level = 10 : i32, message = "ep_wait_out"}> : () -> ()
          %rem3A_257 = arith.constant 2 : i32
          %rem3A_258 = arith.remui %scan3A_118, %rem3A_257 : i32
          %mul3A_259 = arith.constant 128 : i32
          %mul3A_260 = arith.muli %mul3A_259, %add3A_133 : i32
          %dma_wait3A_261 = arith.constant 0 : i32
          %dma_wait3A_262 = arith.constant 0 : i32
          %dma_wait3A_263 = tpu.memref_slice %run_scoped3A_2[%rem3A_258, %dma_wait3A_261, %dma_wait3A_262] : memref<2x128x256xi32, #tpu.memory_space<vmem>> -> memref<1x128x256xi32, #tpu.memory_space<vmem>>
          %dma_wait3A_264 = tpu.memref_squeeze %dma_wait3A_263 : memref<1x128x256xi32, #tpu.memory_space<vmem>> -> memref<128x256xi32, #tpu.memory_space<vmem>>
          %dma_wait3A_265 = arith.constant 0 : i32
          %dma_wait3A_266 = tpu.memref_slice %arg4[%mul3A_260, %dma_wait3A_265] : memref<16384x256xi32, #tpu.memory_space<hbm>> -> memref<128x256xi32, #tpu.memory_space<hbm>>
          %dma_wait3A_267 = tpu.memref_slice %run_scoped3A_3[%rem3A_258] : memref<2x!tpu.dma_semaphore, #tpu.memory_space<semaphore_mem>> -> memref<1x!tpu.dma_semaphore, #tpu.memory_space<semaphore_mem>>
          %dma_wait3A_268 = tpu.memref_squeeze %dma_wait3A_267 : memref<1x!tpu.dma_semaphore, #tpu.memory_space<semaphore_mem>> -> memref<!tpu.dma_semaphore, #tpu.memory_space<semaphore_mem>>
          %dma_wait3A_269 = arith.constant 0 : i32
          %dma_wait3A_270 = tpu.memref_slice %arg4[%mul3A_260, %dma_wait3A_269] : memref<16384x256xi32, #tpu.memory_space<hbm>> -> memref<128x256xi32, #tpu.memory_space<hbm>>
          %dma_wait3A_271 = arith.constant 0 : i32
          %dma_wait3A_272 = arith.constant 0 : i32
          %dma_wait3A_273 = tpu.memref_slice %run_scoped3A_2[%rem3A_258, %dma_wait3A_271, %dma_wait3A_272] : memref<2x128x256xi32, #tpu.memory_space<vmem>> -> memref<1x128x256xi32, #tpu.memory_space<vmem>>
          %dma_wait3A_274 = tpu.memref_squeeze %dma_wait3A_273 : memref<1x128x256xi32, #tpu.memory_space<vmem>> -> memref<128x256xi32, #tpu.memory_space<vmem>>
          tpu.wait_dma2 semaphore(%dma_wait3A_268 : memref<!tpu.dma_semaphore, #tpu.memory_space<semaphore_mem>>) src(%dma_wait3A_274 : memref<128x256xi32, #tpu.memory_space<vmem>>) dst(%dma_wait3A_270 : memref<128x256xi32, #tpu.memory_space<hbm>>)
          "tpu.trace_stop"() : () -> ()
        } else {
        }
        %and3A_237 = arith.constant true
        %and3A_238 = arith.andi %and3A_233, %and3A_237 : i1
        %add3A_239 = arith.constant 1 : i32
        %add3A_240 = arith.addi %scan3A_118, %add3A_239 : i32
        %select_n3A_241 = arith.select %and3A_238, %add3A_240, %scan3A_118 : i32
        %ne3A_242 = arith.cmpi ne, %add3A_124, %add3A_142 : i32
        %or3A_243 = arith.constant false
        %or3A_244 = arith.ori %or3A_243, %ne3A_242 : i1
        %or3A_245 = arith.ori %or3A_244, %eq3A_123 : i1
        %add3A_246 = arith.constant 1 : i32
        %add3A_247 = arith.addi %scan3A_116, %add3A_246 : i32
        %select_n3A_248 = arith.select %or3A_245, %add3A_247, %scan3A_116 : i32
        %add3A_249 = arith.constant 1 : i32
        %add3A_250 = arith.addi %scan3A_119, %add3A_249 : i32
        %select_n3A_251 = arith.constant true
        %select_n3A_252 = arith.select %select_n3A_251, %add3A_250, %scan3A_119 : i32
        %eq3A_253 = arith.constant 8 : i32
        %eq3A_254 = arith.cmpi eq, %select_n3A_252, %eq3A_253 : i32
        %select_n3A_255 = arith.constant 0 : i32
        %select_n3A_256 = arith.select %eq3A_254, %select_n3A_255, %select_n3A_252 : i32
        scf.yield %select_n3A_160, %select_n3A_248, %select_n3A_214, %select_n3A_241, %select_n3A_256 : i32, i32, i32, i32, i32
      }
      %scan3A_61 = arith.constant 8 : i32
      %sub3A = arith.constant 1 : i32
      %sub3A_62 = arith.subi %scan3A_60#4, %sub3A : i32
      %select_n3A_63 = arith.constant true
      %select_n3A_64 = arith.select %select_n3A_63, %sub3A_62, %scan3A_60#4 : i32
      %eq3A_65 = arith.constant -1 : i32
      %eq3A_66 = arith.cmpi eq, %select_n3A_64, %eq3A_65 : i32
      %select_n3A_67 = arith.constant 7 : i32
      %select_n3A_68 = arith.select %eq3A_66, %select_n3A_67, %select_n3A_64 : i32
      %add3A_69 = arith.addi %select_n3A_68, %mul3A_0 : i32
      %sub3A_70 = arith.constant 1 : i32
      %sub3A_71 = arith.subi %select_n3A_68, %sub3A_70 : i32
      %select_n3A_72 = arith.constant true
      %select_n3A_73 = arith.select %select_n3A_72, %sub3A_71, %select_n3A_68 : i32
      %eq3A_74 = arith.constant -1 : i32
      %eq3A_75 = arith.cmpi eq, %select_n3A_73, %eq3A_74 : i32
      %select_n3A_76 = arith.constant 7 : i32
      %select_n3A_77 = arith.select %eq3A_75, %select_n3A_76, %select_n3A_73 : i32
      %add3A_78 = arith.addi %select_n3A_77, %mul3A_0 : i32
      %add3A_79 = arith.constant 1 : i32
      %add3A_80 = arith.addi %select_n3A_68, %add3A_79 : i32
      %select_n3A_81 = arith.constant true
      %select_n3A_82 = arith.select %select_n3A_81, %add3A_80, %select_n3A_68 : i32
      %eq3A_83 = arith.constant 8 : i32
      %eq3A_84 = arith.cmpi eq, %select_n3A_82, %eq3A_83 : i32
      %select_n3A_85 = arith.constant 0 : i32
      %select_n3A_86 = arith.select %eq3A_84, %select_n3A_85, %select_n3A_82 : i32
      %add3A_87 = arith.addi %select_n3A_86, %mul3A_0 : i32
      %add3A_88 = arith.constant 1 : i32
      %add3A_89 = arith.addi %select_n3A_86, %add3A_88 : i32
      %select_n3A_90 = arith.constant true
      %select_n3A_91 = arith.select %select_n3A_90, %add3A_89, %select_n3A_86 : i32
      %eq3A_92 = arith.constant 8 : i32
      %eq3A_93 = arith.cmpi eq, %select_n3A_91, %eq3A_92 : i32
      %select_n3A_94 = arith.constant 0 : i32
      %select_n3A_95 = arith.select %eq3A_93, %select_n3A_94, %select_n3A_91 : i32
      %add3A_96 = arith.addi %select_n3A_95, %mul3A_0 : i32
      "tpu.trace_start"() <{level = 10 : i32, message = "ep_finalize"}> : () -> ()
      %rem3A_97 = arith.constant 2 : i32
      %rem3A_98 = arith.remui %scan3A_60#3, %rem3A_97 : i32
      %mul3A_99 = arith.constant 128 : i32
      %mul3A_100 = arith.muli %mul3A_99, %add3A_69 : i32
      %dma_wait3A = arith.constant 0 : i32
      %dma_wait3A_101 = arith.constant 0 : i32
      %dma_wait3A_102 = tpu.memref_slice %run_scoped3A_2[%rem3A_98, %dma_wait3A, %dma_wait3A_101] : memref<2x128x256xi32, #tpu.memory_space<vmem>> -> memref<1x128x256xi32, #tpu.memory_space<vmem>>
      %dma_wait3A_103 = tpu.memref_squeeze %dma_wait3A_102 : memref<1x128x256xi32, #tpu.memory_space<vmem>> -> memref<128x256xi32, #tpu.memory_space<vmem>>
      %dma_wait3A_104 = arith.constant 0 : i32
      %dma_wait3A_105 = tpu.memref_slice %arg4[%mul3A_100, %dma_wait3A_104] : memref<16384x256xi32, #tpu.memory_space<hbm>> -> memref<128x256xi32, #tpu.memory_space<hbm>>
      %dma_wait3A_106 = tpu.memref_slice %run_scoped3A_3[%rem3A_98] : memref<2x!tpu.dma_semaphore, #tpu.memory_space<semaphore_mem>> -> memref<1x!tpu.dma_semaphore, #tpu.memory_space<semaphore_mem>>
      %dma_wait3A_107 = tpu.memref_squeeze %dma_wait3A_106 : memref<1x!tpu.dma_semaphore, #tpu.memory_space<semaphore_mem>> -> memref<!tpu.dma_semaphore, #tpu.memory_space<semaphore_mem>>
      %dma_wait3A_108 = arith.constant 0 : i32
      %dma_wait3A_109 = tpu.memref_slice %arg4[%mul3A_100, %dma_wait3A_108] : memref<16384x256xi32, #tpu.memory_space<hbm>> -> memref<128x256xi32, #tpu.memory_space<hbm>>
      %dma_wait3A_110 = arith.constant 0 : i32
      %dma_wait3A_111 = arith.constant 0 : i32
      %dma_wait3A_112 = tpu.memref_slice %run_scoped3A_2[%rem3A_98, %dma_wait3A_110, %dma_wait3A_111] : memref<2x128x256xi32, #tpu.memory_space<vmem>> -> memref<1x128x256xi32, #tpu.memory_space<vmem>>
      %dma_wait3A_113 = tpu.memref_squeeze %dma_wait3A_112 : memref<1x128x256xi32, #tpu.memory_space<vmem>> -> memref<128x256xi32, #tpu.memory_space<vmem>>
      tpu.wait_dma2 semaphore(%dma_wait3A_107 : memref<!tpu.dma_semaphore, #tpu.memory_space<semaphore_mem>>) src(%dma_wait3A_113 : memref<128x256xi32, #tpu.memory_space<vmem>>) dst(%dma_wait3A_109 : memref<128x256xi32, #tpu.memory_space<hbm>>)
      "tpu.trace_stop"() : () -> ()
      tpu.yield
    }) : () -> ()
    return
  }
}

module attributes {stable_mosaic.version = 14 : i64} {
  func.func @_routing_body(%arg0: memref<2048x2048xf32, #tpu.memory_space<vmem>>, %arg1: memref<8x2048xf32, #tpu.memory_space<vmem>>, %arg2: memref<2048x1xi32, #tpu.memory_space<vmem>>, %arg3: memref<2048x1xi32, #tpu.memory_space<vmem>>, %arg4: memref<2048x1xf32, #tpu.memory_space<vmem>>, %arg5: memref<2048x1xf32, #tpu.memory_space<vmem>>, %arg6: memref<1x16xi32, #tpu.memory_space<vmem>>, %arg7: memref<1x16xi32, #tpu.memory_space<vmem>>) attributes {dimension_semantics = [], scalar_prefetch = 0 : i64, scratch_operands = 0 : i64, tpu.core_type = #tpu.core_type<tc>} {
    %get3A = arith.constant 0 : index
    %get3A_0 = arith.constant 0 : index
    %get3A_1 = vector.load %arg0[%get3A, %get3A_0] : memref<2048x2048xf32, #tpu.memory_space<vmem>>, vector<2048x2048xf32>
    %get3A_2 = arith.constant 0 : index
    %get3A_3 = arith.constant 0 : index
    %get3A_4 = vector.load %arg1[%get3A_2, %get3A_3] : memref<8x2048xf32, #tpu.memory_space<vmem>>, vector<8x2048xf32>
    %dot_general3A = arith.constant dense<0.000000e+00> : vector<2048x8xf32>
    %dot_general3A_5 = tpu.matmul %get3A_1, %get3A_4, %dot_general3A {dimension_numbers = #tpu.dot_dimension_numbers<[1], [1], [0], [0], [0, 0, 1, 0], [], []>, transpose_lhs_hint = false} : vector<2048x2048xf32>, vector<8x2048xf32>, vector<2048x8xf32> -> vector<2048x8xf32>
    %iota3A = tpu.iota {dimensions = array<i32: 1>} : vector<2048x8xi32>
    %reduce_max3A = arith.constant dense<0xFF800000> : vector<2048xf32>
    %reduce_max3A_6 = vector.multi_reduction <maximumf>, %dot_general3A_5, %reduce_max3A [1] : vector<2048x8xf32> to vector<2048xf32>
    %broadcast_in_dim3A = vector.shape_cast %reduce_max3A_6 : vector<2048xf32> to vector<2048x1xf32>
    %eq3A = vector.broadcast %broadcast_in_dim3A : vector<2048x1xf32> to vector<2048x8xf32>
    %eq3A_7 = arith.cmpf oeq, %dot_general3A_5, %eq3A : vector<2048x8xf32>
    %jit3A = arith.constant 8 : i32
    %broadcast_in_dim3A_8 = vector.broadcast %jit3A : i32 to vector<2048x8xi32>
    %select_n3A = arith.select %eq3A_7, %iota3A, %broadcast_in_dim3A_8 : vector<2048x8xi1>, vector<2048x8xi32>
    %reduce_min3A = arith.constant dense<2147483647> : vector<2048xi32>
    %reduce_min3A_9 = vector.multi_reduction <minsi>, %select_n3A, %reduce_min3A [1] : vector<2048x8xi32> to vector<2048xi32>
    %broadcast_in_dim3A_10 = vector.shape_cast %reduce_min3A_9 : vector<2048xi32> to vector<2048x1xi32>
    %eq3A_11 = vector.broadcast %broadcast_in_dim3A_10 : vector<2048x1xi32> to vector<2048x8xi32>
    %eq3A_12 = arith.cmpi eq, %iota3A, %eq3A_11 : vector<2048x8xi32>
    %jit3A_13 = arith.constant 0xFF800000 : f32
    %broadcast_in_dim3A_14 = vector.broadcast %jit3A_13 : f32 to vector<2048x8xf32>
    %select_n3A_15 = arith.select %eq3A_12, %broadcast_in_dim3A_14, %dot_general3A_5 : vector<2048x8xi1>, vector<2048x8xf32>
    %reduce_max3A_16 = arith.constant dense<0xFF800000> : vector<2048xf32>
    %reduce_max3A_17 = vector.multi_reduction <maximumf>, %select_n3A_15, %reduce_max3A_16 [1] : vector<2048x8xf32> to vector<2048xf32>
    %broadcast_in_dim3A_18 = vector.shape_cast %reduce_max3A_17 : vector<2048xf32> to vector<2048x1xf32>
    %eq3A_19 = vector.broadcast %broadcast_in_dim3A_18 : vector<2048x1xf32> to vector<2048x8xf32>
    %eq3A_20 = arith.cmpf oeq, %select_n3A_15, %eq3A_19 : vector<2048x8xf32>
    %jit3A_21 = arith.constant 8 : i32
    %broadcast_in_dim3A_22 = vector.broadcast %jit3A_21 : i32 to vector<2048x8xi32>
    %select_n3A_23 = arith.select %eq3A_20, %iota3A, %broadcast_in_dim3A_22 : vector<2048x8xi1>, vector<2048x8xi32>
    %reduce_min3A_24 = arith.constant dense<2147483647> : vector<2048xi32>
    %reduce_min3A_25 = vector.multi_reduction <minsi>, %select_n3A_23, %reduce_min3A_24 [1] : vector<2048x8xi32> to vector<2048xi32>
    %broadcast_in_dim3A_26 = vector.shape_cast %reduce_min3A_25 : vector<2048xi32> to vector<2048x1xi32>
    %eq3A_27 = vector.broadcast %broadcast_in_dim3A_26 : vector<2048x1xi32> to vector<2048x8xi32>
    %eq3A_28 = arith.cmpi eq, %iota3A, %eq3A_27 : vector<2048x8xi32>
    %sub3A = arith.subf %broadcast_in_dim3A_18, %broadcast_in_dim3A : vector<2048x1xf32>
    %exp3A = math.exp %sub3A : vector<2048x1xf32>
    %add3A = arith.constant 1.000000e+00 : f32
    %add3A_29 = vector.broadcast %add3A : f32 to vector<2048x1xf32>
    %add3A_30 = arith.addf %add3A_29, %exp3A : vector<2048x1xf32>
    %div3A = arith.constant 1.000000e+00 : f32
    %div3A_31 = vector.broadcast %div3A : f32 to vector<2048x1xf32>
    %div3A_32 = arith.divf %div3A_31, %add3A_30 : vector<2048x1xf32>
    %swap3A = arith.constant 0 : index
    %swap3A_33 = arith.constant 0 : index
    %swap3A_34 = vector.load %arg4[%swap3A, %swap3A_33] : memref<2048x1xf32, #tpu.memory_space<vmem>>, vector<2048x1xf32>
    tpu.vector_store %arg4[%swap3A, %swap3A_33], %div3A_32 {strides = array<i32>} : memref<2048x1xf32, #tpu.memory_space<vmem>>, vector<2048x1xf32>,
    %get3A_35 = arith.constant 0 : index
    %get3A_36 = arith.constant 0 : index
    %get3A_37 = vector.load %arg4[%get3A_35, %get3A_36] : memref<2048x1xf32, #tpu.memory_space<vmem>>, vector<2048x1xf32>
    %sub3A_38 = arith.constant 1.000000e+00 : f32
    %sub3A_39 = vector.broadcast %sub3A_38 : f32 to vector<2048x1xf32>
    %sub3A_40 = arith.subf %sub3A_39, %get3A_37 : vector<2048x1xf32>
    %swap3A_41 = arith.constant 0 : index
    %swap3A_42 = arith.constant 0 : index
    %swap3A_43 = vector.load %arg5[%swap3A_41, %swap3A_42] : memref<2048x1xf32, #tpu.memory_space<vmem>>, vector<2048x1xf32>
    tpu.vector_store %arg5[%swap3A_41, %swap3A_42], %sub3A_40 {strides = array<i32>} : memref<2048x1xf32, #tpu.memory_space<vmem>>, vector<2048x1xf32>,
    %convert_element_type3A = arith.extui %eq3A_12 : vector<2048x8xi1> to vector<2048x8xi32>
    %convert_element_type3A_44 = arith.sitofp %convert_element_type3A : vector<2048x8xi32> to vector<2048x8xf32>
    %convert_element_type3A_45 = arith.extui %eq3A_28 : vector<2048x8xi1> to vector<2048x8xi32>
    %convert_element_type3A_46 = arith.sitofp %convert_element_type3A_45 : vector<2048x8xi32> to vector<2048x8xf32>
    %iota3A_47 = tpu.iota {dimensions = array<i32: 0>} : vector<512x512xi32>
    %iota3A_48 = tpu.iota {dimensions = array<i32: 1>} : vector<512x512xi32>
    %gt3A = arith.cmpi sgt, %iota3A_47, %iota3A_48 : vector<512x512xi32>
    %convert_element_type3A_49 = arith.extui %gt3A : vector<512x512xi1> to vector<512x512xi32>
    %convert_element_type3A_50 = arith.sitofp %convert_element_type3A_49 : vector<512x512xi32> to vector<512x512xf32>
    %broadcast_in_dim3A_51 = arith.constant 0.000000e+00 : f32
    %broadcast_in_dim3A_52 = vector.broadcast %broadcast_in_dim3A_51 : f32 to vector<1x8xf32>
    %slice3A = vector.extract_strided_slice %convert_element_type3A_44 {offsets = [0, 0], sizes = [512, 8], strides = [1, 1]} : vector<2048x8xf32> to vector<512x8xf32>
    %dot_general3A_53 = arith.constant dense<0.000000e+00> : vector<512x8xf32>
    %dot_general3A_54 = tpu.matmul %convert_element_type3A_50, %slice3A, %dot_general3A_53 {dimension_numbers = #tpu.dot_dimension_numbers<[1], [0], [0], [1], [0, 0, 1, 1], [], []>, transpose_lhs_hint = false} : vector<512x512xf32>, vector<512x8xf32>, vector<512x8xf32> -> vector<512x8xf32>
    %add3A_55 = vector.broadcast %broadcast_in_dim3A_52 : vector<1x8xf32> to vector<512x8xf32>
    %add3A_56 = arith.addf %dot_general3A_54, %add3A_55 : vector<512x8xf32>
    %slice3A_57 = vector.extract_strided_slice %eq3A_12 {offsets = [0, 0], sizes = [512, 8], strides = [1, 1]} : vector<2048x8xi1> to vector<512x8xi1>
    %jit3A_58 = arith.constant 0.000000e+00 : f32
    %broadcast_in_dim3A_59 = vector.broadcast %jit3A_58 : f32 to vector<512x8xf32>
    %select_n3A_60 = arith.select %slice3A_57, %add3A_56, %broadcast_in_dim3A_59 : vector<512x8xi1>, vector<512x8xf32>
    %reduce_sum3A = arith.constant dense<0.000000e+00> : vector<512xf32>
    %reduce_sum3A_61 = vector.multi_reduction <add>, %select_n3A_60, %reduce_sum3A [1] : vector<512x8xf32> to vector<512xf32>
    %broadcast_in_dim3A_62 = vector.shape_cast %reduce_sum3A_61 : vector<512xf32> to vector<512x1xf32>
    %reduce_sum3A_63 = arith.constant dense<0.000000e+00> : vector<8xf32>
    %reduce_sum3A_64 = vector.multi_reduction <add>, %slice3A, %reduce_sum3A_63 [0] : vector<512x8xf32> to vector<8xf32>
    %broadcast_in_dim3A_65 = vector.shape_cast %reduce_sum3A_64 : vector<8xf32> to vector<1x8xf32>
    %add3A_66 = arith.addf %broadcast_in_dim3A_52, %broadcast_in_dim3A_65 : vector<1x8xf32>
    %slice3A_67 = vector.extract_strided_slice %convert_element_type3A_44 {offsets = [512, 0], sizes = [512, 8], strides = [1, 1]} : vector<2048x8xf32> to vector<512x8xf32>
    %dot_general3A_68 = arith.constant dense<0.000000e+00> : vector<512x8xf32>
    %dot_general3A_69 = tpu.matmul %convert_element_type3A_50, %slice3A_67, %dot_general3A_68 {dimension_numbers = #tpu.dot_dimension_numbers<[1], [0], [0], [1], [0, 0, 1, 1], [], []>, transpose_lhs_hint = false} : vector<512x512xf32>, vector<512x8xf32>, vector<512x8xf32> -> vector<512x8xf32>
    %add3A_70 = vector.broadcast %add3A_66 : vector<1x8xf32> to vector<512x8xf32>
    %add3A_71 = arith.addf %dot_general3A_69, %add3A_70 : vector<512x8xf32>
    %slice3A_72 = vector.extract_strided_slice %eq3A_12 {offsets = [512, 0], sizes = [512, 8], strides = [1, 1]} : vector<2048x8xi1> to vector<512x8xi1>
    %jit3A_73 = arith.constant 0.000000e+00 : f32
    %broadcast_in_dim3A_74 = vector.broadcast %jit3A_73 : f32 to vector<512x8xf32>
    %select_n3A_75 = arith.select %slice3A_72, %add3A_71, %broadcast_in_dim3A_74 : vector<512x8xi1>, vector<512x8xf32>
    %reduce_sum3A_76 = arith.constant dense<0.000000e+00> : vector<512xf32>
    %reduce_sum3A_77 = vector.multi_reduction <add>, %select_n3A_75, %reduce_sum3A_76 [1] : vector<512x8xf32> to vector<512xf32>
    %broadcast_in_dim3A_78 = vector.shape_cast %reduce_sum3A_77 : vector<512xf32> to vector<512x1xf32>
    %reduce_sum3A_79 = arith.constant dense<0.000000e+00> : vector<8xf32>
    %reduce_sum3A_80 = vector.multi_reduction <add>, %slice3A_67, %reduce_sum3A_79 [0] : vector<512x8xf32> to vector<8xf32>
    %broadcast_in_dim3A_81 = vector.shape_cast %reduce_sum3A_80 : vector<8xf32> to vector<1x8xf32>
    %add3A_82 = arith.addf %add3A_66, %broadcast_in_dim3A_81 : vector<1x8xf32>
    %slice3A_83 = vector.extract_strided_slice %convert_element_type3A_44 {offsets = [1024, 0], sizes = [512, 8], strides = [1, 1]} : vector<2048x8xf32> to vector<512x8xf32>
    %dot_general3A_84 = arith.constant dense<0.000000e+00> : vector<512x8xf32>
    %dot_general3A_85 = tpu.matmul %convert_element_type3A_50, %slice3A_83, %dot_general3A_84 {dimension_numbers = #tpu.dot_dimension_numbers<[1], [0], [0], [1], [0, 0, 1, 1], [], []>, transpose_lhs_hint = false} : vector<512x512xf32>, vector<512x8xf32>, vector<512x8xf32> -> vector<512x8xf32>
    %add3A_86 = vector.broadcast %add3A_82 : vector<1x8xf32> to vector<512x8xf32>
    %add3A_87 = arith.addf %dot_general3A_85, %add3A_86 : vector<512x8xf32>
    %slice3A_88 = vector.extract_strided_slice %eq3A_12 {offsets = [1024, 0], sizes = [512, 8], strides = [1, 1]} : vector<2048x8xi1> to vector<512x8xi1>
    %jit3A_89 = arith.constant 0.000000e+00 : f32
    %broadcast_in_dim3A_90 = vector.broadcast %jit3A_89 : f32 to vector<512x8xf32>
    %select_n3A_91 = arith.select %slice3A_88, %add3A_87, %broadcast_in_dim3A_90 : vector<512x8xi1>, vector<512x8xf32>
    %reduce_sum3A_92 = arith.constant dense<0.000000e+00> : vector<512xf32>
    %reduce_sum3A_93 = vector.multi_reduction <add>, %select_n3A_91, %reduce_sum3A_92 [1] : vector<512x8xf32> to vector<512xf32>
    %broadcast_in_dim3A_94 = vector.shape_cast %reduce_sum3A_93 : vector<512xf32> to vector<512x1xf32>
    %reduce_sum3A_95 = arith.constant dense<0.000000e+00> : vector<8xf32>
    %reduce_sum3A_96 = vector.multi_reduction <add>, %slice3A_83, %reduce_sum3A_95 [0] : vector<512x8xf32> to vector<8xf32>
    %broadcast_in_dim3A_97 = vector.shape_cast %reduce_sum3A_96 : vector<8xf32> to vector<1x8xf32>
    %add3A_98 = arith.addf %add3A_82, %broadcast_in_dim3A_97 : vector<1x8xf32>
    %slice3A_99 = vector.extract_strided_slice %convert_element_type3A_44 {offsets = [1536, 0], sizes = [512, 8], strides = [1, 1]} : vector<2048x8xf32> to vector<512x8xf32>
    %dot_general3A_100 = arith.constant dense<0.000000e+00> : vector<512x8xf32>
    %dot_general3A_101 = tpu.matmul %convert_element_type3A_50, %slice3A_99, %dot_general3A_100 {dimension_numbers = #tpu.dot_dimension_numbers<[1], [0], [0], [1], [0, 0, 1, 1], [], []>, transpose_lhs_hint = false} : vector<512x512xf32>, vector<512x8xf32>, vector<512x8xf32> -> vector<512x8xf32>
    %add3A_102 = vector.broadcast %add3A_98 : vector<1x8xf32> to vector<512x8xf32>
    %add3A_103 = arith.addf %dot_general3A_101, %add3A_102 : vector<512x8xf32>
    %slice3A_104 = vector.extract_strided_slice %eq3A_12 {offsets = [1536, 0], sizes = [512, 8], strides = [1, 1]} : vector<2048x8xi1> to vector<512x8xi1>
    %jit3A_105 = arith.constant 0.000000e+00 : f32
    %broadcast_in_dim3A_106 = vector.broadcast %jit3A_105 : f32 to vector<512x8xf32>
    %select_n3A_107 = arith.select %slice3A_104, %add3A_103, %broadcast_in_dim3A_106 : vector<512x8xi1>, vector<512x8xf32>
    %reduce_sum3A_108 = arith.constant dense<0.000000e+00> : vector<512xf32>
    %reduce_sum3A_109 = vector.multi_reduction <add>, %select_n3A_107, %reduce_sum3A_108 [1] : vector<512x8xf32> to vector<512xf32>
    %broadcast_in_dim3A_110 = vector.shape_cast %reduce_sum3A_109 : vector<512xf32> to vector<512x1xf32>
    %reduce_sum3A_111 = arith.constant dense<0.000000e+00> : vector<8xf32>
    %reduce_sum3A_112 = vector.multi_reduction <add>, %slice3A_99, %reduce_sum3A_111 [0] : vector<512x8xf32> to vector<8xf32>
    %broadcast_in_dim3A_113 = vector.shape_cast %reduce_sum3A_112 : vector<8xf32> to vector<1x8xf32>
    %add3A_114 = arith.addf %add3A_98, %broadcast_in_dim3A_113 : vector<1x8xf32>
    %concatenate3A = tpu.concatenate %broadcast_in_dim3A_62, %broadcast_in_dim3A_78, %broadcast_in_dim3A_94, %broadcast_in_dim3A_110 in 0 : vector<512x1xf32>, vector<512x1xf32>, vector<512x1xf32>, vector<512x1xf32> -> vector<2048x1xf32>
    %slice3A_115 = vector.extract_strided_slice %convert_element_type3A_46 {offsets = [0, 0], sizes = [512, 8], strides = [1, 1]} : vector<2048x8xf32> to vector<512x8xf32>
    %dot_general3A_116 = arith.constant dense<0.000000e+00> : vector<512x8xf32>
    %dot_general3A_117 = tpu.matmul %convert_element_type3A_50, %slice3A_115, %dot_general3A_116 {dimension_numbers = #tpu.dot_dimension_numbers<[1], [0], [0], [1], [0, 0, 1, 1], [], []>, transpose_lhs_hint = false} : vector<512x512xf32>, vector<512x8xf32>, vector<512x8xf32> -> vector<512x8xf32>
    %add3A_118 = vector.broadcast %add3A_114 : vector<1x8xf32> to vector<512x8xf32>
    %add3A_119 = arith.addf %dot_general3A_117, %add3A_118 : vector<512x8xf32>
    %slice3A_120 = vector.extract_strided_slice %eq3A_28 {offsets = [0, 0], sizes = [512, 8], strides = [1, 1]} : vector<2048x8xi1> to vector<512x8xi1>
    %jit3A_121 = arith.constant 0.000000e+00 : f32
    %broadcast_in_dim3A_122 = vector.broadcast %jit3A_121 : f32 to vector<512x8xf32>
    %select_n3A_123 = arith.select %slice3A_120, %add3A_119, %broadcast_in_dim3A_122 : vector<512x8xi1>, vector<512x8xf32>
    %reduce_sum3A_124 = arith.constant dense<0.000000e+00> : vector<512xf32>
    %reduce_sum3A_125 = vector.multi_reduction <add>, %select_n3A_123, %reduce_sum3A_124 [1] : vector<512x8xf32> to vector<512xf32>
    %broadcast_in_dim3A_126 = vector.shape_cast %reduce_sum3A_125 : vector<512xf32> to vector<512x1xf32>
    %reduce_sum3A_127 = arith.constant dense<0.000000e+00> : vector<8xf32>
    %reduce_sum3A_128 = vector.multi_reduction <add>, %slice3A_115, %reduce_sum3A_127 [0] : vector<512x8xf32> to vector<8xf32>
    %broadcast_in_dim3A_129 = vector.shape_cast %reduce_sum3A_128 : vector<8xf32> to vector<1x8xf32>
    %add3A_130 = arith.addf %add3A_114, %broadcast_in_dim3A_129 : vector<1x8xf32>
    %slice3A_131 = vector.extract_strided_slice %convert_element_type3A_46 {offsets = [512, 0], sizes = [512, 8], strides = [1, 1]} : vector<2048x8xf32> to vector<512x8xf32>
    %dot_general3A_132 = arith.constant dense<0.000000e+00> : vector<512x8xf32>
    %dot_general3A_133 = tpu.matmul %convert_element_type3A_50, %slice3A_131, %dot_general3A_132 {dimension_numbers = #tpu.dot_dimension_numbers<[1], [0], [0], [1], [0, 0, 1, 1], [], []>, transpose_lhs_hint = false} : vector<512x512xf32>, vector<512x8xf32>, vector<512x8xf32> -> vector<512x8xf32>
    %add3A_134 = vector.broadcast %add3A_130 : vector<1x8xf32> to vector<512x8xf32>
    %add3A_135 = arith.addf %dot_general3A_133, %add3A_134 : vector<512x8xf32>
    %slice3A_136 = vector.extract_strided_slice %eq3A_28 {offsets = [512, 0], sizes = [512, 8], strides = [1, 1]} : vector<2048x8xi1> to vector<512x8xi1>
    %jit3A_137 = arith.constant 0.000000e+00 : f32
    %broadcast_in_dim3A_138 = vector.broadcast %jit3A_137 : f32 to vector<512x8xf32>
    %select_n3A_139 = arith.select %slice3A_136, %add3A_135, %broadcast_in_dim3A_138 : vector<512x8xi1>, vector<512x8xf32>
    %reduce_sum3A_140 = arith.constant dense<0.000000e+00> : vector<512xf32>
    %reduce_sum3A_141 = vector.multi_reduction <add>, %select_n3A_139, %reduce_sum3A_140 [1] : vector<512x8xf32> to vector<512xf32>
    %broadcast_in_dim3A_142 = vector.shape_cast %reduce_sum3A_141 : vector<512xf32> to vector<512x1xf32>
    %reduce_sum3A_143 = arith.constant dense<0.000000e+00> : vector<8xf32>
    %reduce_sum3A_144 = vector.multi_reduction <add>, %slice3A_131, %reduce_sum3A_143 [0] : vector<512x8xf32> to vector<8xf32>
    %broadcast_in_dim3A_145 = vector.shape_cast %reduce_sum3A_144 : vector<8xf32> to vector<1x8xf32>
    %add3A_146 = arith.addf %add3A_130, %broadcast_in_dim3A_145 : vector<1x8xf32>
    %slice3A_147 = vector.extract_strided_slice %convert_element_type3A_46 {offsets = [1024, 0], sizes = [512, 8], strides = [1, 1]} : vector<2048x8xf32> to vector<512x8xf32>
    %dot_general3A_148 = arith.constant dense<0.000000e+00> : vector<512x8xf32>
    %dot_general3A_149 = tpu.matmul %convert_element_type3A_50, %slice3A_147, %dot_general3A_148 {dimension_numbers = #tpu.dot_dimension_numbers<[1], [0], [0], [1], [0, 0, 1, 1], [], []>, transpose_lhs_hint = false} : vector<512x512xf32>, vector<512x8xf32>, vector<512x8xf32> -> vector<512x8xf32>
    %add3A_150 = vector.broadcast %add3A_146 : vector<1x8xf32> to vector<512x8xf32>
    %add3A_151 = arith.addf %dot_general3A_149, %add3A_150 : vector<512x8xf32>
    %slice3A_152 = vector.extract_strided_slice %eq3A_28 {offsets = [1024, 0], sizes = [512, 8], strides = [1, 1]} : vector<2048x8xi1> to vector<512x8xi1>
    %jit3A_153 = arith.constant 0.000000e+00 : f32
    %broadcast_in_dim3A_154 = vector.broadcast %jit3A_153 : f32 to vector<512x8xf32>
    %select_n3A_155 = arith.select %slice3A_152, %add3A_151, %broadcast_in_dim3A_154 : vector<512x8xi1>, vector<512x8xf32>
    %reduce_sum3A_156 = arith.constant dense<0.000000e+00> : vector<512xf32>
    %reduce_sum3A_157 = vector.multi_reduction <add>, %select_n3A_155, %reduce_sum3A_156 [1] : vector<512x8xf32> to vector<512xf32>
    %broadcast_in_dim3A_158 = vector.shape_cast %reduce_sum3A_157 : vector<512xf32> to vector<512x1xf32>
    %reduce_sum3A_159 = arith.constant dense<0.000000e+00> : vector<8xf32>
    %reduce_sum3A_160 = vector.multi_reduction <add>, %slice3A_147, %reduce_sum3A_159 [0] : vector<512x8xf32> to vector<8xf32>
    %broadcast_in_dim3A_161 = vector.shape_cast %reduce_sum3A_160 : vector<8xf32> to vector<1x8xf32>
    %add3A_162 = arith.addf %add3A_146, %broadcast_in_dim3A_161 : vector<1x8xf32>
    %slice3A_163 = vector.extract_strided_slice %convert_element_type3A_46 {offsets = [1536, 0], sizes = [512, 8], strides = [1, 1]} : vector<2048x8xf32> to vector<512x8xf32>
    %dot_general3A_164 = arith.constant dense<0.000000e+00> : vector<512x8xf32>
    %dot_general3A_165 = tpu.matmul %convert_element_type3A_50, %slice3A_163, %dot_general3A_164 {dimension_numbers = #tpu.dot_dimension_numbers<[1], [0], [0], [1], [0, 0, 1, 1], [], []>, transpose_lhs_hint = false} : vector<512x512xf32>, vector<512x8xf32>, vector<512x8xf32> -> vector<512x8xf32>
    %add3A_166 = vector.broadcast %add3A_162 : vector<1x8xf32> to vector<512x8xf32>
    %add3A_167 = arith.addf %dot_general3A_165, %add3A_166 : vector<512x8xf32>
    %slice3A_168 = vector.extract_strided_slice %eq3A_28 {offsets = [1536, 0], sizes = [512, 8], strides = [1, 1]} : vector<2048x8xi1> to vector<512x8xi1>
    %jit3A_169 = arith.constant 0.000000e+00 : f32
    %broadcast_in_dim3A_170 = vector.broadcast %jit3A_169 : f32 to vector<512x8xf32>
    %select_n3A_171 = arith.select %slice3A_168, %add3A_167, %broadcast_in_dim3A_170 : vector<512x8xi1>, vector<512x8xf32>
    %reduce_sum3A_172 = arith.constant dense<0.000000e+00> : vector<512xf32>
    %reduce_sum3A_173 = vector.multi_reduction <add>, %select_n3A_171, %reduce_sum3A_172 [1] : vector<512x8xf32> to vector<512xf32>
    %broadcast_in_dim3A_174 = vector.shape_cast %reduce_sum3A_173 : vector<512xf32> to vector<512x1xf32>
    %reduce_sum3A_175 = arith.constant dense<0.000000e+00> : vector<8xf32>
    %reduce_sum3A_176 = vector.multi_reduction <add>, %slice3A_163, %reduce_sum3A_175 [0] : vector<512x8xf32> to vector<8xf32>
    %broadcast_in_dim3A_177 = vector.shape_cast %reduce_sum3A_176 : vector<8xf32> to vector<1x8xf32>
    %add3A_178 = arith.addf %add3A_162, %broadcast_in_dim3A_177 : vector<1x8xf32>
    %concatenate3A_179 = tpu.concatenate %broadcast_in_dim3A_126, %broadcast_in_dim3A_142, %broadcast_in_dim3A_158, %broadcast_in_dim3A_174 in 0 : vector<512x1xf32>, vector<512x1xf32>, vector<512x1xf32>, vector<512x1xf32> -> vector<2048x1xf32>
    %div3A_180 = arith.constant 5.120000e+02 : f32
    %div3A_181 = vector.broadcast %div3A_180 : f32 to vector<1x8xf32>
    %div3A_182 = arith.divf %add3A_178, %div3A_181 : vector<1x8xf32>
    %ceil3A = math.ceil %div3A_182 : vector<1x8xf32>
    %mul3A = arith.constant 5.120000e+02 : f32
    %mul3A_183 = vector.broadcast %mul3A : f32 to vector<1x8xf32>
    %mul3A_184 = arith.mulf %ceil3A, %mul3A_183 : vector<1x8xf32>
    %iota3A_185 = tpu.iota {dimensions = array<i32: 0>} : vector<8x8xi32>
    %iota3A_186 = tpu.iota {dimensions = array<i32: 1>} : vector<8x8xi32>
    %lt3A = arith.cmpi slt, %iota3A_185, %iota3A_186 : vector<8x8xi32>
    %convert_element_type3A_187 = arith.extui %lt3A : vector<8x8xi1> to vector<8x8xi32>
    %convert_element_type3A_188 = arith.sitofp %convert_element_type3A_187 : vector<8x8xi32> to vector<8x8xf32>
    %dot_general3A_189 = arith.constant dense<0.000000e+00> : vector<1x8xf32>
    %dot_general3A_190 = tpu.matmul %mul3A_184, %convert_element_type3A_188, %dot_general3A_189 {dimension_numbers = #tpu.dot_dimension_numbers<[1], [0], [0], [1], [0, 0, 1, 1], [], []>, transpose_lhs_hint = false} : vector<1x8xf32>, vector<8x8xf32>, vector<1x8xf32> -> vector<1x8xf32>
    %jit3A_191 = arith.constant 0.000000e+00 : f32
    %broadcast_in_dim3A_192 = vector.shape_cast %dot_general3A_190 : vector<1x8xf32> to vector<1x8xf32>
    %broadcast_in_dim3A_193 = vector.broadcast %broadcast_in_dim3A_192 : vector<1x8xf32> to vector<2048x8xf32>
    %broadcast_in_dim3A_194 = vector.broadcast %jit3A_191 : f32 to vector<2048x8xf32>
    %select_n3A_195 = arith.select %eq3A_12, %broadcast_in_dim3A_193, %broadcast_in_dim3A_194 : vector<2048x8xi1>, vector<2048x8xf32>
    %reduce_sum3A_196 = arith.constant dense<0.000000e+00> : vector<2048xf32>
    %reduce_sum3A_197 = vector.multi_reduction <add>, %select_n3A_195, %reduce_sum3A_196 [1] : vector<2048x8xf32> to vector<2048xf32>
    %broadcast_in_dim3A_198 = vector.shape_cast %reduce_sum3A_197 : vector<2048xf32> to vector<2048x1xf32>
    %jit3A_199 = arith.constant 0.000000e+00 : f32
    %broadcast_in_dim3A_200 = vector.shape_cast %dot_general3A_190 : vector<1x8xf32> to vector<1x8xf32>
    %broadcast_in_dim3A_201 = vector.broadcast %broadcast_in_dim3A_200 : vector<1x8xf32> to vector<2048x8xf32>
    %broadcast_in_dim3A_202 = vector.broadcast %jit3A_199 : f32 to vector<2048x8xf32>
    %select_n3A_203 = arith.select %eq3A_28, %broadcast_in_dim3A_201, %broadcast_in_dim3A_202 : vector<2048x8xi1>, vector<2048x8xf32>
    %reduce_sum3A_204 = arith.constant dense<0.000000e+00> : vector<2048xf32>
    %reduce_sum3A_205 = vector.multi_reduction <add>, %select_n3A_203, %reduce_sum3A_204 [1] : vector<2048x8xf32> to vector<2048xf32>
    %broadcast_in_dim3A_206 = vector.shape_cast %reduce_sum3A_205 : vector<2048xf32> to vector<2048x1xf32>
    %add3A_207 = arith.addf %broadcast_in_dim3A_198, %concatenate3A : vector<2048x1xf32>
    %convert_element_type3A_208 = arith.fptosi %add3A_207 : vector<2048x1xf32> to vector<2048x1xi32>
    %swap3A_209 = arith.constant 0 : index
    %swap3A_210 = arith.constant 0 : index
    %swap3A_211 = vector.load %arg2[%swap3A_209, %swap3A_210] : memref<2048x1xi32, #tpu.memory_space<vmem>>, vector<2048x1xi32>
    tpu.vector_store %arg2[%swap3A_209, %swap3A_210], %convert_element_type3A_208 {strides = array<i32>} : memref<2048x1xi32, #tpu.memory_space<vmem>>, vector<2048x1xi32>,
    %add3A_212 = arith.addf %broadcast_in_dim3A_206, %concatenate3A_179 : vector<2048x1xf32>
    %convert_element_type3A_213 = arith.fptosi %add3A_212 : vector<2048x1xf32> to vector<2048x1xi32>
    %swap3A_214 = arith.constant 0 : index
    %swap3A_215 = arith.constant 0 : index
    %swap3A_216 = vector.load %arg3[%swap3A_214, %swap3A_215] : memref<2048x1xi32, #tpu.memory_space<vmem>>, vector<2048x1xi32>
    tpu.vector_store %arg3[%swap3A_214, %swap3A_215], %convert_element_type3A_213 {strides = array<i32>} : memref<2048x1xi32, #tpu.memory_space<vmem>>, vector<2048x1xi32>,
    %add3A_217 = arith.addf %dot_general3A_190, %mul3A_184 : vector<1x8xf32>
    %convert_element_type3A_218 = arith.fptosi %add3A_217 : vector<1x8xf32> to vector<1x8xi32>
    %iota3A_219 = tpu.iota {dimensions = array<i32: 1>} : vector<8x16xi32>
    %mul3A_220 = arith.constant 512 : i32
    %mul3A_221 = vector.broadcast %mul3A_220 : i32 to vector<8x16xi32>
    %mul3A_222 = arith.muli %iota3A_219, %mul3A_221 : vector<8x16xi32>
    %transpose3A = tpu.transpose %convert_element_type3A_218, [1, 0] : vector<1x8xi32> -> vector<8x1xi32>
    %ge3A = vector.broadcast %transpose3A : vector<8x1xi32> to vector<8x16xi32>
    %ge3A_223 = arith.cmpi sge, %mul3A_222, %ge3A : vector<8x16xi32>
    %convert_element_type3A_224 = arith.extui %ge3A_223 : vector<8x16xi1> to vector<8x16xi32>
    %reduce_sum3A_225 = arith.constant dense<0> : vector<16xi32>
    %reduce_sum3A_226 = vector.multi_reduction <add>, %convert_element_type3A_224, %reduce_sum3A_225 [0] : vector<8x16xi32> to vector<16xi32>
    %broadcast_in_dim3A_227 = vector.shape_cast %reduce_sum3A_226 : vector<16xi32> to vector<1x16xi32>
    %min3A = arith.constant 7 : i32
    %min3A_228 = vector.broadcast %min3A : i32 to vector<1x16xi32>
    %min3A_229 = arith.minsi %broadcast_in_dim3A_227, %min3A_228 : vector<1x16xi32>
    %swap3A_230 = arith.constant 0 : index
    %swap3A_231 = arith.constant 0 : index
    %swap3A_232 = vector.load %arg6[%swap3A_230, %swap3A_231] : memref<1x16xi32, #tpu.memory_space<vmem>>, vector<1x16xi32>
    tpu.vector_store %arg6[%swap3A_230, %swap3A_231], %min3A_229 {strides = array<i32>} : memref<1x16xi32, #tpu.memory_space<vmem>>, vector<1x16xi32>,
    %reduce_sum3A_233 = vector.shape_cast %mul3A_184 : vector<1x8xf32> to vector<1x1x8xf32>
    %reduce_sum3A_234 = arith.constant dense<0.000000e+00> : vector<1xf32>
    %reduce_sum3A_235 = vector.multi_reduction <add>, %reduce_sum3A_233, %reduce_sum3A_234 [1, 2] : vector<1x1x8xf32> to vector<1xf32>
    %reduce_sum3A_236 = vector.shape_cast %reduce_sum3A_235 : vector<1xf32> to vector<1x1x1xf32>
    %reduce_sum3A_237 = vector.extract %reduce_sum3A_236[0, 0, 0] : f32 from vector<1x1x1xf32>
    %convert_element_type3A_238 = arith.fptosi %reduce_sum3A_237 : f32 to i32
    %iota3A_239 = tpu.iota {dimensions = array<i32: 1>} : vector<1x16xi32>
    %mul3A_240 = arith.constant 512 : i32
    %mul3A_241 = vector.broadcast %mul3A_240 : i32 to vector<1x16xi32>
    %mul3A_242 = arith.muli %iota3A_239, %mul3A_241 : vector<1x16xi32>
    %lt3A_243 = vector.broadcast %convert_element_type3A_238 : i32 to vector<1x16xi32>
    %lt3A_244 = arith.cmpi slt, %mul3A_242, %lt3A_243 : vector<1x16xi32>
    %convert_element_type3A_245 = arith.extui %lt3A_244 : vector<1x16xi1> to vector<1x16xi32>
    %swap3A_246 = arith.constant 0 : index
    %swap3A_247 = arith.constant 0 : index
    %swap3A_248 = vector.load %arg7[%swap3A_246, %swap3A_247] : memref<1x16xi32, #tpu.memory_space<vmem>>, vector<1x16xi32>
    tpu.vector_store %arg7[%swap3A_246, %swap3A_247], %convert_element_type3A_245 {strides = array<i32>} : memref<1x16xi32, #tpu.memory_space<vmem>>, vector<1x16xi32>,
    return
  }
}

module attributes {stable_mosaic.version = 14 : i64} {
  func.func @_gu_body(%arg0: i32, %arg1: memref<16xi32, #tpu.memory_space<smem>>, %arg2: memref<16xi32, #tpu.memory_space<smem>>, %arg3: memref<512x2048xbf16, #tpu.memory_space<vmem>>, %arg4: memref<1x1408x2048xf32, #tpu.memory_space<vmem>>, %arg5: memref<1x1408x2048xf32, #tpu.memory_space<vmem>>, %arg6: memref<512x1408xbf16, #tpu.memory_space<vmem>>) attributes {dimension_semantics = [#tpu.dimension_semantics<arbitrary>], iteration_bounds = array<i64: 16>, scalar_prefetch = 2 : i64, scratch_operands = 0 : i64, tpu.core_type = #tpu.core_type<tc>, window_params = [{transform_indices = @transform_0, window_bounds = array<i64: 512, 2048>}, {transform_indices = @transform_1, window_bounds = array<i64: 1, 1408, 2048>}, {transform_indices = @transform_2, window_bounds = array<i64: 1, 1408, 2048>}, {transform_indices = @transform_3, window_bounds = array<i64: 512, 1408>}]} {
    %get3A = arith.index_cast %arg0 : i32 to index
    %get3A_0 = memref.load %arg2[%get3A] : memref<16xi32, #tpu.memory_space<smem>>
    %gt3A = arith.constant 0 : i32
    %gt3A_1 = arith.cmpi sgt, %get3A_0, %gt3A : i32
    %convert_element_type3A = arith.extui %gt3A_1 : i1 to i32
    %cond3A = arith.constant 0 : i32
    %cond3A_2 = arith.cmpi ne, %convert_element_type3A, %cond3A : i32
    scf.if %cond3A_2 {
      %get3A_3 = arith.constant 0 : index
      %get3A_4 = arith.constant 0 : index
      %get3A_5 = vector.load %arg3[%get3A_3, %get3A_4] : memref<512x2048xbf16, #tpu.memory_space<vmem>>, vector<512x2048xbf16>
      %get3A_6 = arith.constant 0 : index
      %get3A_7 = arith.constant 0 : index
      %get3A_8 = arith.constant 0 : index
      %get3A_9 = vector.load %arg4[%get3A_6, %get3A_7, %get3A_8] : memref<1x1408x2048xf32, #tpu.memory_space<vmem>>, vector<1x1408x2048xf32>
      %get3A_10 = vector.shape_cast %get3A_9 : vector<1x1408x2048xf32> to vector<1408x2048xf32>
      %convert_element_type3A_11 = arith.truncf %get3A_10 : vector<1408x2048xf32> to vector<1408x2048xbf16>
      %get3A_12 = arith.constant 0 : index
      %get3A_13 = arith.constant 0 : index
      %get3A_14 = arith.constant 0 : index
      %get3A_15 = vector.load %arg5[%get3A_12, %get3A_13, %get3A_14] : memref<1x1408x2048xf32, #tpu.memory_space<vmem>>, vector<1x1408x2048xf32>
      %get3A_16 = vector.shape_cast %get3A_15 : vector<1x1408x2048xf32> to vector<1408x2048xf32>
      %convert_element_type3A_17 = arith.truncf %get3A_16 : vector<1408x2048xf32> to vector<1408x2048xbf16>
      %dot_general3A = arith.constant dense<0.000000e+00> : vector<512x1408xf32>
      %dot_general3A_18 = tpu.matmul %get3A_5, %convert_element_type3A_11, %dot_general3A {dimension_numbers = #tpu.dot_dimension_numbers<[1], [1], [0], [0], [0, 0, 1, 0], [], []>, transpose_lhs_hint = false} : vector<512x2048xbf16>, vector<1408x2048xbf16>, vector<512x1408xf32> -> vector<512x1408xf32>
      %dot_general3A_19 = arith.constant dense<0.000000e+00> : vector<512x1408xf32>
      %dot_general3A_20 = tpu.matmul %get3A_5, %convert_element_type3A_17, %dot_general3A_19 {dimension_numbers = #tpu.dot_dimension_numbers<[1], [1], [0], [0], [0, 0, 1, 0], [], []>, transpose_lhs_hint = false} : vector<512x2048xbf16>, vector<1408x2048xbf16>, vector<512x1408xf32> -> vector<512x1408xf32>
      %logistic3A = arith.negf %dot_general3A_18 : vector<512x1408xf32>
      %logistic3A_21 = math.exp %logistic3A : vector<512x1408xf32>
      %logistic3A_22 = arith.constant 1.000000e+00 : f32
      %logistic3A_23 = vector.broadcast %logistic3A_22 : f32 to vector<512x1408xf32>
      %logistic3A_24 = arith.addf %logistic3A_23, %logistic3A_21 : vector<512x1408xf32>
      %logistic3A_25 = arith.divf %logistic3A_23, %logistic3A_24 : vector<512x1408xf32>
      %mul3A = arith.mulf %dot_general3A_18, %logistic3A_25 : vector<512x1408xf32>
      %mul3A_26 = arith.mulf %mul3A, %dot_general3A_20 : vector<512x1408xf32>
      %convert_element_type3A_27 = arith.truncf %mul3A_26 : vector<512x1408xf32> to vector<512x1408xbf16>
      %swap3A = arith.constant 0 : index
      %swap3A_28 = arith.constant 0 : index
      %swap3A_29 = vector.load %arg6[%swap3A, %swap3A_28] : memref<512x1408xbf16, #tpu.memory_space<vmem>>, vector<512x1408xbf16>
      tpu.vector_store %arg6[%swap3A, %swap3A_28], %convert_element_type3A_27 {strides = array<i32>} : memref<512x1408xbf16, #tpu.memory_space<vmem>>, vector<512x1408xbf16>,
    } else {
    }
    return
  }
  func.func @transform_0(%arg0: i32, %arg1: memref<16xi32, #tpu.memory_space<smem>>, %arg2: memref<16xi32, #tpu.memory_space<smem>>) -> (i32, i32) {
    %c0_i32 = arith.constant 0 : i32
    %c0_i32_0 = arith.constant 0 : i32
    return %arg0, %c0_i32 : i32, i32
  }
  func.func @transform_1(%arg0: i32, %arg1: memref<16xi32, #tpu.memory_space<smem>>, %arg2: memref<16xi32, #tpu.memory_space<smem>>) -> (i32, i32, i32) {
    %get3A = arith.index_cast %arg0 : i32 to index
    %get3A_0 = memref.load %arg1[%get3A] : memref<16xi32, #tpu.memory_space<smem>>
    %c0_i32 = arith.constant 0 : i32
    %c0_i32_1 = arith.constant 0 : i32
    %c0_i32_2 = arith.constant 0 : i32
    return %get3A_0, %c0_i32, %c0_i32_1 : i32, i32, i32
  }
  func.func @transform_2(%arg0: i32, %arg1: memref<16xi32, #tpu.memory_space<smem>>, %arg2: memref<16xi32, #tpu.memory_space<smem>>) -> (i32, i32, i32) {
    %get3A = arith.index_cast %arg0 : i32 to index
    %get3A_0 = memref.load %arg1[%get3A] : memref<16xi32, #tpu.memory_space<smem>>
    %c0_i32 = arith.constant 0 : i32
    %c0_i32_1 = arith.constant 0 : i32
    %c0_i32_2 = arith.constant 0 : i32
    return %get3A_0, %c0_i32, %c0_i32_1 : i32, i32, i32
  }
  func.func @transform_3(%arg0: i32, %arg1: memref<16xi32, #tpu.memory_space<smem>>, %arg2: memref<16xi32, #tpu.memory_space<smem>>) -> (i32, i32) {
    %c0_i32 = arith.constant 0 : i32
    %c0_i32_0 = arith.constant 0 : i32
    return %arg0, %c0_i32 : i32, i32
  }
}

module attributes {stable_mosaic.version = 14 : i64} {
  func.func @_dn_body(%arg0: i32, %arg1: memref<16xi32, #tpu.memory_space<smem>>, %arg2: memref<16xi32, #tpu.memory_space<smem>>, %arg3: memref<512x1408xbf16, #tpu.memory_space<vmem>>, %arg4: memref<1x2048x1408xf32, #tpu.memory_space<vmem>>, %arg5: memref<512x2048xbf16, #tpu.memory_space<vmem>>) attributes {dimension_semantics = [#tpu.dimension_semantics<arbitrary>], iteration_bounds = array<i64: 16>, scalar_prefetch = 2 : i64, scratch_operands = 0 : i64, tpu.core_type = #tpu.core_type<tc>, window_params = [{transform_indices = @transform_0, window_bounds = array<i64: 512, 1408>}, {transform_indices = @transform_1, window_bounds = array<i64: 1, 2048, 1408>}, {transform_indices = @transform_2, window_bounds = array<i64: 512, 2048>}]} {
    %get3A = arith.index_cast %arg0 : i32 to index
    %get3A_0 = memref.load %arg2[%get3A] : memref<16xi32, #tpu.memory_space<smem>>
    %gt3A = arith.constant 0 : i32
    %gt3A_1 = arith.cmpi sgt, %get3A_0, %gt3A : i32
    %convert_element_type3A = arith.extui %gt3A_1 : i1 to i32
    %cond3A = arith.constant 0 : i32
    %cond3A_2 = arith.cmpi ne, %convert_element_type3A, %cond3A : i32
    scf.if %cond3A_2 {
      %get3A_3 = arith.constant 0 : index
      %get3A_4 = arith.constant 0 : index
      %get3A_5 = vector.load %arg3[%get3A_3, %get3A_4] : memref<512x1408xbf16, #tpu.memory_space<vmem>>, vector<512x1408xbf16>
      %get3A_6 = arith.constant 0 : index
      %get3A_7 = arith.constant 0 : index
      %get3A_8 = arith.constant 0 : index
      %get3A_9 = vector.load %arg4[%get3A_6, %get3A_7, %get3A_8] : memref<1x2048x1408xf32, #tpu.memory_space<vmem>>, vector<1x2048x1408xf32>
      %get3A_10 = vector.shape_cast %get3A_9 : vector<1x2048x1408xf32> to vector<2048x1408xf32>
      %convert_element_type3A_11 = arith.truncf %get3A_10 : vector<2048x1408xf32> to vector<2048x1408xbf16>
      %dot_general3A = arith.constant dense<0.000000e+00> : vector<512x2048xf32>
      %dot_general3A_12 = tpu.matmul %get3A_5, %convert_element_type3A_11, %dot_general3A {dimension_numbers = #tpu.dot_dimension_numbers<[1], [1], [0], [0], [0, 0, 1, 0], [], []>, transpose_lhs_hint = false} : vector<512x1408xbf16>, vector<2048x1408xbf16>, vector<512x2048xf32> -> vector<512x2048xf32>
      %convert_element_type3A_13 = arith.truncf %dot_general3A_12 : vector<512x2048xf32> to vector<512x2048xbf16>
      %swap3A = arith.constant 0 : index
      %swap3A_14 = arith.constant 0 : index
      %swap3A_15 = vector.load %arg5[%swap3A, %swap3A_14] : memref<512x2048xbf16, #tpu.memory_space<vmem>>, vector<512x2048xbf16>
      tpu.vector_store %arg5[%swap3A, %swap3A_14], %convert_element_type3A_13 {strides = array<i32>} : memref<512x2048xbf16, #tpu.memory_space<vmem>>, vector<512x2048xbf16>,
    } else {
    }
    return
  }
  func.func @transform_0(%arg0: i32, %arg1: memref<16xi32, #tpu.memory_space<smem>>, %arg2: memref<16xi32, #tpu.memory_space<smem>>) -> (i32, i32) {
    %c0_i32 = arith.constant 0 : i32
    %c0_i32_0 = arith.constant 0 : i32
    return %arg0, %c0_i32 : i32, i32
  }
  func.func @transform_1(%arg0: i32, %arg1: memref<16xi32, #tpu.memory_space<smem>>, %arg2: memref<16xi32, #tpu.memory_space<smem>>) -> (i32, i32, i32) {
    %get3A = arith.index_cast %arg0 : i32 to index
    %get3A_0 = memref.load %arg1[%get3A] : memref<16xi32, #tpu.memory_space<smem>>
    %c0_i32 = arith.constant 0 : i32
    %c0_i32_1 = arith.constant 0 : i32
    %c0_i32_2 = arith.constant 0 : i32
    return %get3A_0, %c0_i32, %c0_i32_1 : i32, i32, i32
  }
  func.func @transform_2(%arg0: i32, %arg1: memref<16xi32, #tpu.memory_space<smem>>, %arg2: memref<16xi32, #tpu.memory_space<smem>>) -> (i32, i32) {
    %c0_i32 = arith.constant 0 : i32
    %c0_i32_0 = arith.constant 0 : i32
    return %arg0, %c0_i32 : i32, i32
  }
}

module attributes {stable_mosaic.version = 14 : i64} {
  func.func @_shared_body(%arg0: i32, %arg1: memref<2048x2048xbf16, #tpu.memory_space<vmem>>, %arg2: memref<256x2048xf32, #tpu.memory_space<vmem>>, %arg3: memref<256x2048xf32, #tpu.memory_space<vmem>>, %arg4: memref<2048x256xf32, #tpu.memory_space<vmem>>, %arg5: memref<1x2048xf32, #tpu.memory_space<vmem>>, %arg6: memref<2048x2048xf32, #tpu.memory_space<vmem>>, %arg7: memref<2048x1xf32, #tpu.memory_space<vmem>>) attributes {dimension_semantics = [#tpu.dimension_semantics<arbitrary>], iteration_bounds = array<i64: 22>, scalar_prefetch = 0 : i64, scratch_operands = 1 : i64, tpu.core_type = #tpu.core_type<tc>, window_params = [{pipeline_mode = #tpu.pipeline_mode<synchronous>, transform_indices = @transform_0, window_bounds = array<i64: 2048, 2048>}, {transform_indices = @transform_1, window_bounds = array<i64: 256, 2048>}, {transform_indices = @transform_2, window_bounds = array<i64: 256, 2048>}, {transform_indices = @transform_3, window_bounds = array<i64: 2048, 256>}, {pipeline_mode = #tpu.pipeline_mode<synchronous>, transform_indices = @transform_4, window_bounds = array<i64: 1, 2048>}, {pipeline_mode = #tpu.pipeline_mode<synchronous>, transform_indices = @transform_5, window_bounds = array<i64: 2048, 2048>}]} {
    %get3A = arith.constant 0 : index
    %get3A_0 = arith.constant 0 : index
    %get3A_1 = vector.load %arg1[%get3A, %get3A_0] : memref<2048x2048xbf16, #tpu.memory_space<vmem>>, vector<2048x2048xbf16>
    %eq3A = arith.constant 0 : i32
    %eq3A_2 = arith.cmpi eq, %arg0, %eq3A : i32
    %convert_element_type3A = arith.extui %eq3A_2 : i1 to i32
    %cond3A = arith.constant 0 : i32
    %cond3A_3 = arith.cmpi ne, %convert_element_type3A, %cond3A : i32
    scf.if %cond3A_3 {
      %convert_element_type3A_81 = arith.extf %get3A_1 : vector<2048x2048xbf16> to vector<2048x2048xf32>
      %get3A_82 = arith.constant 0 : index
      %get3A_83 = arith.constant 0 : index
      %get3A_84 = vector.load %arg5[%get3A_82, %get3A_83] : memref<1x2048xf32, #tpu.memory_space<vmem>>, vector<1x2048xf32>
      %mul3A_85 = vector.broadcast %get3A_84 : vector<1x2048xf32> to vector<2048x2048xf32>
      %mul3A_86 = arith.mulf %convert_element_type3A_81, %mul3A_85 : vector<2048x2048xf32>
      %reduce_sum3A = arith.constant dense<0.000000e+00> : vector<2048xf32>
      %reduce_sum3A_87 = vector.multi_reduction <add>, %mul3A_86, %reduce_sum3A [1] : vector<2048x2048xf32> to vector<2048xf32>
      %broadcast_in_dim3A = vector.shape_cast %reduce_sum3A_87 : vector<2048xf32> to vector<2048x1xf32>
      %logistic3A_88 = arith.negf %broadcast_in_dim3A : vector<2048x1xf32>
      %logistic3A_89 = math.exp %logistic3A_88 : vector<2048x1xf32>
      %logistic3A_90 = arith.constant 1.000000e+00 : f32
      %logistic3A_91 = vector.broadcast %logistic3A_90 : f32 to vector<2048x1xf32>
      %logistic3A_92 = arith.addf %logistic3A_91, %logistic3A_89 : vector<2048x1xf32>
      %logistic3A_93 = arith.divf %logistic3A_91, %logistic3A_92 : vector<2048x1xf32>
      %swap3A = arith.constant 0 : index
      %swap3A_94 = arith.constant 0 : index
      %swap3A_95 = vector.load %arg7[%swap3A, %swap3A_94] : memref<2048x1xf32, #tpu.memory_space<vmem>>, vector<2048x1xf32>
      tpu.vector_store %arg7[%swap3A, %swap3A_94], %logistic3A_93 {strides = array<i32>} : memref<2048x1xf32, #tpu.memory_space<vmem>>, vector<2048x1xf32>,
    } else {
    }
    %get3A_4 = arith.constant 0 : index
    %get3A_5 = arith.constant 0 : index
    %get3A_6 = vector.load %arg2[%get3A_4, %get3A_5] : memref<256x2048xf32, #tpu.memory_space<vmem>>, vector<256x2048xf32>
    %convert_element_type3A_7 = arith.truncf %get3A_6 : vector<256x2048xf32> to vector<256x2048xbf16>
    %get3A_8 = arith.constant 0 : index
    %get3A_9 = arith.constant 0 : index
    %get3A_10 = vector.load %arg3[%get3A_8, %get3A_9] : memref<256x2048xf32, #tpu.memory_space<vmem>>, vector<256x2048xf32>
    %convert_element_type3A_11 = arith.truncf %get3A_10 : vector<256x2048xf32> to vector<256x2048xbf16>
    %get3A_12 = arith.constant 0 : index
    %get3A_13 = arith.constant 0 : index
    %get3A_14 = vector.load %arg4[%get3A_12, %get3A_13] : memref<2048x256xf32, #tpu.memory_space<vmem>>, vector<2048x256xf32>
    %convert_element_type3A_15 = arith.truncf %get3A_14 : vector<2048x256xf32> to vector<2048x256xbf16>
    %dot_general3A = arith.constant dense<0.000000e+00> : vector<2048x256xf32>
    %dot_general3A_16 = tpu.matmul %get3A_1, %convert_element_type3A_7, %dot_general3A {dimension_numbers = #tpu.dot_dimension_numbers<[1], [1], [0], [0], [0, 0, 1, 0], [], []>, transpose_lhs_hint = false} : vector<2048x2048xbf16>, vector<256x2048xbf16>, vector<2048x256xf32> -> vector<2048x256xf32>
    %dot_general3A_17 = arith.constant dense<0.000000e+00> : vector<2048x256xf32>
    %dot_general3A_18 = tpu.matmul %get3A_1, %convert_element_type3A_11, %dot_general3A_17 {dimension_numbers = #tpu.dot_dimension_numbers<[1], [1], [0], [0], [0, 0, 1, 0], [], []>, transpose_lhs_hint = false} : vector<2048x2048xbf16>, vector<256x2048xbf16>, vector<2048x256xf32> -> vector<2048x256xf32>
    %logistic3A = arith.negf %dot_general3A_16 : vector<2048x256xf32>
    %logistic3A_19 = math.exp %logistic3A : vector<2048x256xf32>
    %logistic3A_20 = arith.constant 1.000000e+00 : f32
    %logistic3A_21 = vector.broadcast %logistic3A_20 : f32 to vector<2048x256xf32>
    %logistic3A_22 = arith.addf %logistic3A_21, %logistic3A_19 : vector<2048x256xf32>
    %logistic3A_23 = arith.divf %logistic3A_21, %logistic3A_22 : vector<2048x256xf32>
    %mul3A = arith.mulf %dot_general3A_16, %logistic3A_23 : vector<2048x256xf32>
    %mul3A_24 = arith.mulf %mul3A, %dot_general3A_18 : vector<2048x256xf32>
    %get3A_25 = arith.constant 0 : index
    %get3A_26 = arith.constant 0 : index
    %get3A_27 = vector.load %arg7[%get3A_25, %get3A_26] : memref<2048x1xf32, #tpu.memory_space<vmem>>, vector<2048x1xf32>
    %mul3A_28 = vector.broadcast %get3A_27 : vector<2048x1xf32> to vector<2048x256xf32>
    %mul3A_29 = arith.mulf %mul3A_24, %mul3A_28 : vector<2048x256xf32>
    %convert_element_type3A_30 = arith.truncf %mul3A_29 : vector<2048x256xf32> to vector<2048x256xbf16>
    %slice3A = vector.extract_strided_slice %convert_element_type3A_30 {offsets = [0, 0], sizes = [512, 256], strides = [1, 1]} : vector<2048x256xbf16> to vector<512x256xbf16>
    %dot_general3A_31 = arith.constant dense<0.000000e+00> : vector<512x2048xf32>
    %dot_general3A_32 = tpu.matmul %slice3A, %convert_element_type3A_15, %dot_general3A_31 {dimension_numbers = #tpu.dot_dimension_numbers<[1], [1], [0], [0], [0, 0, 1, 0], [], []>, transpose_lhs_hint = false} : vector<512x256xbf16>, vector<2048x256xbf16>, vector<512x2048xf32> -> vector<512x2048xf32>
    %eq3A_33 = arith.constant 0 : i32
    %eq3A_34 = arith.cmpi eq, %arg0, %eq3A_33 : i32
    %convert_element_type3A_35 = arith.extui %eq3A_34 : i1 to i32
    %cond3A_36 = arith.constant 0 : i32
    %cond3A_37 = arith.cmpi ne, %convert_element_type3A_35, %cond3A_36 : i32
    scf.if %cond3A_37 {
      %swap3A = arith.constant 0 : index
      %swap3A_81 = arith.constant 0 : index
      %swap3A_82 = vector.load %arg6[%swap3A, %swap3A_81] : memref<2048x2048xf32, #tpu.memory_space<vmem>>, vector<512x2048xf32>
      tpu.vector_store %arg6[%swap3A, %swap3A_81], %dot_general3A_32 {strides = array<i32>} : memref<2048x2048xf32, #tpu.memory_space<vmem>>, vector<512x2048xf32>,
    } else {
    }
    %gt3A = arith.constant 0 : i32
    %gt3A_38 = arith.cmpi sgt, %arg0, %gt3A : i32
    %convert_element_type3A_39 = arith.extui %gt3A_38 : i1 to i32
    %cond3A_40 = arith.constant 0 : i32
    %cond3A_41 = arith.cmpi ne, %convert_element_type3A_39, %cond3A_40 : i32
    scf.if %cond3A_41 {
      %get3A_81 = arith.constant 0 : index
      %get3A_82 = arith.constant 0 : index
      %get3A_83 = vector.load %arg6[%get3A_81, %get3A_82] : memref<2048x2048xf32, #tpu.memory_space<vmem>>, vector<512x2048xf32>
      %add3A = arith.addf %get3A_83, %dot_general3A_32 : vector<512x2048xf32>
      %swap3A = arith.constant 0 : index
      %swap3A_84 = arith.constant 0 : index
      %swap3A_85 = vector.load %arg6[%swap3A, %swap3A_84] : memref<2048x2048xf32, #tpu.memory_space<vmem>>, vector<512x2048xf32>
      tpu.vector_store %arg6[%swap3A, %swap3A_84], %add3A {strides = array<i32>} : memref<2048x2048xf32, #tpu.memory_space<vmem>>, vector<512x2048xf32>,
    } else {
    }
    %slice3A_42 = vector.extract_strided_slice %convert_element_type3A_30 {offsets = [512, 0], sizes = [512, 256], strides = [1, 1]} : vector<2048x256xbf16> to vector<512x256xbf16>
    %dot_general3A_43 = arith.constant dense<0.000000e+00> : vector<512x2048xf32>
    %dot_general3A_44 = tpu.matmul %slice3A_42, %convert_element_type3A_15, %dot_general3A_43 {dimension_numbers = #tpu.dot_dimension_numbers<[1], [1], [0], [0], [0, 0, 1, 0], [], []>, transpose_lhs_hint = false} : vector<512x256xbf16>, vector<2048x256xbf16>, vector<512x2048xf32> -> vector<512x2048xf32>
    %eq3A_45 = arith.constant 0 : i32
    %eq3A_46 = arith.cmpi eq, %arg0, %eq3A_45 : i32
    %convert_element_type3A_47 = arith.extui %eq3A_46 : i1 to i32
    %cond3A_48 = arith.constant 0 : i32
    %cond3A_49 = arith.cmpi ne, %convert_element_type3A_47, %cond3A_48 : i32
    scf.if %cond3A_49 {
      %swap3A = arith.constant 512 : index
      %swap3A_81 = arith.constant 0 : index
      %swap3A_82 = vector.load %arg6[%swap3A, %swap3A_81] : memref<2048x2048xf32, #tpu.memory_space<vmem>>, vector<512x2048xf32>
      tpu.vector_store %arg6[%swap3A, %swap3A_81], %dot_general3A_44 {strides = array<i32>} : memref<2048x2048xf32, #tpu.memory_space<vmem>>, vector<512x2048xf32>,
    } else {
    }
    %gt3A_50 = arith.constant 0 : i32
    %gt3A_51 = arith.cmpi sgt, %arg0, %gt3A_50 : i32
    %convert_element_type3A_52 = arith.extui %gt3A_51 : i1 to i32
    %cond3A_53 = arith.constant 0 : i32
    %cond3A_54 = arith.cmpi ne, %convert_element_type3A_52, %cond3A_53 : i32
    scf.if %cond3A_54 {
      %get3A_81 = arith.constant 512 : index
      %get3A_82 = arith.constant 0 : index
      %get3A_83 = vector.load %arg6[%get3A_81, %get3A_82] : memref<2048x2048xf32, #tpu.memory_space<vmem>>, vector<512x2048xf32>
      %add3A = arith.addf %get3A_83, %dot_general3A_44 : vector<512x2048xf32>
      %swap3A = arith.constant 512 : index
      %swap3A_84 = arith.constant 0 : index
      %swap3A_85 = vector.load %arg6[%swap3A, %swap3A_84] : memref<2048x2048xf32, #tpu.memory_space<vmem>>, vector<512x2048xf32>
      tpu.vector_store %arg6[%swap3A, %swap3A_84], %add3A {strides = array<i32>} : memref<2048x2048xf32, #tpu.memory_space<vmem>>, vector<512x2048xf32>,
    } else {
    }
    %slice3A_55 = vector.extract_strided_slice %convert_element_type3A_30 {offsets = [1024, 0], sizes = [512, 256], strides = [1, 1]} : vector<2048x256xbf16> to vector<512x256xbf16>
    %dot_general3A_56 = arith.constant dense<0.000000e+00> : vector<512x2048xf32>
    %dot_general3A_57 = tpu.matmul %slice3A_55, %convert_element_type3A_15, %dot_general3A_56 {dimension_numbers = #tpu.dot_dimension_numbers<[1], [1], [0], [0], [0, 0, 1, 0], [], []>, transpose_lhs_hint = false} : vector<512x256xbf16>, vector<2048x256xbf16>, vector<512x2048xf32> -> vector<512x2048xf32>
    %eq3A_58 = arith.constant 0 : i32
    %eq3A_59 = arith.cmpi eq, %arg0, %eq3A_58 : i32
    %convert_element_type3A_60 = arith.extui %eq3A_59 : i1 to i32
    %cond3A_61 = arith.constant 0 : i32
    %cond3A_62 = arith.cmpi ne, %convert_element_type3A_60, %cond3A_61 : i32
    scf.if %cond3A_62 {
      %swap3A = arith.constant 1024 : index
      %swap3A_81 = arith.constant 0 : index
      %swap3A_82 = vector.load %arg6[%swap3A, %swap3A_81] : memref<2048x2048xf32, #tpu.memory_space<vmem>>, vector<512x2048xf32>
      tpu.vector_store %arg6[%swap3A, %swap3A_81], %dot_general3A_57 {strides = array<i32>} : memref<2048x2048xf32, #tpu.memory_space<vmem>>, vector<512x2048xf32>,
    } else {
    }
    %gt3A_63 = arith.constant 0 : i32
    %gt3A_64 = arith.cmpi sgt, %arg0, %gt3A_63 : i32
    %convert_element_type3A_65 = arith.extui %gt3A_64 : i1 to i32
    %cond3A_66 = arith.constant 0 : i32
    %cond3A_67 = arith.cmpi ne, %convert_element_type3A_65, %cond3A_66 : i32
    scf.if %cond3A_67 {
      %get3A_81 = arith.constant 1024 : index
      %get3A_82 = arith.constant 0 : index
      %get3A_83 = vector.load %arg6[%get3A_81, %get3A_82] : memref<2048x2048xf32, #tpu.memory_space<vmem>>, vector<512x2048xf32>
      %add3A = arith.addf %get3A_83, %dot_general3A_57 : vector<512x2048xf32>
      %swap3A = arith.constant 1024 : index
      %swap3A_84 = arith.constant 0 : index
      %swap3A_85 = vector.load %arg6[%swap3A, %swap3A_84] : memref<2048x2048xf32, #tpu.memory_space<vmem>>, vector<512x2048xf32>
      tpu.vector_store %arg6[%swap3A, %swap3A_84], %add3A {strides = array<i32>} : memref<2048x2048xf32, #tpu.memory_space<vmem>>, vector<512x2048xf32>,
    } else {
    }
    %slice3A_68 = vector.extract_strided_slice %convert_element_type3A_30 {offsets = [1536, 0], sizes = [512, 256], strides = [1, 1]} : vector<2048x256xbf16> to vector<512x256xbf16>
    %dot_general3A_69 = arith.constant dense<0.000000e+00> : vector<512x2048xf32>
    %dot_general3A_70 = tpu.matmul %slice3A_68, %convert_element_type3A_15, %dot_general3A_69 {dimension_numbers = #tpu.dot_dimension_numbers<[1], [1], [0], [0], [0, 0, 1, 0], [], []>, transpose_lhs_hint = false} : vector<512x256xbf16>, vector<2048x256xbf16>, vector<512x2048xf32> -> vector<512x2048xf32>
    %eq3A_71 = arith.constant 0 : i32
    %eq3A_72 = arith.cmpi eq, %arg0, %eq3A_71 : i32
    %convert_element_type3A_73 = arith.extui %eq3A_72 : i1 to i32
    %cond3A_74 = arith.constant 0 : i32
    %cond3A_75 = arith.cmpi ne, %convert_element_type3A_73, %cond3A_74 : i32
    scf.if %cond3A_75 {
      %swap3A = arith.constant 1536 : index
      %swap3A_81 = arith.constant 0 : index
      %swap3A_82 = vector.load %arg6[%swap3A, %swap3A_81] : memref<2048x2048xf32, #tpu.memory_space<vmem>>, vector<512x2048xf32>
      tpu.vector_store %arg6[%swap3A, %swap3A_81], %dot_general3A_70 {strides = array<i32>} : memref<2048x2048xf32, #tpu.memory_space<vmem>>, vector<512x2048xf32>,
    } else {
    }
    %gt3A_76 = arith.constant 0 : i32
    %gt3A_77 = arith.cmpi sgt, %arg0, %gt3A_76 : i32
    %convert_element_type3A_78 = arith.extui %gt3A_77 : i1 to i32
    %cond3A_79 = arith.constant 0 : i32
    %cond3A_80 = arith.cmpi ne, %convert_element_type3A_78, %cond3A_79 : i32
    scf.if %cond3A_80 {
      %get3A_81 = arith.constant 1536 : index
      %get3A_82 = arith.constant 0 : index
      %get3A_83 = vector.load %arg6[%get3A_81, %get3A_82] : memref<2048x2048xf32, #tpu.memory_space<vmem>>, vector<512x2048xf32>
      %add3A = arith.addf %get3A_83, %dot_general3A_70 : vector<512x2048xf32>
      %swap3A = arith.constant 1536 : index
      %swap3A_84 = arith.constant 0 : index
      %swap3A_85 = vector.load %arg6[%swap3A, %swap3A_84] : memref<2048x2048xf32, #tpu.memory_space<vmem>>, vector<512x2048xf32>
      tpu.vector_store %arg6[%swap3A, %swap3A_84], %add3A {strides = array<i32>} : memref<2048x2048xf32, #tpu.memory_space<vmem>>, vector<512x2048xf32>,
    } else {
    }
    return
  }
  func.func @transform_0(%arg0: i32) -> (i32, i32) {
    %c0_i32 = arith.constant 0 : i32
    %c0_i32_0 = arith.constant 0 : i32
    %c0_i32_1 = arith.constant 0 : i32
    return %c0_i32, %c0_i32_0 : i32, i32
  }
  func.func @transform_1(%arg0: i32) -> (i32, i32) {
    %c0_i32 = arith.constant 0 : i32
    %c0_i32_0 = arith.constant 0 : i32
    return %arg0, %c0_i32 : i32, i32
  }
  func.func @transform_2(%arg0: i32) -> (i32, i32) {
    %c0_i32 = arith.constant 0 : i32
    %c0_i32_0 = arith.constant 0 : i32
    return %arg0, %c0_i32 : i32, i32
  }
  func.func @transform_3(%arg0: i32) -> (i32, i32) {
    %c0_i32 = arith.constant 0 : i32
    %c0_i32_0 = arith.constant 0 : i32
    return %c0_i32, %arg0 : i32, i32
  }
  func.func @transform_4(%arg0: i32) -> (i32, i32) {
    %c0_i32 = arith.constant 0 : i32
    %c0_i32_0 = arith.constant 0 : i32
    %c0_i32_1 = arith.constant 0 : i32
    return %c0_i32, %c0_i32_0 : i32, i32
  }
  func.func @transform_5(%arg0: i32) -> (i32, i32) {
    %c0_i32 = arith.constant 0 : i32
    %c0_i32_0 = arith.constant 0 : i32
    %c0_i32_1 = arith.constant 0 : i32
    return %c0_i32, %c0_i32_0 : i32, i32
  }
}

module attributes {stable_mosaic.version = 14 : i64} {
  func.func @_combine_body(%arg0: i32, %arg1: memref<512x2048xbf16, #tpu.memory_space<vmem>>, %arg2: memref<512x2048xbf16, #tpu.memory_space<vmem>>, %arg3: memref<512x1xf32, #tpu.memory_space<vmem>>, %arg4: memref<512x1xf32, #tpu.memory_space<vmem>>, %arg5: memref<512x2048xf32, #tpu.memory_space<vmem>>, %arg6: memref<512x2048xf32, #tpu.memory_space<vmem>>) attributes {dimension_semantics = [#tpu.dimension_semantics<arbitrary>], iteration_bounds = array<i64: 4>, scalar_prefetch = 0 : i64, scratch_operands = 0 : i64, tpu.core_type = #tpu.core_type<tc>, window_params = [{transform_indices = @transform_0, window_bounds = array<i64: 512, 2048>}, {transform_indices = @transform_1, window_bounds = array<i64: 512, 2048>}, {transform_indices = @transform_2, window_bounds = array<i64: 512, 1>}, {transform_indices = @transform_3, window_bounds = array<i64: 512, 1>}, {transform_indices = @transform_4, window_bounds = array<i64: 512, 2048>}, {transform_indices = @transform_5, window_bounds = array<i64: 512, 2048>}]} {
    %get3A = arith.constant 0 : index
    %get3A_0 = arith.constant 0 : index
    %get3A_1 = vector.load %arg1[%get3A, %get3A_0] : memref<512x2048xbf16, #tpu.memory_space<vmem>>, vector<512x2048xbf16>
    %convert_element_type3A = arith.extf %get3A_1 : vector<512x2048xbf16> to vector<512x2048xf32>
    %get3A_2 = arith.constant 0 : index
    %get3A_3 = arith.constant 0 : index
    %get3A_4 = vector.load %arg2[%get3A_2, %get3A_3] : memref<512x2048xbf16, #tpu.memory_space<vmem>>, vector<512x2048xbf16>
    %convert_element_type3A_5 = arith.extf %get3A_4 : vector<512x2048xbf16> to vector<512x2048xf32>
    %get3A_6 = arith.constant 0 : index
    %get3A_7 = arith.constant 0 : index
    %get3A_8 = vector.load %arg3[%get3A_6, %get3A_7] : memref<512x1xf32, #tpu.memory_space<vmem>>, vector<512x1xf32>
    %mul3A = vector.broadcast %get3A_8 : vector<512x1xf32> to vector<512x2048xf32>
    %mul3A_9 = arith.mulf %convert_element_type3A, %mul3A : vector<512x2048xf32>
    %get3A_10 = arith.constant 0 : index
    %get3A_11 = arith.constant 0 : index
    %get3A_12 = vector.load %arg4[%get3A_10, %get3A_11] : memref<512x1xf32, #tpu.memory_space<vmem>>, vector<512x1xf32>
    %mul3A_13 = vector.broadcast %get3A_12 : vector<512x1xf32> to vector<512x2048xf32>
    %mul3A_14 = arith.mulf %convert_element_type3A_5, %mul3A_13 : vector<512x2048xf32>
    %add3A = arith.addf %mul3A_9, %mul3A_14 : vector<512x2048xf32>
    %get3A_15 = arith.constant 0 : index
    %get3A_16 = arith.constant 0 : index
    %get3A_17 = vector.load %arg5[%get3A_15, %get3A_16] : memref<512x2048xf32, #tpu.memory_space<vmem>>, vector<512x2048xf32>
    %add3A_18 = arith.addf %add3A, %get3A_17 : vector<512x2048xf32>
    %swap3A = arith.constant 0 : index
    %swap3A_19 = arith.constant 0 : index
    %swap3A_20 = vector.load %arg6[%swap3A, %swap3A_19] : memref<512x2048xf32, #tpu.memory_space<vmem>>, vector<512x2048xf32>
    tpu.vector_store %arg6[%swap3A, %swap3A_19], %add3A_18 {strides = array<i32>} : memref<512x2048xf32, #tpu.memory_space<vmem>>, vector<512x2048xf32>,
    return
  }
  func.func @transform_0(%arg0: i32) -> (i32, i32) {
    %c0_i32 = arith.constant 0 : i32
    %c0_i32_0 = arith.constant 0 : i32
    return %arg0, %c0_i32 : i32, i32
  }
  func.func @transform_1(%arg0: i32) -> (i32, i32) {
    %add3A = arith.constant 4 : i32
    %add3A_0 = arith.addi %arg0, %add3A : i32
    %c0_i32 = arith.constant 0 : i32
    %c0_i32_1 = arith.constant 0 : i32
    return %add3A_0, %c0_i32 : i32, i32
  }
  func.func @transform_2(%arg0: i32) -> (i32, i32) {
    %c0_i32 = arith.constant 0 : i32
    %c0_i32_0 = arith.constant 0 : i32
    return %arg0, %c0_i32 : i32, i32
  }
  func.func @transform_3(%arg0: i32) -> (i32, i32) {
    %c0_i32 = arith.constant 0 : i32
    %c0_i32_0 = arith.constant 0 : i32
    return %arg0, %c0_i32 : i32, i32
  }
  func.func @transform_4(%arg0: i32) -> (i32, i32) {
    %c0_i32 = arith.constant 0 : i32
    %c0_i32_0 = arith.constant 0 : i32
    return %arg0, %c0_i32 : i32, i32
  }
  func.func @transform_5(%arg0: i32) -> (i32, i32) {
    %c0_i32 = arith.constant 0 : i32
    %c0_i32_0 = arith.constant 0 : i32
    return %arg0, %c0_i32 : i32, i32
  }
}

</mosaic_0001>

<sc_bundles>
// kernel: kernel.12.cloned.1.call-start
scs
__scs_entry_jumppad:
0x0: {  	(pc) =	sbr.rel $0x88, $3  }
0x1: {  	(tag) =	ssettag $0x0;
	lr =	simm.s32 $0x1  }
0x2: {  	[smem:$0x3F98] =	sst lr;
	_ =	strace $0xD0000000  }
0x3: {  	_ = 	snop  }
0x4: {  	_ = 	snop  }
0x5: {  	_ = 	snop  }
0x6: {  	_ = 	snop  }
0x7: {  	_ = 	snop  }
__scs_overlays_trampoline_lowered:
0x8: {  	[smem:$0x3FA7] =	sst s0  }
0x9: {  	[smem:$0x3FA8] =	sst s1  }
0xa: {  	[smem:$0x3FA9] =	sst s2  }
0xb: {  	[smem:$0x3FAA] =	sst s3  }
0xc: {  	[smem:$0x3FAB] =	sst s4  }
0xd: {  	[smem:$0x3FAC] =	sst s5  }
0xe: {  	[smem:$0x3FAD] =	sst s6  }
0xf: {  	[smem:$0x3FAE] =	sst s7  }
0x10: {  	[smem:$0x3FAF] =	sst s8  }
0x11: {  	[smem:$0x3FB0] =	sst s9;
	s0 =	simm.s32 @!p0 $0x0  }
0x12: {  	s1 =	sld [smem:$0x3F96];
	s0 =	simm.s32 @p0 $0x1  }
0x13: {  	[smem:$0x3FB1] =	sst s0;
	s0 =	simm.s32 @!p1 $0x0  }
0x14: {  	s2 =	sld [smem:$0x3F95];
	s0 =	simm.s32 @p1 $0x1  }
0x15: {  	[smem:$0x3FB2] =	sst s0;
	s0 =	simm.s32 @!p2 $0x0  }
0x16: {  	s3 =	sld [smem:$0x3FDB];
	s0 =	simm.s32 @p2 $0x1  }
0x17: {  	s4 =	simm.s32 $0x1BF5;
	[smem:$0x3FB4] =	sst s0  }
0x18: {  	s0 =	sld [smem:$0x3F97];
	_ =	swait.ge [sflag:s4], $0x0  }
0x19: {  	s7 =	sld [smem:$0x3F98]  }
0x1a: {  	s8 =	sadd.s32 $0xFFFFE003, lr  }
0x1b: {  	s9 =	sadd.s32 $0xFFFFFEF7, lr;
	s5 =	simm.s32 $0xFFFFFFFF;
	p2 =	slt.u32 s8, $0xFFFFF086  }
0x1c: {  	p1 =	slt.u32 s9, $0xF7A;
	s5 =	simm.s32 @!p2 $0x0  }
0x1d: {  	s5 =	simm.s32 @p1 $0x1;
	p0 =	seq.s32 s7, s2  }
0x1e: {  	s7 =	smul.u32 @!p0 $0xF7A, s2;
	p2 =	seq.s32 @!p0 s5, $0x0  }
0x1f: {  	s9 =	smul.u32 $0xF7A, s1;
	s8 =	simm.s32 @!p0 $0x1BF5;
	p2 =	por !p2, p0  }
0x20: {  	[sflag:s8] =	ssyncset.s32 @!p0 $0xFFFFF086;
	s6 =	sadd.s32 @!p0 s3, s7;
	s7 =	simm.s32 @!p0 $0x108  }
0x21: {  	s3 =	sadd.s32 s3, s9;
	s6 =	sadd.s32 @!p0 $0x88, s6;
	s7 =	simm.s32 @p2 $0x1082  }
0x22: {  	[simem:s7], [sflag:s8] =	dma.local @!p0 [hbm:s6], $0xF7A  }
0x23: {  	s9 =	sor.u32 $0xD0000000, s2;
	s6 =	simm.s32 $0x108;
	_ =	swait.ge @!p0 [sflag:s8], $0x0  }
0x24: {  	s3 =	sadd.s32 $0x88, s3;
	s6 =	simm.s32 @!p1 $0x1082;
	[sflag:s4] =	ssyncset.s32 $0xFFFFF086  }
0x25: {  	[simem:s6], [sflag:s4] =	dma.local [hbm:s3], $0xF7A  }
0x26: {  	[smem:$0x3F98] =	sst s1;
	(tag) =	ssettag s2;
	_ =	strace s9  }
0x27: {  	s1 =	sld [smem:$0x3FA8]  }
0x28: {  	s2 =	sld [smem:$0x3FA9]  }
0x29: {  	s4 =	sld [smem:$0x3FAB]  }
0x2a: {  	p0 =	seq.s32 s5, $0x0;
	s5 =	sld [smem:$0x3FAC]  }
0x2b: {  	s6 =	sld [smem:$0x3FAD]  }
0x2c: {  	s7 =	sld [smem:$0x3FAE]  }
0x2d: {  	s3 =	simm.s32 $0x108;
	s8 =	sld [smem:$0x3FAF]  }
0x2e: {  	s3 =	simm.s32 @!p0 $0x1082;
	s9 =	sld [smem:$0x3FB0]  }
0x2f: {  	lr =	sadd.s32 s0, s3;
	s0 =	sld [smem:$0x3FA7]  }
0x30: {  	s3 =	sld [smem:$0x3FAA]  }
0x31: {  	[smem:$0x3FB3] =	sst s10  }
0x32: {  	s10 =	sld [smem:$0x3FB1];
	_ =	sdelay $0x3  }
0x33: {  	p0 =	seq.s32 s10, $0x1;
	s10 =	sld [smem:$0x3FB3];
	_ =	sdelay $0x3  }
0x34: {  	[smem:$0x3FB3] =	sst s10  }
0x35: {  	s10 =	sld [smem:$0x3FB2];
	_ =	sdelay $0x3  }
0x36: {  	p1 =	seq.s32 s10, $0x1;
	s10 =	sld [smem:$0x3FB3];
	_ =	sdelay $0x3  }
0x37: {  	[smem:$0x3FB3] =	sst s10  }
0x38: {  	s10 =	sld [smem:$0x3FB4]  }
0x39: {  	_ = 	snop;
	(pc) =	sbr.ind lr, $3  }
0x3a: {  	_ = 	snop  }
0x3b: {  	_ = 	snop  }
0x3c: {  	p2 =	seq.s32 s10, $0x1;
	s10 =	sld [smem:$0x3FB3]  }
0x3d: {  	_ =	shalt  }
0x3e: {  	_ =	shalt  }
0x3f: {  	_ =	shalt  }
0x40: {  	_ =	shalt  }
0x41: {  	_ =	shalt  }
0x42: {  	_ =	shalt  }
0x43: {  	_ =	shalt  }
0x44: {  	_ =	shalt  }
0x45: {  	_ =	shalt  }
0x46: {  	_ =	shalt  }
0x47: {  	_ =	shalt  }
0x48: {  	_ =	shalt  }
0x49: {  	_ =	shalt  }
0x4a: {  	_ =	shalt  }
0x4b: {  	_ =	shalt  }
0x4c: {  	_ =	shalt  }
0x4d: {  	_ =	shalt  }
0x4e: {  	_ =	shalt  }
0x4f: {  	_ =	shalt  }
0x50: {  	_ =	shalt  }
0x51: {  	_ =	shalt  }
0x52: {  	_ =	shalt  }
0x53: {  	_ =	shalt  }
0x54: {  	_ =	shalt  }
0x55: {  	_ =	shalt  }
0x56: {  	_ =	shalt  }
0x57: {  	_ =	shalt  }
0x58: {  	_ =	shalt  }
0x59: {  	_ =	shalt  }
0x5a: {  	_ =	shalt  }
0x5b: {  	_ =	shalt  }
0x5c: {  	_ =	shalt  }
0x5d: {  	_ =	shalt  }
0x5e: {  	_ =	shalt  }
0x5f: {  	_ =	shalt  }
0x60: {  	_ =	shalt  }
0x61: {  	_ =	shalt  }
0x62: {  	_ =	shalt  }
0x63: {  	_ =	shalt  }
0x64: {  	_ =	shalt  }
0x65: {  	_ =	shalt  }
0x66: {  	_ =	shalt  }
0x67: {  	_ =	shalt  }
0x68: {  	_ =	shalt  }
0x69: {  	_ =	shalt  }
0x6a: {  	_ =	shalt  }
0x6b: {  	_ =	shalt  }
0x6c: {  	_ =	shalt  }
0x6d: {  	_ =	shalt  }
0x6e: {  	_ =	shalt  }
0x6f: {  	_ =	shalt  }
0x70: {  	_ =	shalt  }
0x71: {  	_ =	shalt  }
0x72: {  	_ =	shalt  }
0x73: {  	_ =	shalt  }
0x74: {  	_ =	shalt  }
0x75: {  	_ =	shalt  }
0x76: {  	_ =	shalt  }
0x77: {  	_ =	shalt  }
0x78: {  	_ =	shalt  }
0x79: {  	_ =	shalt  }
0x7a: {  	_ =	shalt  }
0x7b: {  	_ =	shalt  }
0x7c: {  	_ =	shalt  }
0x7d: {  	_ =	shalt  }
0x7e: {  	_ =	shalt  }
0x7f: {  	_ =	shalt  }
0x80: {  	_ =	shalt  }
0x81: {  	_ =	shalt  }
0x82: {  	_ =	shalt  }
0x83: {  	_ =	shalt  }
0x84: {  	_ =	shalt  }
0x85: {  	_ =	shalt  }
0x86: {  	_ =	shalt  }
0x87: {  	_ =	shalt  }
.Lfunc_end0:
.L_simem_size_0:
called_computation.6_lowered:
.L_overlay_start_0:
0x88: {  	s2 =	sld [smem:$0x3FD9]  }
0x89: {  	s3 =	sld [smem:$0x3FFE];
	_ =	sdelay $0x1  }
0x8a: {  	s1 =	srdreg.scid  }
0x8b: {  	s0 =	sand.u32 $0x1, s1  }
0x8c: {  	s17 =	sshll.u32 s0, $0xA;
	s2 =	sadd.s32 s3, s2  }
0x8d: {  	s2 =	sadd.s32 s2, s17  }
0x8e: {  	[smem:$0x3FBF] =	sst s2  }
0x8f: {  	_ = 	snop  }
0x90: {  	s2 =	sld [smem:$0x3FD0];
	(tm) =	ssettm $0x1  }
0x91: {  	s18 =	sld [smem:$0x3FFB];
	_ =	sdelay $0x3  }
0x92: {  	_ =	strace s18  }
0x93: {  	s3 =	sld [smem:$0x3FFC];
	_ =	sdelay $0x3  }
0x94: {  	_ =	strace s3  }
0x95: {  	s3 =	sld [smem:$0x3FFD];
	_ =	sdelay $0x3  }
0x96: {  	_ =	strace s3  }
0x97: {  	_ =	strace $0x8FFFFFFF  }
0x98: {  	s19 =	sld [smem:$0x3FDB];
	_ =	sdelay $0x1  }
0x99: {  	s4 =	simm.s32 $_scs_section_size  }
0x9a: {  	s5 =	simm.s32 $_size__tile_overlayer_lowered;
	s6 =	simm.s32 $_tile_overlayer_lowered  }
0x9b: {  	s22 =	simm.s32 $0x1BFF;
	s21 =	sshll.u32 s6, $0x1;
	s3 =	sadd.s32 s4, s19  }
0x9c: {  	s7 =	simm.s32 $0x0;
	s20 =	sshll.u32 s5, $0x1;
	s5 =	sadd.s32 s21, s3  }
0x9d: {  	[timem:s7], [sflag:s22] =	dma.local [hbm:s5], s20  }
0x9e: {  	_ =	swait.ge [sflag:s22], s20  }
0x9f: {  	s4 =	ssub.s32 $0x0, s20;
	[sflag:s22] =	ssyncset.done $0x0  }
0xa0: {  	[sflag:s22] =	ssyncadd.s32 s4;
	_ =	sdelay $0x1  }
0xa1: {  	s23 =	simm.s32 $0x1B8B  }
0xa2: {  	_ =	swait.ge [sflag:s23], $0x1  }
0xa3: {  	[sflag:s23] =	ssyncset.done $0x0  }
0xa4: {  	s25 =	simm.s32 $0x1B8E;
	s24 =	sld [smem:$0x3FFE];
	[sflag:s23] =	ssyncadd.s32 $0xFFFFFFFF  }
0xa5: {  	s26 =	simm.s32 $execute0_lowered;
	[smem:$0x3FD2] =	sst s25  }
0xa6: {  	s5 =	sshll.u32 s26, $0x1;
	_ =	strace $0x8000005B;
	[dreg:$0x1] =	wrdreg $0xFFFFFFFF  }
0xa7: {  	s28 =	simm.s32 $_size_execute0_lowered;
	s3 =	sadd.s32 s3, s5;
	[dreg:$0x0] =	wrdreg $0x0  }
0xa8: {  	s5 =	sshll.u32 s28, $0x1;
	[dreg:$0x2] =	wrdreg s3  }
0xa9: {  	[dreg:$0x3] =	wrdreg s5  }
0xaa: {  	[dreg:$0x4] =	wrdreg $0xC0  }
0xab: {  	_ =	task [dreg:s7], $0x5FFFF  }
0xac: {  	[dreg:$0x1] =	wrdreg $0xFFFFFFFF  }
0xad: {  	[dreg:$0x0] =	wrdreg $0x60  }
0xae: {  	[dreg:$0x2] =	wrdreg s24  }
0xaf: {  	[dreg:$0x3] =	wrdreg s2  }
0xb0: {  	[dreg:$0x4] =	wrdreg $0x9  }
0xb1: {  	_ =	task.clear_ibuf [dreg:s7], $0x5FFFF;
	_ =	strace $0x9000005B  }
0xb2: {  	s29 =	simm.s32 $0x9;
	_ =	strace $0x80000064  }
0xb3: {  	_ =	swait.ge [sflag:s29], $0x1  }
0xb4: {  	[sflag:s29] =	ssyncadd.s32 $0xFFFFFFFF  }
0xb5: {  	_ =	strace $0x90000064  }
0xb6: {  	_ =	sfence  }
0xb7: {  	s30 =	sld [smem:$0x0];
	_ =	sdelay $0x2  }
0xb8: {  	s31 =	sshll.u32 s1, $0xD;
	s1 =	sshrl.u32 s1, $0x2  }
0xb9: {  	s3 =	sand.u32 $0x4000, s31;
	s1 =	sadd.s32 s1, s30  }
0xba: {  	s0 =	sor.u32 s3, s0;
	s1 =	sshll.u32 s1, $0x11  }
0xbb: {  	s0 =	sor.u32 s1, s0  }
0xbc: {  	s0 =	sadd.s32 $0x8F2B, s0  }
0xbd: {  	[sflag:s0] =	ssyncadd.remote.s32 $0x1  }
0xbe: {  	_ =	sfence.sel $0xFFFF  }
0xbf: {  	[dreg:$0x0] =	wrdreg $0xFFFFFFFF;
	(pc) =	sbr.abs _section_cstart, $3  }
0xc0: {  	[dreg:$0x1] =	wrdreg $0xFFFFFFFF  }
0xc1: {  	_ =	task.clear_ibuf [dreg:s7], $0x2FFFF;
	_ =	strace $0x9FFFFFFF  }
0xc2: {  	(tm) =	ssettm $0x7FFFFFFF  }
0xc3: {  	_ =	shalt  }
tec
execute0_lowered:
.L_overlay_start_1:
0x0: {  	(tag) =	ssettag $0x1  }
0x1: {  	s4 =	rddreg [dreg:$0x0]  }
0x2: {  	s0 =	rddreg [dreg:$0x1];
	s1 =	simm.s32 $0x0;
	s2 =	srdreg.scid  }
0x3: {  	s8 =	simm.s32 $0x5;
	s9 =	simm.s32 $0x4;
	[dreg:$0x3] =	wrdreg s0  }
0x4: {  	s10 =	simm.s32 $0x0;
	s0 =	rddreg [dreg:$0x2];
	s2 =	sand.u32 $0x1, s2  }
0x5: {  	[smem:$0x7FF] =	sst s1;
	s3 =	sadd.s32 $0x22200, s4;
	s5 =	ssub.s32 $0x2, s2  }
0x6: {  	v2 =	vlaneseq.u32;
	s4 =	sadd.s32 $0x1E00, s4;
	s2 =	stileid.u32;
	s6 =	sshrl.u32 s5, $0x1  }
0x7: {  	vm0 =	vmmov $0xffff;
	v1 =	vshrl.u32 v2, $0x3;
	_ =	strace $0x8000005C;
	s31 =	sshll.u32 s2, $0x7;
	s7 =	ssub.s32 s5, s6  }
0x8: {  	v0 =	vand.u32 $0x7, v2;
	v2 =	vor.u32 $0x8, v2;
	v1 =	vmul.u32 $0x8, v1;
	s5 =	sshll.u32 s2, $0x3;
	s6 =	sadd.s32 s4, s31;
	s7 =	smax.u32 s7, $0x1  }
.LBB2_1:
0x9: {  	_ =	strace $0x8000005D;
	s11 =	simm.s32 $0x8  }
0xa: {  	s12 =	simm.s32 $0x0;
	s13 =	simm.s32 $0x0;
	s14 =	simm.s32 $0x0  }
0xb: {  	[tilespmem:s1], [sflag:$0x1] =	stream.linear.gather [hbm4b:s6+s1], $0x80, $0x200038;
	[tilespmem:$0x10100] =	vst v63  }
0xc: {  	s15 =	simm.s32 $0x0;
	s16 =	simm.s32 $0x1;
	_ =	strace $0x9000005D  }
.LBB2_2:
0xd: {  	s17 =	smov.u32 s12;
	s12 =	sadd.s32 $0x1, s12  }
0xe: {  	p0 =	seq.s32 s12, $0x8  }
0xf: {  	s12 =	simm.s32 @p0 $0x0  }
0x10: {  	p6 =	sne.s32 s11, $0x1;
	p1 =	sne.s32 s17, s12  }
0x11: {  	p0 =	por !p6, !p1  }
0x12: {  	p0 =	por !p0, !p0  }
0x13: {  	s18 =	sadd.s32 @p0 s5, s12  }
0x14: {  	s19 =	sand.u32 @p0 $0x1, s16;
	s18 =	sshll.u32 @p0 s18, $0x4  }
0x15: {  	_ =	strace @p0 $0x8000005E;
	s21 =	simm.s32 @p0 $0x0;
	s18 =	sand.u32 @p0 $0x1FFFFFF0, s18  }
0x16: {  	s20 =	sshll.u32 @p0 s19, $0x7;
	s19 =	sadd.s32 @p0 $0x1, s19;
	s18 =	sadd.s32 @p0 s4, s18  }
0x17: {  	[tilespmem:s20], [sflag:s19] =	stream.linear.gather @p0 [hbm4b:s18+s21], $0x80, $0x200038;
	[tilespmem:$0x10100] =	vst v63  }
0x18: {  	s24 =	sand.u32 $0x1, s15;
	_ =	strace @p0 $0x9000005E  }
0x19: {  	s18 =	sadd.s32 $0x1, s24;
	_ =	strace $0x8000005F  }
0x1a: {  	_ =	swait.ge [sflag:s18], $0x80  }
0x1b: {  	[sflag:s18] =	ssyncset.done $0x0  }
0x1c: {  	[sflag:s18] =	ssyncadd.s32 $0xFFFFFF80  }
0x1d: {  	s25 =	sshll.u32 s15, $0x7;
	_ =	strace $0x9000005F  }
0x1e: {  	s21 =	sand.u32 $0x80, s25;
	_ =	strace $0x80000060  }
0x1f: {  	v3 =	vld [tilespmem:s21+$0x0];
	_ =	sdelay $0x4  }
0x20: {  	v4 =	vshll.u32 v3, $0x1  }
0x21: {  	v3 =	vand.u32 $0x7, v3;
	v4 =	vand.u32 $0xFFFFFFF0, v4  }
0x22: {  	v3 =	vor.u32 v3, v4  }
0x23: {  	v4 =	vperm.xlane v3, v0;
	_ =	sdelay $0x1  }
0x24: {  	v3 =	vperm.xlane v3, v2;
	v4 =	vadd.s32 v1, v4;
	_ =	sdelay $0x1  }
0x25: {  	s18 =	sand.u32 $0x1, s14;
	v3 =	vadd.s32 v1, v3  }
0x26: {  	s20 =	sshll.u32 s18, $0xF  }
0x27: {  	s19 =	sor.u32 $0x100, s20  }
0x28: {  	[tilespmem:s19], [sflag:$0x5] =	stream.indirect_vreg.gather [hbm4b:s3+s1], $0x80, v4, vm0, $0x2000b8;
	[tilespmem:$0x10100] =	vst v63  }
0x29: {  	s22 =	sor.u32 $0x900, s20  }
0x2a: {  	[tilespmem:s22], [sflag:$0x5] =	stream.indirect_vreg.gather [hbm4b:s3+s1], $0x80, v3, vm0, $0x2000b8;
	[tilespmem:$0x10100] =	vst v63  }
0x2b: {  	v3 =	vld [tilespmem:s21+$0x10];
	_ =	sdelay $0x4  }
0x2c: {  	v57 =	vshll.u32 v3, $0x1  }
0x2d: {  	v3 =	vand.u32 $0x7, v3;
	v4 =	vand.u32 $0xFFFFFFF0, v57  }
0x2e: {  	v3 =	vor.u32 v3, v4  }
0x2f: {  	v4 =	vperm.xlane v3, v0;
	_ =	sdelay $0x1  }
0x30: {  	v3 =	vperm.xlane v3, v2;
	v4 =	vadd.s32 v1, v4;
	_ =	sdelay $0x1  }
0x31: {  	v3 =	vadd.s32 v1, v3;
	_ =	sdelay $0x1  }
0x32: {  	s26 =	sor.u32 $0x1100, s20  }
0x33: {  	[tilespmem:s26], [sflag:$0x5] =	stream.indirect_vreg.gather [hbm4b:s3+s1], $0x80, v4, vm0, $0x2000b8;
	[tilespmem:$0x10100] =	vst v63  }
0x34: {  	s28 =	sor.u32 $0x1900, s20  }
0x35: {  	[tilespmem:s28], [sflag:$0x5] =	stream.indirect_vreg.gather [hbm4b:s3+s1], $0x80, v3, vm0, $0x2000b8;
	[tilespmem:$0x10100] =	vst v63  }
0x36: {  	v3 =	vld [tilespmem:s21+$0x20];
	_ =	sdelay $0x4  }
0x37: {  	v58 =	vshll.u32 v3, $0x1  }
0x38: {  	v3 =	vand.u32 $0x7, v3;
	v4 =	vand.u32 $0xFFFFFFF0, v58  }
0x39: {  	v3 =	vor.u32 v3, v4  }
0x3a: {  	v4 =	vperm.xlane v3, v0;
	_ =	sdelay $0x1  }
0x3b: {  	v3 =	vperm.xlane v3, v2;
	v4 =	vadd.s32 v1, v4;
	_ =	sdelay $0x1  }
0x3c: {  	v3 =	vadd.s32 v1, v3;
	_ =	sdelay $0x1  }
0x3d: {  	s29 =	sor.u32 $0x2100, s20  }
0x3e: {  	[tilespmem:s29], [sflag:$0x5] =	stream.indirect_vreg.gather [hbm4b:s3+s1], $0x80, v4, vm0, $0x2000b8;
	[tilespmem:$0x10100] =	vst v63  }
0x3f: {  	s30 =	sor.u32 $0x2900, s20  }
0x40: {  	[tilespmem:s30], [sflag:$0x5] =	stream.indirect_vreg.gather [hbm4b:s3+s1], $0x80, v3, vm0, $0x2000b8;
	[tilespmem:$0x10100] =	vst v63  }
0x41: {  	v3 =	vld [tilespmem:s21+$0x30];
	_ =	sdelay $0x4  }
0x42: {  	v59 =	vshll.u32 v3, $0x1  }
0x43: {  	v3 =	vand.u32 $0x7, v3;
	v4 =	vand.u32 $0xFFFFFFF0, v59  }
0x44: {  	v3 =	vor.u32 v3, v4  }
0x45: {  	v4 =	vperm.xlane v3, v0;
	_ =	sdelay $0x1  }
0x46: {  	v3 =	vperm.xlane v3, v2;
	v4 =	vadd.s32 v1, v4;
	_ =	sdelay $0x1  }
0x47: {  	v3 =	vadd.s32 v1, v3;
	_ =	sdelay $0x1  }
0x48: {  	s31 =	sor.u32 $0x3100, s20  }
0x49: {  	[tilespmem:s31], [sflag:$0x5] =	stream.indirect_vreg.gather [hbm4b:s3+s1], $0x80, v4, vm0, $0x2000b8;
	[tilespmem:$0x10100] =	vst v63  }
0x4a: {  	s23 =	sor.u32 $0x3900, s20  }
0x4b: {  	[tilespmem:s23], [sflag:$0x5] =	stream.indirect_vreg.gather [hbm4b:s3+s1], $0x80, v3, vm0, $0x2000b8;
	[tilespmem:$0x10100] =	vst v63  }
0x4c: {  	v3 =	vld [tilespmem:s21+$0x40];
	_ =	sdelay $0x4  }
0x4d: {  	v60 =	vshll.u32 v3, $0x1  }
0x4e: {  	v3 =	vand.u32 $0x7, v3;
	v4 =	vand.u32 $0xFFFFFFF0, v60  }
0x4f: {  	v3 =	vor.u32 v3, v4  }
0x50: {  	v4 =	vperm.xlane v3, v0;
	_ =	sdelay $0x1  }
0x51: {  	v3 =	vperm.xlane v3, v2;
	v4 =	vadd.s32 v1, v4;
	_ =	sdelay $0x1  }
0x52: {  	v3 =	vadd.s32 v1, v3;
	_ =	sdelay $0x1  }
0x53: {  	s24 =	sor.u32 $0x4100, s20  }
0x54: {  	[tilespmem:s24], [sflag:$0x5] =	stream.indirect_vreg.gather [hbm4b:s3+s1], $0x80, v4, vm0, $0x2000b8;
	[tilespmem:$0x10100] =	vst v63  }
0x55: {  	s25 =	sor.u32 $0x4900, s20  }
0x56: {  	[tilespmem:s25], [sflag:$0x5] =	stream.indirect_vreg.gather [hbm4b:s3+s1], $0x80, v3, vm0, $0x2000b8;
	[tilespmem:$0x10100] =	vst v63  }
0x57: {  	v3 =	vld [tilespmem:s21+$0x50];
	_ =	sdelay $0x4  }
0x58: {  	v61 =	vshll.u32 v3, $0x1  }
0x59: {  	v3 =	vand.u32 $0x7, v3;
	v4 =	vand.u32 $0xFFFFFFF0, v61  }
0x5a: {  	v3 =	vor.u32 v3, v4  }
0x5b: {  	v4 =	vperm.xlane v3, v0;
	_ =	sdelay $0x1  }
0x5c: {  	v3 =	vperm.xlane v3, v2;
	v4 =	vadd.s32 v1, v4;
	_ =	sdelay $0x1  }
0x5d: {  	v3 =	vadd.s32 v1, v3;
	_ =	sdelay $0x1  }
0x5e: {  	s26 =	sor.u32 $0x5100, s20  }
0x5f: {  	[tilespmem:s26], [sflag:$0x5] =	stream.indirect_vreg.gather [hbm4b:s3+s1], $0x80, v4, vm0, $0x2000b8;
	[tilespmem:$0x10100] =	vst v63  }
0x60: {  	s28 =	sor.u32 $0x5900, s20  }
0x61: {  	[tilespmem:s28], [sflag:$0x5] =	stream.indirect_vreg.gather [hbm4b:s3+s1], $0x80, v3, vm0, $0x2000b8;
	[tilespmem:$0x10100] =	vst v63  }
0x62: {  	v3 =	vld [tilespmem:s21+$0x60];
	_ =	sdelay $0x4  }
0x63: {  	v62 =	vshll.u32 v3, $0x1  }
0x64: {  	v3 =	vand.u32 $0x7, v3;
	v4 =	vand.u32 $0xFFFFFFF0, v62  }
0x65: {  	v3 =	vor.u32 v3, v4  }
0x66: {  	v4 =	vperm.xlane v3, v0;
	_ =	sdelay $0x1  }
0x67: {  	v3 =	vperm.xlane v3, v2;
	v4 =	vadd.s32 v1, v4;
	_ =	sdelay $0x1  }
0x68: {  	v3 =	vadd.s32 v1, v3;
	_ =	sdelay $0x1  }
0x69: {  	s29 =	sor.u32 $0x6100, s20  }
0x6a: {  	[tilespmem:s29], [sflag:$0x5] =	stream.indirect_vreg.gather [hbm4b:s3+s1], $0x80, v4, vm0, $0x2000b8;
	[tilespmem:$0x10100] =	vst v63  }
0x6b: {  	s30 =	sor.u32 $0x6900, s20  }
0x6c: {  	[tilespmem:s30], [sflag:$0x5] =	stream.indirect_vreg.gather [hbm4b:s3+s1], $0x80, v3, vm0, $0x2000b8;
	[tilespmem:$0x10100] =	vst v63  }
0x6d: {  	v3 =	vld [tilespmem:s21+$0x70];
	_ =	sdelay $0x4  }
0x6e: {  	v63 =	vshll.u32 v3, $0x1  }
0x6f: {  	v3 =	vand.u32 $0x7, v3;
	v4 =	vand.u32 $0xFFFFFFF0, v63  }
0x70: {  	v3 =	vor.u32 v3, v4  }
0x71: {  	v4 =	vperm.xlane v3, v0;
	_ =	sdelay $0x1  }
0x72: {  	v3 =	vperm.xlane v3, v2;
	v4 =	vadd.s32 v1, v4;
	_ =	sdelay $0x1  }
0x73: {  	v3 =	vadd.s32 v1, v3;
	_ =	sdelay $0x1  }
0x74: {  	s31 =	sor.u32 $0x7100, s20  }
0x75: {  	[tilespmem:s31], [sflag:$0x5] =	stream.indirect_vreg.gather [hbm4b:s3+s1], $0x80, v4, vm0, $0x2000b8;
	[tilespmem:$0x10100] =	vst v63  }
0x76: {  	s20 =	sor.u32 $0x7900, s20  }
0x77: {  	[tilespmem:s20], [sflag:$0x5] =	stream.indirect_vreg.gather [hbm4b:s3+s1], $0x80, v3, vm0, $0x2000b8;
	[tilespmem:$0x10100] =	vst v63  }
0x78: {  	_ =	swait.ge [sflag:s8], $0x8000  }
0x79: {  	p2 =	seq.s32 s11, $0x1;
	[sflag:s8] =	ssyncset.done $0x0  }
0x7a: {  	s17 =	sadd.s32 s5, s17;
	p1 =	por p2, p1;
	[sflag:s8] =	ssyncadd.s32 $0xFFFF8000  }
0x7b: {  	s17 =	sshll.u32 @p1 s17, $0xC;
	_ =	strace $0x90000060  }
0x7c: {  	s17 =	sand.u32 @p1 $0x1FFFF000, s17;
	s21 =	simm.s32 $0x1;
	_ =	strace @p1 $0x80000061  }
0x7d: {  	s18 =	sadd.s32 @p1 $0x3, s18;
	s21 =	simm.s32 @!p0 $0x0;
	s20 =	rddreg [dreg:$0x3]  }
0x7e: {  	p0 =	seq.s32 s11, $0x8;
	s17 =	sadd.s32 @p1 s20, s17;
	s20 =	simm.s32 @p1 $0x0  }
0x7f: {  	[hbm4b:s17+s20] =	stream.linear.scatter @p1 [tilespmem:s19], [sflag:s18], $0x8000, $0x200038;
	[tilespmem:$0x10100] =	vst v63  }
0x80: {  	s17 =	simm.s32 $0x1;
	s19 =	simm.s32 $0x1;
	_ =	strace @p1 $0x90000061  }
0x81: {  	s17 =	simm.s32 @!p1 $0x0;
	p1 =	sne.s32 s11, $0x8;
	s11 =	sadd.s32 $0xFFFFFFFF, s11  }
0x82: {  	s18 =	sand.u32 @!p0 $0x1, s13;
	s19 =	simm.s32 @!p1 $0x0;
	p1 =	sne.s32 s11, $0x0  }
.Ltmp0:
0x83: {  	s18 =	sadd.s32 @!p0 $0x3, s18;
	_ =	strace @!p0 $0x80000062;
	(pc) =	sbr.rel @p1 .LBB2_2-.Ltmp0, $4  }
0x84: {  	_ =	swait.ge @!p0 [sflag:s18], $0x8000  }
0x85: {  	[sflag:s18] =	ssyncset.done @!p0 $0x0  }
0x86: {  	s16 =	sadd.s32 s21, s16;
	s14 =	sadd.s32 s17, s14;
	[sflag:s18] =	ssyncadd.s32 @!p0 $0xFFFF8000  }
0x87: {  	s15 =	sadd.s32 s17, s15;
	s13 =	sadd.s32 s19, s13;
	_ =	strace @!p0 $0x90000062  }
0x88: {  	s10 =	sadd.s32 $0x1, s10  }
0x89: {  	p0 =	sne.s32 s10, s7  }
.Ltmp1:
0x8a: {  	_ =	strace $0x80000063;
	(pc) =	sbr.rel @p0 .LBB2_1-.Ltmp1, $4  }
0x8b: {  	_ =	swait.ge [sflag:s9], $0x8000  }
0x8c: {  	[sflag:s9] =	ssyncset.done $0x0  }
0x8d: {  	[sflag:s9] =	ssyncadd.s32 $0xFFFF8000  }
0x8e: {  	_ =	strace $0x90000063  }
0x8f: {  	_ =	sfence.sel $0x180000  }
0x90: {  	[bflag:$0x0] =	sbarrier.arrive $0xFFFF  }
0x91: {  	p0 =	sne.s32 s2, $0x0;
	_ =	strace $0x9000005C  }
0x92: {  	s0 =	sadd.s32 @!p0 $0x100000, s0;
	[bflag:$0x2] =	sbarrier.arrive $0xFFFF  }
0x93: {  	[sflag:s0] =	ssyncadd.tile.s32 @!p0 $0x1;
	_ =	shalt  }
.Lfunc_end2:
_tile_overlayer_lowered:
.L_overlay_start_2:
0x94: {  	(tag) =	ssettag $0x2  }
0x95: {  	s0 =	rddreg [dreg:$0x0];
	s2 =	stileid.u32  }
0x96: {  	s1 =	rddreg [dreg:$0x1];
	p0 =	sne.s32 s2, $0x0  }
0x97: {  	s3 =	rddreg [dreg:$0x2];
	[bflag:$0x3] =	sbarrier.arrive $0xFFFF;
	s2 =	simm.s32 @!p0 $0x1C01  }
0x98: {  	[timem:s3], [sflag:s2] =	dma.local @!p0 [hbm:s0], s1  }
0x99: {  	s0 =	simm.s32 @!p0 $0x1  }
0x9a: {  	_ =	swait.ge @!p0 [sflag:s0], s1  }
0x9b: {  	s1 =	ssub.s32 @!p0 $0x0, s1;
	[sflag:s0] =	ssyncset.done @!p0 $0x0  }
0x9c: {  	[sflag:s0] =	ssyncadd.s32 @!p0 s1  }
0x9d: {  	[bflag:$0x3] =	sbarrier.arrive $0xFFFF  }
0x9e: {  	_ =	shalt  }

// kernel: kernel.9.cloned.1.call-start
scs
__scs_entry_jumppad:
0x0: {  	(pc) =	sbr.rel $0x88, $3  }
0x1: {  	(tag) =	ssettag $0x0;
	lr =	simm.s32 $0x1  }
0x2: {  	[smem:$0x3F98] =	sst lr;
	_ =	strace $0xD0000000  }
0x3: {  	_ = 	snop  }
0x4: {  	_ = 	snop  }
0x5: {  	_ = 	snop  }
0x6: {  	_ = 	snop  }
0x7: {  	_ = 	snop  }
__scs_overlays_trampoline_lowered:
0x8: {  	[smem:$0x3FA7] =	sst s0  }
0x9: {  	[smem:$0x3FA8] =	sst s1  }
0xa: {  	[smem:$0x3FA9] =	sst s2  }
0xb: {  	[smem:$0x3FAA] =	sst s3  }
0xc: {  	[smem:$0x3FAB] =	sst s4  }
0xd: {  	[smem:$0x3FAC] =	sst s5  }
0xe: {  	[smem:$0x3FAD] =	sst s6  }
0xf: {  	[smem:$0x3FAE] =	sst s7  }
0x10: {  	[smem:$0x3FAF] =	sst s8  }
0x11: {  	[smem:$0x3FB0] =	sst s9;
	s0 =	simm.s32 @!p0 $0x0  }
0x12: {  	s1 =	sld [smem:$0x3F96];
	s0 =	simm.s32 @p0 $0x1  }
0x13: {  	[smem:$0x3FB1] =	sst s0;
	s0 =	simm.s32 @!p1 $0x0  }
0x14: {  	s2 =	sld [smem:$0x3F95];
	s0 =	simm.s32 @p1 $0x1  }
0x15: {  	[smem:$0x3FB2] =	sst s0;
	s0 =	simm.s32 @!p2 $0x0  }
0x16: {  	s3 =	sld [smem:$0x3FDB];
	s0 =	simm.s32 @p2 $0x1  }
0x17: {  	s4 =	simm.s32 $0x1BF5;
	[smem:$0x3FB4] =	sst s0  }
0x18: {  	s0 =	sld [smem:$0x3F97];
	_ =	swait.ge [sflag:s4], $0x0  }
0x19: {  	s7 =	sld [smem:$0x3F98]  }
0x1a: {  	s8 =	sadd.s32 $0xFFFFE003, lr  }
0x1b: {  	s9 =	sadd.s32 $0xFFFFFEF7, lr;
	s5 =	simm.s32 $0xFFFFFFFF;
	p2 =	slt.u32 s8, $0xFFFFF086  }
0x1c: {  	p1 =	slt.u32 s9, $0xF7A;
	s5 =	simm.s32 @!p2 $0x0  }
0x1d: {  	s5 =	simm.s32 @p1 $0x1;
	p0 =	seq.s32 s7, s2  }
0x1e: {  	s7 =	smul.u32 @!p0 $0xF7A, s2;
	p2 =	seq.s32 @!p0 s5, $0x0  }
0x1f: {  	s9 =	smul.u32 $0xF7A, s1;
	s8 =	simm.s32 @!p0 $0x1BF5;
	p2 =	por !p2, p0  }
0x20: {  	[sflag:s8] =	ssyncset.s32 @!p0 $0xFFFFF086;
	s6 =	sadd.s32 @!p0 s3, s7;
	s7 =	simm.s32 @!p0 $0x108  }
0x21: {  	s3 =	sadd.s32 s3, s9;
	s6 =	sadd.s32 @!p0 $0x88, s6;
	s7 =	simm.s32 @p2 $0x1082  }
0x22: {  	[simem:s7], [sflag:s8] =	dma.local @!p0 [hbm:s6], $0xF7A  }
0x23: {  	s9 =	sor.u32 $0xD0000000, s2;
	s6 =	simm.s32 $0x108;
	_ =	swait.ge @!p0 [sflag:s8], $0x0  }
0x24: {  	s3 =	sadd.s32 $0x88, s3;
	s6 =	simm.s32 @!p1 $0x1082;
	[sflag:s4] =	ssyncset.s32 $0xFFFFF086  }
0x25: {  	[simem:s6], [sflag:s4] =	dma.local [hbm:s3], $0xF7A  }
0x26: {  	[smem:$0x3F98] =	sst s1;
	(tag) =	ssettag s2;
	_ =	strace s9  }
0x27: {  	s1 =	sld [smem:$0x3FA8]  }
0x28: {  	s2 =	sld [smem:$0x3FA9]  }
0x29: {  	s4 =	sld [smem:$0x3FAB]  }
0x2a: {  	p0 =	seq.s32 s5, $0x0;
	s5 =	sld [smem:$0x3FAC]  }
0x2b: {  	s6 =	sld [smem:$0x3FAD]  }
0x2c: {  	s7 =	sld [smem:$0x3FAE]  }
0x2d: {  	s3 =	simm.s32 $0x108;
	s8 =	sld [smem:$0x3FAF]  }
0x2e: {  	s3 =	simm.s32 @!p0 $0x1082;
	s9 =	sld [smem:$0x3FB0]  }
0x2f: {  	lr =	sadd.s32 s0, s3;
	s0 =	sld [smem:$0x3FA7]  }
0x30: {  	s3 =	sld [smem:$0x3FAA]  }
0x31: {  	[smem:$0x3FB3] =	sst s10  }
0x32: {  	s10 =	sld [smem:$0x3FB1];
	_ =	sdelay $0x3  }
0x33: {  	p0 =	seq.s32 s10, $0x1;
	s10 =	sld [smem:$0x3FB3];
	_ =	sdelay $0x3  }
0x34: {  	[smem:$0x3FB3] =	sst s10  }
0x35: {  	s10 =	sld [smem:$0x3FB2];
	_ =	sdelay $0x3  }
0x36: {  	p1 =	seq.s32 s10, $0x1;
	s10 =	sld [smem:$0x3FB3];
	_ =	sdelay $0x3  }
0x37: {  	[smem:$0x3FB3] =	sst s10  }
0x38: {  	s10 =	sld [smem:$0x3FB4]  }
0x39: {  	_ = 	snop;
	(pc) =	sbr.ind lr, $3  }
0x3a: {  	_ = 	snop  }
0x3b: {  	_ = 	snop  }
0x3c: {  	p2 =	seq.s32 s10, $0x1;
	s10 =	sld [smem:$0x3FB3]  }
0x3d: {  	_ =	shalt  }
0x3e: {  	_ =	shalt  }
0x3f: {  	_ =	shalt  }
0x40: {  	_ =	shalt  }
0x41: {  	_ =	shalt  }
0x42: {  	_ =	shalt  }
0x43: {  	_ =	shalt  }
0x44: {  	_ =	shalt  }
0x45: {  	_ =	shalt  }
0x46: {  	_ =	shalt  }
0x47: {  	_ =	shalt  }
0x48: {  	_ =	shalt  }
0x49: {  	_ =	shalt  }
0x4a: {  	_ =	shalt  }
0x4b: {  	_ =	shalt  }
0x4c: {  	_ =	shalt  }
0x4d: {  	_ =	shalt  }
0x4e: {  	_ =	shalt  }
0x4f: {  	_ =	shalt  }
0x50: {  	_ =	shalt  }
0x51: {  	_ =	shalt  }
0x52: {  	_ =	shalt  }
0x53: {  	_ =	shalt  }
0x54: {  	_ =	shalt  }
0x55: {  	_ =	shalt  }
0x56: {  	_ =	shalt  }
0x57: {  	_ =	shalt  }
0x58: {  	_ =	shalt  }
0x59: {  	_ =	shalt  }
0x5a: {  	_ =	shalt  }
0x5b: {  	_ =	shalt  }
0x5c: {  	_ =	shalt  }
0x5d: {  	_ =	shalt  }
0x5e: {  	_ =	shalt  }
0x5f: {  	_ =	shalt  }
0x60: {  	_ =	shalt  }
0x61: {  	_ =	shalt  }
0x62: {  	_ =	shalt  }
0x63: {  	_ =	shalt  }
0x64: {  	_ =	shalt  }
0x65: {  	_ =	shalt  }
0x66: {  	_ =	shalt  }
0x67: {  	_ =	shalt  }
0x68: {  	_ =	shalt  }
0x69: {  	_ =	shalt  }
0x6a: {  	_ =	shalt  }
0x6b: {  	_ =	shalt  }
0x6c: {  	_ =	shalt  }
0x6d: {  	_ =	shalt  }
0x6e: {  	_ =	shalt  }
0x6f: {  	_ =	shalt  }
0x70: {  	_ =	shalt  }
0x71: {  	_ =	shalt  }
0x72: {  	_ =	shalt  }
0x73: {  	_ =	shalt  }
0x74: {  	_ =	shalt  }
0x75: {  	_ =	shalt  }
0x76: {  	_ =	shalt  }
0x77: {  	_ =	shalt  }
0x78: {  	_ =	shalt  }
0x79: {  	_ =	shalt  }
0x7a: {  	_ =	shalt  }
0x7b: {  	_ =	shalt  }
0x7c: {  	_ =	shalt  }
0x7d: {  	_ =	shalt  }
0x7e: {  	_ =	shalt  }
0x7f: {  	_ =	shalt  }
0x80: {  	_ =	shalt  }
0x81: {  	_ =	shalt  }
0x82: {  	_ =	shalt  }
0x83: {  	_ =	shalt  }
0x84: {  	_ =	shalt  }
0x85: {  	_ =	shalt  }
0x86: {  	_ =	shalt  }
0x87: {  	_ =	shalt  }
.Lfunc_end0:
.L_simem_size_0:
called_computation.5_lowered:
.L_overlay_start_0:
0x88: {  	s2 =	sld [smem:$0x3FD9]  }
0x89: {  	s3 =	sld [smem:$0x3FFE];
	_ =	sdelay $0x1  }
0x8a: {  	s1 =	srdreg.scid  }
0x8b: {  	s0 =	sand.u32 $0x1, s1  }
0x8c: {  	s16 =	sshll.u32 s0, $0xA;
	s2 =	sadd.s32 s3, s2  }
0x8d: {  	s2 =	sadd.s32 s2, s16  }
0x8e: {  	[smem:$0x3FBF] =	sst s2  }
0x8f: {  	_ = 	snop  }
0x90: {  	(tm) =	ssettm $0x1  }
0x91: {  	s17 =	sld [smem:$0x3FFB];
	_ =	sdelay $0x3  }
0x92: {  	_ =	strace s17  }
0x93: {  	s2 =	sld [smem:$0x3FFC];
	_ =	sdelay $0x3  }
0x94: {  	_ =	strace s2  }
0x95: {  	s2 =	sld [smem:$0x3FFD];
	_ =	sdelay $0x3  }
0x96: {  	_ =	strace s2  }
0x97: {  	_ =	strace $0x8FFFFFFF  }
0x98: {  	s18 =	sld [smem:$0x3FDB];
	_ =	sdelay $0x1  }
0x99: {  	s19 =	simm.s32 $_scs_section_size  }
0x9a: {  	s4 =	simm.s32 $_size__tile_overlayer_lowered;
	s5 =	simm.s32 $_tile_overlayer_lowered  }
0x9b: {  	s22 =	simm.s32 $0x1BFF;
	s21 =	sshll.u32 s5, $0x1;
	s2 =	sadd.s32 s19, s18  }
0x9c: {  	s6 =	simm.s32 $0x0;
	s20 =	sshll.u32 s4, $0x1;
	s4 =	sadd.s32 s21, s2  }
0x9d: {  	[timem:s6], [sflag:s22] =	dma.local [hbm:s4], s20  }
0x9e: {  	_ =	swait.ge [sflag:s22], s20  }
0x9f: {  	s3 =	ssub.s32 $0x0, s20;
	[sflag:s22] =	ssyncset.done $0x0  }
0xa0: {  	[sflag:s22] =	ssyncadd.s32 s3;
	_ =	sdelay $0x1  }
0xa1: {  	s23 =	simm.s32 $0x1B8B  }
0xa2: {  	_ =	swait.ge [sflag:s23], $0x1  }
0xa3: {  	[sflag:s23] =	ssyncset.done $0x0  }
0xa4: {  	s25 =	simm.s32 $0x1B8E;
	s24 =	sld [smem:$0x3FFE];
	[sflag:s23] =	ssyncadd.s32 $0xFFFFFFFF  }
0xa5: {  	s26 =	simm.s32 $execute0_lowered;
	[smem:$0x3FD2] =	sst s25  }
0xa6: {  	s4 =	sshll.u32 s26, $0x1;
	_ =	strace $0x80000046;
	[dreg:$0x1] =	wrdreg $0xFFFFFFFF  }
0xa7: {  	s28 =	simm.s32 $_size_execute0_lowered;
	s2 =	sadd.s32 s2, s4;
	[dreg:$0x0] =	wrdreg $0x0  }
0xa8: {  	s4 =	sshll.u32 s28, $0x1;
	[dreg:$0x2] =	wrdreg s2  }
0xa9: {  	[dreg:$0x3] =	wrdreg s4  }
0xaa: {  	[dreg:$0x4] =	wrdreg $0xC0  }
0xab: {  	_ =	task [dreg:s6], $0x5FFFF  }
0xac: {  	[dreg:$0x1] =	wrdreg $0xFFFFFFFF  }
0xad: {  	[dreg:$0x0] =	wrdreg $0x60  }
0xae: {  	[dreg:$0x2] =	wrdreg s24  }
0xaf: {  	[dreg:$0x3] =	wrdreg $0x9  }
0xb0: {  	_ =	task.clear_ibuf [dreg:s6], $0x4FFFF;
	_ =	strace $0x90000046  }
0xb1: {  	s29 =	simm.s32 $0x9;
	_ =	strace $0x8000004E  }
0xb2: {  	_ =	swait.ge [sflag:s29], $0x1  }
0xb3: {  	[sflag:s29] =	ssyncadd.s32 $0xFFFFFFFF  }
0xb4: {  	_ =	strace $0x9000004E  }
0xb5: {  	_ =	sfence  }
0xb6: {  	s30 =	sld [smem:$0x0];
	_ =	sdelay $0x2  }
0xb7: {  	s31 =	sshll.u32 s1, $0xD;
	s1 =	sshrl.u32 s1, $0x2  }
0xb8: {  	s3 =	sand.u32 $0x4000, s31;
	s1 =	sadd.s32 s1, s30  }
0xb9: {  	s0 =	sor.u32 s3, s0;
	s1 =	sshll.u32 s1, $0x11  }
0xba: {  	s0 =	sor.u32 s1, s0  }
0xbb: {  	s0 =	sadd.s32 $0x8F2B, s0  }
0xbc: {  	[sflag:s0] =	ssyncadd.remote.s32 $0x1  }
0xbd: {  	_ =	sfence.sel $0xFFFF  }
0xbe: {  	[dreg:$0x0] =	wrdreg $0xFFFFFFFF;
	(pc) =	sbr.abs _section_cstart, $3  }
0xbf: {  	[dreg:$0x1] =	wrdreg $0xFFFFFFFF  }
0xc0: {  	_ =	task.clear_ibuf [dreg:s6], $0x2FFFF;
	_ =	strace $0x9FFFFFFF  }
0xc1: {  	(tm) =	ssettm $0x7FFFFFFF  }
tec
execute0_lowered:
.L_overlay_start_1:
0x0: {  	(tag) =	ssettag $0x1  }
0x1: {  	s5 =	rddreg [dreg:$0x0]  }
0x2: {  	s0 =	rddreg [dreg:$0x1];
	s1 =	simm.s32 $0x0  }
0x3: {  	s2 =	srdreg.scid;
	s9 =	simm.s32 $0x10000;
	s10 =	simm.s32 $0x5  }
0x4: {  	s11 =	simm.s32 $0x0;
	[smem:$0x7FF] =	sst s1;
	s2 =	sand.u32 $0x1, s2  }
0x5: {  	s3 =	sadd.s32 $0x22200, s5;
	s4 =	sadd.s32 $0x1E00, s5;
	s5 =	sadd.s32 $0xA2200, s5  }
0x6: {  	_ =	strace $0x80000047;
	s6 =	ssub.s32 $0x2, s2;
	s2 =	stileid.u32  }
0x7: {  	v2 =	vlaneseq.u32;
	s7 =	sshrl.u32 s6, $0x1;
	s29 =	sshll.u32 s2, $0x3;
	s30 =	sshll.u32 s2, $0xF  }
0x8: {  	vm0 =	vmmov $0xffff;
	v1 =	vshrl.u32 v2, $0x3;
	s31 =	sshll.u32 s2, $0x7;
	s8 =	ssub.s32 s6, s7;
	[dreg:$0x2] =	wrdreg s29  }
0x9: {  	v0 =	vand.u32 $0x7, v2;
	v2 =	vor.u32 $0x8, v2;
	v1 =	vmul.u32 $0x8, v1;
	s6 =	sadd.s32 s3, s30;
	s7 =	sadd.s32 s4, s31;
	s8 =	smax.u32 s8, $0x1  }
.LBB2_1:
0xa: {  	_ =	strace $0x80000048;
	s12 =	simm.s32 $0x8;
	s13 =	simm.s32 $0x0  }
0xb: {  	[tilespmem:s1], [sflag:$0x1] =	stream.linear.gather [hbm4b:s6+s1], $0x8000, $0x200038;
	[tilespmem:$0x10100] =	vst v63  }
0xc: {  	s18 =	simm.s32 $0x1;
	s14 =	simm.s32 $0x0;
	s15 =	simm.s32 $0x1  }
0xd: {  	[tilespmem:s9], [sflag:$0x3] =	stream.linear.gather [hbm4b:s7+s1], $0x80, $0x200038;
	[tilespmem:$0x10100] =	vst v63  }
0xe: {  	s16 =	simm.s32 $0x0;
	s17 =	smov.u32 s18;
	_ =	strace $0x90000048  }
.LBB2_2:
0xf: {  	s19 =	smov.u32 s13;
	s13 =	sadd.s32 $0x1, s13  }
0x10: {  	p0 =	seq.s32 s13, $0x8  }
0x11: {  	s13 =	simm.s32 @p0 $0x0;
	p0 =	seq.s32 s12, $0x1  }
0x12: {  	p1 =	seq.s32 @!p0 s19, s13  }
0x13: {  	s20 =	rddreg [dreg:$0x2];
	p2 =	por p1, p0  }
0x14: {  	s20 =	sadd.s32 @!p2 s20, s13  }
0x15: {  	s21 =	sand.u32 @!p2 $0x1, s18;
	_ =	strace @!p2 $0x80000049;
	s22 =	sshll.u32 @!p2 s20, $0xC  }
0x16: {  	s24 =	simm.s32 @!p2 $0x0;
	s23 =	sshll.u32 @!p2 s21, $0xF;
	s22 =	sand.u32 @!p2 $0x1FFFF000, s22  }
0x17: {  	s21 =	sadd.s32 @!p2 $0x1, s21;
	s20 =	sshll.u32 @!p2 s20, $0x4;
	s22 =	sadd.s32 @!p2 s3, s22  }
0x18: {  	[tilespmem:s23], [sflag:s21] =	stream.linear.gather @!p2 [hbm4b:s22+s24], $0x8000, $0x200038;
	[tilespmem:$0x10100] =	vst v63  }
0x19: {  	s20 =	sand.u32 @!p2 $0x1FFFFFF0, s20;
	s21 =	sand.u32 @!p2 $0x1, s15  }
0x1a: {  	s20 =	sadd.s32 @!p2 s4, s20;
	_ =	strace @!p2 $0x90000049;
	s22 =	sshll.u32 @!p2 s21, $0x7  }
0x1b: {  	s21 =	sadd.s32 @!p2 $0x3, s21;
	_ =	strace @!p2 $0x8000004A;
	s22 =	sor.u32 @!p2 $0x10000, s22  }
0x1c: {  	[tilespmem:s22], [sflag:s21] =	stream.linear.gather @!p2 [hbm4b:s20+s24], $0x80, $0x200038;
	[tilespmem:$0x10100] =	vst v63  }
0x1d: {  	s21 =	sand.u32 $0x1, s16;
	_ =	strace @!p2 $0x9000004A  }
0x1e: {  	s20 =	sadd.s32 $0x1, s21;
	_ =	strace $0x8000004B  }
0x1f: {  	_ =	swait.ge [sflag:s20], $0x8000  }
0x20: {  	[sflag:s20] =	ssyncset.done $0x0  }
0x21: {  	[sflag:s20] =	ssyncadd.s32 $0xFFFF8000  }
0x22: {  	s22 =	sand.u32 $0x1, s14;
	_ =	strace $0x9000004B  }
0x23: {  	s20 =	sadd.s32 $0x3, s22;
	_ =	strace $0x8000004C  }
0x24: {  	_ =	swait.ge [sflag:s20], $0x80  }
0x25: {  	[sflag:s20] =	ssyncset.done $0x0  }
0x26: {  	[sflag:s20] =	ssyncadd.s32 $0xFFFFFF80  }
0x27: {  	s23 =	sshll.u32 s14, $0x7;
	_ =	strace $0x9000004C  }
0x28: {  	s21 =	sand.u32 $0x80, s23;
	_ =	strace $0x8000004D  }
0x29: {  	v3 =	vld [tilespmem:s21+$0x10000];
	_ =	sdelay $0x4  }
0x2a: {  	v4 =	vshll.u32 v3, $0x1  }
0x2b: {  	v3 =	vand.u32 $0x7, v3;
	v4 =	vand.u32 $0xFFFFFFF0, v4  }
0x2c: {  	v3 =	vor.u32 v3, v4  }
0x2d: {  	v4 =	vperm.xlane v3, v0;
	_ =	sdelay $0x1  }
0x2e: {  	v3 =	vperm.xlane v3, v2;
	v4 =	vadd.s32 v1, v4;
	_ =	sdelay $0x1  }
0x2f: {  	v3 =	vadd.s32 v1, v3  }
0x30: {  	s24 =	sshll.u32 s16, $0xF  }
0x31: {  	s20 =	sand.u32 $0x8000, s24  }
0x32: {  	[hbm4b:s5+s1] =	stream.indirect_vreg.scatter [tilespmem:s20], [sflag:$0x5], $0x80, v4, vm0, $0x2000b8;
	[tilespmem:$0x10100] =	vst v63  }
0x33: {  	s25 =	sor.u32 $0x800, s20  }
0x34: {  	[hbm4b:s5+s1] =	stream.indirect_vreg.scatter [tilespmem:s25], [sflag:$0x5], $0x80, v3, vm0, $0x2000b8;
	[tilespmem:$0x10100] =	vst v63  }
0x35: {  	v3 =	vld [tilespmem:s21+$0x10010];
	_ =	sdelay $0x4  }
0x36: {  	v57 =	vshll.u32 v3, $0x1  }
0x37: {  	v3 =	vand.u32 $0x7, v3;
	v4 =	vand.u32 $0xFFFFFFF0, v57  }
0x38: {  	v3 =	vor.u32 v3, v4  }
0x39: {  	v4 =	vperm.xlane v3, v0;
	_ =	sdelay $0x1  }
0x3a: {  	v3 =	vperm.xlane v3, v2;
	v4 =	vadd.s32 v1, v4;
	_ =	sdelay $0x1  }
0x3b: {  	v3 =	vadd.s32 v1, v3;
	_ =	sdelay $0x1  }
0x3c: {  	s26 =	sor.u32 $0x1000, s20  }
0x3d: {  	[hbm4b:s5+s1] =	stream.indirect_vreg.scatter [tilespmem:s26], [sflag:$0x5], $0x80, v4, vm0, $0x2000b8;
	[tilespmem:$0x10100] =	vst v63  }
0x3e: {  	s28 =	sor.u32 $0x1800, s20  }
0x3f: {  	[hbm4b:s5+s1] =	stream.indirect_vreg.scatter [tilespmem:s28], [sflag:$0x5], $0x80, v3, vm0, $0x2000b8;
	[tilespmem:$0x10100] =	vst v63  }
0x40: {  	v3 =	vld [tilespmem:s21+$0x10020];
	_ =	sdelay $0x4  }
0x41: {  	v58 =	vshll.u32 v3, $0x1  }
0x42: {  	v3 =	vand.u32 $0x7, v3;
	v4 =	vand.u32 $0xFFFFFFF0, v58  }
0x43: {  	v3 =	vor.u32 v3, v4  }
0x44: {  	v4 =	vperm.xlane v3, v0;
	_ =	sdelay $0x1  }
0x45: {  	v3 =	vperm.xlane v3, v2;
	v4 =	vadd.s32 v1, v4;
	_ =	sdelay $0x1  }
0x46: {  	v3 =	vadd.s32 v1, v3;
	_ =	sdelay $0x1  }
0x47: {  	s29 =	sor.u32 $0x2000, s20  }
0x48: {  	[hbm4b:s5+s1] =	stream.indirect_vreg.scatter [tilespmem:s29], [sflag:$0x5], $0x80, v4, vm0, $0x2000b8;
	[tilespmem:$0x10100] =	vst v63  }
0x49: {  	s30 =	sor.u32 $0x2800, s20  }
0x4a: {  	[hbm4b:s5+s1] =	stream.indirect_vreg.scatter [tilespmem:s30], [sflag:$0x5], $0x80, v3, vm0, $0x2000b8;
	[tilespmem:$0x10100] =	vst v63  }
0x4b: {  	v3 =	vld [tilespmem:s21+$0x10030];
	_ =	sdelay $0x4  }
0x4c: {  	v59 =	vshll.u32 v3, $0x1  }
0x4d: {  	v3 =	vand.u32 $0x7, v3;
	v4 =	vand.u32 $0xFFFFFFF0, v59  }
0x4e: {  	v3 =	vor.u32 v3, v4  }
0x4f: {  	v4 =	vperm.xlane v3, v0;
	_ =	sdelay $0x1  }
0x50: {  	v3 =	vperm.xlane v3, v2;
	v4 =	vadd.s32 v1, v4;
	_ =	sdelay $0x1  }
0x51: {  	v3 =	vadd.s32 v1, v3;
	_ =	sdelay $0x1  }
0x52: {  	s31 =	sor.u32 $0x3000, s20  }
0x53: {  	[hbm4b:s5+s1] =	stream.indirect_vreg.scatter [tilespmem:s31], [sflag:$0x5], $0x80, v4, vm0, $0x2000b8;
	[tilespmem:$0x10100] =	vst v63  }
0x54: {  	s23 =	sor.u32 $0x3800, s20  }
0x55: {  	[hbm4b:s5+s1] =	stream.indirect_vreg.scatter [tilespmem:s23], [sflag:$0x5], $0x80, v3, vm0, $0x2000b8;
	[tilespmem:$0x10100] =	vst v63  }
0x56: {  	v3 =	vld [tilespmem:s21+$0x10040];
	_ =	sdelay $0x4  }
0x57: {  	v60 =	vshll.u32 v3, $0x1  }
0x58: {  	v3 =	vand.u32 $0x7, v3;
	v4 =	vand.u32 $0xFFFFFFF0, v60  }
0x59: {  	v3 =	vor.u32 v3, v4  }
0x5a: {  	v4 =	vperm.xlane v3, v0;
	_ =	sdelay $0x1  }
0x5b: {  	v3 =	vperm.xlane v3, v2;
	v4 =	vadd.s32 v1, v4;
	_ =	sdelay $0x1  }
0x5c: {  	v3 =	vadd.s32 v1, v3;
	_ =	sdelay $0x1  }
0x5d: {  	s24 =	sor.u32 $0x4000, s20  }
0x5e: {  	[hbm4b:s5+s1] =	stream.indirect_vreg.scatter [tilespmem:s24], [sflag:$0x5], $0x80, v4, vm0, $0x2000b8;
	[tilespmem:$0x10100] =	vst v63  }
0x5f: {  	s25 =	sor.u32 $0x4800, s20  }
0x60: {  	[hbm4b:s5+s1] =	stream.indirect_vreg.scatter [tilespmem:s25], [sflag:$0x5], $0x80, v3, vm0, $0x2000b8;
	[tilespmem:$0x10100] =	vst v63  }
0x61: {  	v3 =	vld [tilespmem:s21+$0x10050];
	_ =	sdelay $0x4  }
0x62: {  	v61 =	vshll.u32 v3, $0x1  }
0x63: {  	v3 =	vand.u32 $0x7, v3;
	v4 =	vand.u32 $0xFFFFFFF0, v61  }
0x64: {  	v3 =	vor.u32 v3, v4  }
0x65: {  	v4 =	vperm.xlane v3, v0;
	_ =	sdelay $0x1  }
0x66: {  	v3 =	vperm.xlane v3, v2;
	v4 =	vadd.s32 v1, v4;
	_ =	sdelay $0x1  }
0x67: {  	v3 =	vadd.s32 v1, v3;
	_ =	sdelay $0x1  }
0x68: {  	s26 =	sor.u32 $0x5000, s20  }
0x69: {  	[hbm4b:s5+s1] =	stream.indirect_vreg.scatter [tilespmem:s26], [sflag:$0x5], $0x80, v4, vm0, $0x2000b8;
	[tilespmem:$0x10100] =	vst v63  }
0x6a: {  	s28 =	sor.u32 $0x5800, s20  }
0x6b: {  	[hbm4b:s5+s1] =	stream.indirect_vreg.scatter [tilespmem:s28], [sflag:$0x5], $0x80, v3, vm0, $0x2000b8;
	[tilespmem:$0x10100] =	vst v63  }
0x6c: {  	v3 =	vld [tilespmem:s21+$0x10060];
	_ =	sdelay $0x4  }
0x6d: {  	v62 =	vshll.u32 v3, $0x1  }
0x6e: {  	v3 =	vand.u32 $0x7, v3;
	v4 =	vand.u32 $0xFFFFFFF0, v62  }
0x6f: {  	v3 =	vor.u32 v3, v4  }
0x70: {  	v4 =	vperm.xlane v3, v0;
	_ =	sdelay $0x1  }
0x71: {  	v3 =	vperm.xlane v3, v2;
	v4 =	vadd.s32 v1, v4;
	_ =	sdelay $0x1  }
0x72: {  	v3 =	vadd.s32 v1, v3;
	_ =	sdelay $0x1  }
0x73: {  	s29 =	sor.u32 $0x6000, s20  }
0x74: {  	[hbm4b:s5+s1] =	stream.indirect_vreg.scatter [tilespmem:s29], [sflag:$0x5], $0x80, v4, vm0, $0x2000b8;
	[tilespmem:$0x10100] =	vst v63  }
0x75: {  	s30 =	sor.u32 $0x6800, s20  }
0x76: {  	[hbm4b:s5+s1] =	stream.indirect_vreg.scatter [tilespmem:s30], [sflag:$0x5], $0x80, v3, vm0, $0x2000b8;
	[tilespmem:$0x10100] =	vst v63  }
0x77: {  	v3 =	vld [tilespmem:s21+$0x10070];
	_ =	sdelay $0x4  }
0x78: {  	v63 =	vshll.u32 v3, $0x1  }
0x79: {  	v3 =	vand.u32 $0x7, v3;
	v4 =	vand.u32 $0xFFFFFFF0, v63  }
0x7a: {  	v3 =	vor.u32 v3, v4  }
0x7b: {  	v4 =	vperm.xlane v3, v0;
	_ =	sdelay $0x1  }
0x7c: {  	v3 =	vperm.xlane v3, v2;
	v4 =	vadd.s32 v1, v4  }
0x7d: {  	s12 =	sadd.s32 $0xFFFFFFFF, s12;
	p1 =	por !p1, p0;
	s22 =	simm.s32 $0x0  }
0x7e: {  	p6 =	sne.s32 s19, s13;
	s22 =	simm.s32 @p1 $0x1;
	s21 =	sadd.s32 @!p2 $0x1, s18;
	v3 =	vadd.s32 v1, v3  }
0x7f: {  	s22 =	simm.s32 @p0 $0x0;
	s31 =	sor.u32 $0x7000, s20;
	s17 =	smov.u32 @p1 s21  }
0x80: {  	s17 =	smov.u32 @p0 s18;
	p0 =	por p0, p6;
	s18 =	simm.s32 $0x1  }
0x81: {  	[hbm4b:s5+s1] =	stream.indirect_vreg.scatter [tilespmem:s31], [sflag:$0x5], $0x80, v4, vm0, $0x2000b8;
	[tilespmem:$0x10100] =	vst v63  }
0x82: {  	s20 =	sor.u32 $0x7800, s20;
	s18 =	simm.s32 @!p0 $0x0;
	p0 =	sne.s32 s12, $0x0  }
0x83: {  	[hbm4b:s5+s1] =	stream.indirect_vreg.scatter [tilespmem:s20], [sflag:$0x5], $0x80, v3, vm0, $0x2000b8;
	[tilespmem:$0x10100] =	vst v63  }
.Ltmp0:
0x84: {  	_ = 	snop;
	(pc) =	sbr.rel @p0 .LBB2_2-.Ltmp0, $4  }
0x85: {  	_ =	swait.ge [sflag:s10], $0x8000  }
0x86: {  	[sflag:s10] =	ssyncset.done $0x0  }
0x87: {  	s15 =	sadd.s32 s15, s22;
	s16 =	sadd.s32 s18, s16;
	[sflag:s10] =	ssyncadd.s32 $0xFFFF8000  }
0x88: {  	s14 =	sadd.s32 s18, s14;
	s18 =	smov.u32 s17;
	_ =	strace $0x9000004D  }
0x89: {  	s11 =	sadd.s32 $0x1, s11  }
0x8a: {  	p0 =	sne.s32 s11, s8  }
.Ltmp1:
0x8b: {  	_ = 	snop;
	(pc) =	sbr.rel @p0 .LBB2_1-.Ltmp1, $1  }
0x8c: {  	_ =	sdelay $0x3  }
0x8d: {  	_ =	sfence.sel $0x180000  }
0x8e: {  	[bflag:$0x0] =	sbarrier.arrive $0xFFFF  }
0x8f: {  	p0 =	sne.s32 s2, $0x0;
	_ =	strace $0x90000047  }
0x90: {  	s0 =	sadd.s32 @!p0 $0x100000, s0;
	[bflag:$0x2] =	sbarrier.arrive $0xFFFF  }
0x91: {  	[sflag:s0] =	ssyncadd.tile.s32 @!p0 $0x1;
	_ =	shalt  }
.Lfunc_end2:
_tile_overlayer_lowered:
.L_overlay_start_2:
0x92: {  	(tag) =	ssettag $0x2  }
0x93: {  	s0 =	rddreg [dreg:$0x0];
	s2 =	stileid.u32  }
0x94: {  	s1 =	rddreg [dreg:$0x1];
	p0 =	sne.s32 s2, $0x0  }
0x95: {  	s3 =	rddreg [dreg:$0x2];
	[bflag:$0x3] =	sbarrier.arrive $0xFFFF;
	s2 =	simm.s32 @!p0 $0x1C01  }
0x96: {  	[timem:s3], [sflag:s2] =	dma.local @!p0 [hbm:s0], s1  }
0x97: {  	s0 =	simm.s32 @!p0 $0x1  }
0x98: {  	_ =	swait.ge @!p0 [sflag:s0], s1  }
0x99: {  	s1 =	ssub.s32 @!p0 $0x0, s1;
	[sflag:s0] =	ssyncset.done @!p0 $0x0  }
0x9a: {  	[sflag:s0] =	ssyncadd.s32 @!p0 s1  }
0x9b: {  	[bflag:$0x3] =	sbarrier.arrive $0xFFFF  }
0x9c: {  	_ =	shalt  }

// kernel: sparse-core-data-format-call.1.cloned.1.call-start
scs
called_computation.1_lowered:
.L_overlay_start_0:
0x0: {  	s1 =	sld [smem:$0x3FD9]  }
0x1: {  	s2 =	sld [smem:$0x3FFE];
	_ =	sdelay $0x1  }
0x2: {  	s3 =	srdreg.scid  }
0x3: {  	s0 =	sand.u32 $0x1, s3  }
0x4: {  	s17 =	sshll.u32 s0, $0xA;
	s1 =	sadd.s32 s2, s1  }
0x5: {  	s1 =	sadd.s32 s1, s17  }
0x6: {  	[smem:$0x3FBF] =	sst s1  }
0x7: {  	_ = 	snop  }
0x8: {  	(tm) =	ssettm $0x1  }
0x9: {  	s18 =	sld [smem:$0x3FFB];
	_ =	sdelay $0x3  }
0xa: {  	_ =	strace s18  }
0xb: {  	s1 =	sld [smem:$0x3FFC];
	_ =	sdelay $0x3  }
0xc: {  	_ =	strace s1  }
0xd: {  	s1 =	sld [smem:$0x3FFD];
	_ =	sdelay $0x3  }
0xe: {  	_ =	strace s1  }
0xf: {  	_ =	strace $0x8FFFFFFF  }
0x10: {  	s19 =	sld [smem:$0x3FDB];
	_ =	sdelay $0x1  }
0x11: {  	s20 =	simm.s32 $_scs_section_size  }
0x12: {  	s4 =	simm.s32 $_size__tile_overlayer_lowered;
	s5 =	simm.s32 $_tile_overlayer_lowered  }
0x13: {  	s23 =	simm.s32 $0x1BFF;
	s22 =	sshll.u32 s5, $0x1;
	s1 =	sadd.s32 s20, s19  }
0x14: {  	s6 =	simm.s32 $0x0;
	s21 =	sshll.u32 s4, $0x1;
	s4 =	sadd.s32 s22, s1  }
0x15: {  	[timem:s6], [sflag:s23] =	dma.local [hbm:s4], s21  }
0x16: {  	_ =	swait.ge [sflag:s23], s21  }
0x17: {  	s2 =	ssub.s32 $0x0, s21;
	[sflag:s23] =	ssyncset.done $0x0  }
0x18: {  	[sflag:s23] =	ssyncadd.s32 s2;
	_ =	sdelay $0x1  }
0x19: {  	s24 =	simm.s32 $0x1B8B  }
0x1a: {  	_ =	swait.ge [sflag:s24], $0x1  }
0x1b: {  	[sflag:s24] =	ssyncset.done $0x0  }
0x1c: {  	s26 =	simm.s32 $0x1B8E;
	s25 =	sld [smem:$0x3FFE];
	[sflag:s24] =	ssyncadd.s32 $0xFFFFFFFF  }
0x1d: {  	s27 =	simm.s32 $execute0_lowered;
	[smem:$0x3FD2] =	sst s26  }
0x1e: {  	s4 =	sshll.u32 s27, $0x1;
	_ =	strace $0x80000058;
	[dreg:$0x1] =	wrdreg $0xFFFFFFFF  }
0x1f: {  	s28 =	simm.s32 $_size_execute0_lowered;
	s1 =	sadd.s32 s1, s4;
	[dreg:$0x0] =	wrdreg $0x0  }
0x20: {  	s4 =	sshll.u32 s28, $0x1;
	[dreg:$0x2] =	wrdreg s1  }
0x21: {  	[dreg:$0x3] =	wrdreg s4  }
0x22: {  	[dreg:$0x4] =	wrdreg $0xC0  }
0x23: {  	_ =	task [dreg:s6], $0x5FFFF  }
0x24: {  	[dreg:$0x1] =	wrdreg $0xFFFFFFFF  }
0x25: {  	[dreg:$0x0] =	wrdreg $0x60  }
0x26: {  	[dreg:$0x2] =	wrdreg s25  }
0x27: {  	[dreg:$0x3] =	wrdreg $0x9  }
0x28: {  	_ =	task.clear_ibuf [dreg:s6], $0x4FFFF;
	_ =	strace $0x90000058  }
0x29: {  	s29 =	simm.s32 $0x9;
	_ =	strace $0x8000005A  }
0x2a: {  	_ =	swait.ge [sflag:s29], $0x1  }
0x2b: {  	[sflag:s29] =	ssyncadd.s32 $0xFFFFFFFF  }
0x2c: {  	_ =	strace $0x9000005A  }
0x2d: {  	_ =	sfence  }
0x2e: {  	s30 =	sld [smem:$0x0];
	_ =	sdelay $0x2  }
0x2f: {  	s31 =	sshll.u32 s3, $0xD;
	s3 =	sshrl.u32 s3, $0x2  }
0x30: {  	s2 =	sand.u32 $0x4000, s31;
	s1 =	sadd.s32 s3, s30  }
0x31: {  	s0 =	sor.u32 s2, s0;
	s1 =	sshll.u32 s1, $0x11  }
0x32: {  	s0 =	sor.u32 s1, s0  }
0x33: {  	s0 =	sadd.s32 $0x8F2B, s0  }
0x34: {  	[sflag:s0] =	ssyncadd.remote.s32 $0x1  }
0x35: {  	_ =	sfence.sel $0xFFFF  }
0x36: {  	[dreg:$0x0] =	wrdreg $0xFFFFFFFF;
	(pc) =	sbr.abs _section_cstart, $3  }
0x37: {  	[dreg:$0x1] =	wrdreg $0xFFFFFFFF  }
0x38: {  	_ =	task.clear_ibuf [dreg:s6], $0x2FFFF;
	_ =	strace $0x9FFFFFFF  }
0x39: {  	(tm) =	ssettm $0x7FFFFFFF  }
tec
execute0_lowered:
.L_overlay_start_1:
0x0: {  	(tag) =	ssettag $0x1  }
0x1: {  	s0 =	stileid.u32;
	s1 =	srdreg.scid  }
0x2: {  	s7 =	rddreg [dreg:$0x0];
	s31 =	simm.s32 $0x2;
	s14 =	simm.s32 $0x0  }
0x3: {  	s13 =	simm.s32 $0x0;
	s12 =	simm.s32 $0x0;
	s2 =	sshll.u32 s0, $0x7  }
0x4: {  	s3 =	sshll.u32 s0, $0x4;
	s1 =	sshll.u32 s1, $0x8;
	s2 =	sand.u32 $0x380, s2  }
0x5: {  	s3 =	sor.u32 s3, s1;
	s1 =	rddreg [dreg:$0x1];
	_ =	strace $0x80000059  }
0x6: {  	s3 =	sand.u32 $0x180, s3;
	s4 =	ssub.s32 $0x400, s2;
	s11 =	smov.u32 s2  }
0x7: {  	s5 =	sand.u32 $0x380, s4;
	s6 =	ssub.s32 $0x2000, s3;
	s9 =	sshrl.u32 s4, $0xA  }
0x8: {  	p0 =	sne.s32 s5, $0x0;
	s5 =	simm.s32 $0x1;
	s8 =	sand.u32 $0x180, s6  }
0x9: {  	s5 =	simm.s32 @!p0 $0x0;
	p0 =	sne.s32 s8, $0x0;
	s8 =	simm.s32 $0x1  }
.Ltmp0:
0xa: {  	s6 =	sshrl.u32 s6, $0x9;
	s8 =	simm.s32 @!p0 $0x0;
	(pc) =	sbr.rel .LBB1_1-.Ltmp0, $4  }
0xb: {  	s4 =	simm.s32 $0x1;
	s5 =	sadd.s32 s5, s9;
	s6 =	sadd.s32 s8, s6  }
0xc: {  	s10 =	smov.u32 s3;
	[sflag:s4] =	ssyncpa.u1 $0x0;
	s5 =	smul.u32 s5, s6  }
0xd: {  	[sflag:s31] =	ssyncpa.u1 $0x0;
	p0 =	por $0x0, $0x0;
	s9 =	simm.s32 $0x2000  }
0xe: {  	s6 =	sadd.s32 $0x22200, s7;
	s7 =	sadd.s32 $0x122200, s7;
	s8 =	sadd.s32 $0x1, s5  }
.LBB1_4:
0xf: {  	v5 =	vld [tilespmem:s18+$0xFFFFFFD0];
	[tilespmem:s17+$0x2040 ss:$0x81] =	vst.msk $0xffff, v1  }
0x10: {  	v58 =	vld [tilespmem:s18+$0xFFFFFFE0];
	[tilespmem:s17+$0x2850 ss:$0x81] =	vst.msk $0xffff, v2  }
0x11: {  	s19 =	sshra.s32 s19, $0x2;
	v59 =	vld [tilespmem:s18+$0xFFFFFFF0];
	[tilespmem:s17+$0x3060 ss:$0x81] =	vst.msk $0xffff, v3  }
0x12: {  	v60 =	vld [tilespmem:s18+$0x0];
	[tilespmem:s17+$0x0 ss:$0x81] =	vst.msk $0xffff, v0;
	s16 =	sadd.s32 s19, s16  }
0x13: {  	v61 =	vld [tilespmem:s18+$0x10];
	[tilespmem:s16+$0x3870 ss:$0x81] =	vst.msk $0xffff, v4  }
0x14: {  	v62 =	vld [tilespmem:s18+$0x20];
	s26 =	sshll.u32 s14, $0xA;
	s27 =	sshll.u32 s13, $0x3;
	[tilespmem:s16+$0x810 ss:$0x81] =	vst.msk $0xffff, v5  }
0x15: {  	v63 =	vld [tilespmem:s18+$0xFFFFFFC0];
	s29 =	sshll.u32 s14, $0x7;
	s17 =	sand.u32 $0x7FE000, s26;
	s28 =	sand.u32 $0x7FFC00, s27;
	[tilespmem:s16+$0x1020 ss:$0x81] =	vst.msk $0xffff, v58  }
0x16: {  	s30 =	sand.u32 $0x78, s13;
	s14 =	sand.u32 $0x380, s29;
	s17 =	sadd.s32 s28, s17;
	[tilespmem:s16+$0x1830 ss:$0x81] =	vst.msk $0xffff, v59  }
0x17: {  	s14 =	sor.u32 s30, s14;
	s17 =	sand.u32 $0x7FFC00, s17;
	[tilespmem:s16+$0x2040 ss:$0x81] =	vst.msk $0xffff, v60  }
0x18: {  	s31 =	sand.u32 $0x7, s13;
	s14 =	sor.u32 s17, s14;
	[tilespmem:s16+$0x2850 ss:$0x81] =	vst.msk $0xffff, v61  }
0x19: {  	s13 =	sshll.u32 s31, $0x12;
	[tilespmem:s16+$0x3060 ss:$0x81] =	vst.msk $0xffff, v62;
	s14 =	sshrl.u32 s14, $0x3  }
0x1a: {  	s13 =	sor.u32 $0x400, s13;
	[tilespmem:s16+$0x0 ss:$0x81] =	vst.msk $0xffff, v63;
	s14 =	sadd.s32 s7, s14  }
0x1b: {  	[hbm4b:s14+s13] =	stream.strided.scatter [tilespmem:s15], [sflag:$0x2], $0x4000, s9, s13, $0x20;
	[tilespmem:$0x10100] =	vst v63  }
.LBB1_5:
0x1c: {  	s15 =	sadd.s32 $0x200, s10  }
0x1d: {  	s13 =	sadd.s32 $0x400, s11;
	s17 =	smov.u32 s11;
	p2 =	sgt.s32 s15, $0x1FFF  }
0x1e: {  	s17 =	smov.u32 @p2 s13  }
0x1f: {  	s15 =	smov.u32 @p2 s3;
	p2 =	sgt.s32 s17, $0x3FF  }
0x20: {  	s17 =	smov.u32 @p2 s2;
	p2 =	sne.s32 s12, s8  }
.Ltmp1:
0x21: {  	p1 =	slt.u32 s12, $0x2;
	(pc) =	sbr.rel @!p2 .LBB1_6-.Ltmp1, $4  }
0x22: {  	s16 =	simm.s32 @!p1 $0x2  }
0x23: {  	s14 =	smov.u32 s10;
	p0 =	por !p0, !p0;
	_ =	swait.ge @!p1 [sflag:s16], $0x4000  }
0x24: {  	s13 =	smov.u32 s11;
	[sflag:s16] =	ssyncset.done @!p1 $0x0;
	s10 =	smov.u32 s15  }
0x25: {  	s12 =	sadd.s32 $0x1, s12;
	[sflag:s16] =	ssyncadd.s32 @!p1 $0xFFFFC000;
	s11 =	smov.u32 s17  }
.LBB1_1:
0x26: {  	p1 =	sge.u32 s12, s5;
	s31 =	sadd.s32 $0xFFFFFFFF, s12  }
0x27: {  	s15 =	sand.u32 @!p1 $0x78, s10;
	s16 =	sshll.u32 @!p1 s11, $0xD;
	s17 =	sshll.u32 @!p1 s11, $0x7  }
0x28: {  	s18 =	sshll.u32 @!p1 s10, $0x3;
	s16 =	sand.u32 @!p1 $0x7F0000, s16;
	s17 =	sand.u32 @!p1 $0x380, s17  }
0x29: {  	s16 =	sadd.s32 @!p1 s16, s18;
	s18 =	sand.u32 @!p1 $0x1C00, s18;
	s15 =	sor.u32 @!p1 s17, s15  }
0x2a: {  	s17 =	sxor.u32 @!p1 $0xFFFFFFFF, s12;
	s16 =	sand.u32 @!p1 $0x7FE000, s16;
	s15 =	sor.u32 @!p1 s18, s15  }
0x2b: {  	s17 =	sshll.u32 @!p1 s17, $0xE;
	s15 =	sor.u32 @!p1 s16, s15;
	s16 =	sand.u32 @!p1 $0x7, s10  }
0x2c: {  	s18 =	simm.s32 @!p1 $0x10000;
	s15 =	sshrl.u32 @!p1 s15, $0x3;
	s16 =	sshll.u32 @!p1 s16, $0x12  }
0x2d: {  	s17 =	sand.u32 @!p1 $0x4000, s17;
	s15 =	sadd.s32 @!p1 s6, s15;
	s16 =	sor.u32 @!p1 $0x400, s16  }
0x2e: {  	[tilespmem:s17], [sflag:$0x1] =	stream.strided.gather @!p1 [hbm4b:s15+s16], $0x4000, s18, s16, $0x38;
	[tilespmem:$0x10100] =	vst v63  }
0x2f: {  	p1 =	sge.u32 s31, s5  }
.Ltmp2:
0x30: {  	_ = 	snop;
	(pc) =	sbr.rel @p1 .LBB1_5-.Ltmp2, $1  }
0x31: {  	_ =	sdelay $0x3  }
0x32: {  	s15 =	simm.s32 $0x1  }
0x33: {  	_ =	swait.ge [sflag:s4], $0x4000;
	s15 =	simm.s32 @!p0 $0x0  }
0x34: {  	[sflag:s4] =	ssyncset.done $0x0;
	s16 =	sshll.u32 s15, $0xE  }
0x35: {  	[sflag:s4] =	ssyncadd.s32 $0xFFFFC000;
	s18 =	sor.u32 $0x40, s16  }
0x36: {  	s15 =	smul.u32 $0x10200, s15;
	v0 =	vld [tilespmem:s18+$0x30]  }
0x37: {  	v3 =	vld [tilespmem:s18+$0xFFFFFFD0]  }
0x38: {  	s15 =	sshrl.u32 s15, $0x2;
	v4 =	vld [tilespmem:s18+$0xFFFFFFE0]  }
0x39: {  	v5 =	vld [tilespmem:s18+$0xFFFFFFF0];
	s16 =	sor.u32 $0x8000, s15  }
0x3a: {  	s31 =	sand.u32 $0x1, s12;
	v1 =	vld [tilespmem:s18+$0x0];
	s17 =	sadd.s32 $0x0, s16  }
0x3b: {  	v2 =	vld [tilespmem:s18+$0x10];
	s15 =	smul.u32 $0x10200, s31;
	[tilespmem:s17+$0x3870 ss:$0x81] =	vst.msk $0xffff, v0  }
0x3c: {  	[tilespmem:s17+$0x810 ss:$0x81] =	vst.msk $0xffff, v3;
	v3 =	vld [tilespmem:s18+$0x20]  }
0x3d: {  	s15 =	sshrl.u32 s15, $0x2;
	v0 =	vld [tilespmem:s18+$0xFFFFFFC0];
	[tilespmem:s17+$0x1020 ss:$0x81] =	vst.msk $0xffff, v4;
	s18 =	sadd.s32 $0x80, s18  }
0x3e: {  	s19 =	simm.s32 $0x4;
	s20 =	simm.s32 $0x8;
	s15 =	sor.u32 $0x8000, s15;
	[tilespmem:s17+$0x1830 ss:$0x81] =	vst.msk $0xffff, v5;
	v4 =	vld [tilespmem:s18+$0x30]  }
.LBB1_3:
0x3f: {  	p1 =	sne.s32 s20, $0x1FC;
	v5 =	vld [tilespmem:s18+$0xFFFFFFD0];
	[tilespmem:s17+$0x2040 ss:$0x81] =	vst.msk $0xffff, v1  }
0x40: {  	v6 =	vld [tilespmem:s18+$0xFFFFFFE0];
	[tilespmem:s17+$0x2850 ss:$0x81] =	vst.msk $0xffff, v2  }
0x41: {  	s21 =	sshra.s32 s19, $0x2;
	s19 =	smov.u32 s20;
	v7 =	vld [tilespmem:s18+$0xFFFFFFF0];
	[tilespmem:s17+$0x3060 ss:$0x81] =	vst.msk $0xffff, v3  }
.Ltmp3:
0x42: {  	v1 =	vld [tilespmem:s18+$0x0];
	[tilespmem:s17+$0x0 ss:$0x81] =	vst.msk $0xffff, v0;
	s17 =	sadd.s32 s21, s16;
	(pc) =	sbr.rel @p1 .LBB1_3-.Ltmp3, $4  }
0x43: {  	v2 =	vld [tilespmem:s18+$0x10];
	[tilespmem:s17+$0x3870 ss:$0x81] =	vst.msk $0xffff, v4  }
0x44: {  	[tilespmem:s17+$0x810 ss:$0x81] =	vst.msk $0xffff, v5;
	v3 =	vld [tilespmem:s18+$0x20]  }
0x45: {  	v0 =	vld [tilespmem:s18+$0xFFFFFFC0];
	[tilespmem:s17+$0x1020 ss:$0x81] =	vst.msk $0xffff, v6;
	s18 =	sadd.s32 $0x80, s18  }
0x46: {  	s20 =	sadd.s32 $0x4, s20;
	v4 =	vld [tilespmem:s18+$0x30];
	[tilespmem:s17+$0x1830 ss:$0x81] =	vst.msk $0xffff, v7  }
.Ltmp4:
0x47: {  	_ = 	snop;
	(pc) =	sbr.rel .LBB1_4-.Ltmp4, $1  }
0x48: {  	_ =	sdelay $0x3  }
.LBB1_6:
0x49: {  	_ =	sfence.sel $0x180000  }
0x4a: {  	s2 =	simm.s32 $0x1;
	[bflag:$0x0] =	sbarrier.arrive $0xFFFF  }
0x4b: {  	s31 =	simm.s32 $0x2;
	[sflag:s2] =	ssyncpa.u1 $0x1  }
0x4c: {  	[sflag:s31] =	ssyncpa.u1 $0x1  }
0x4d: {  	p0 =	sne.s32 s0, $0x0;
	_ =	strace $0x90000059  }
0x4e: {  	s0 =	sadd.s32 @!p0 $0x100000, s1;
	[bflag:$0x2] =	sbarrier.arrive $0xFFFF  }
0x4f: {  	[sflag:s0] =	ssyncadd.tile.s32 @!p0 $0x1;
	_ =	shalt  }
.Lfunc_end1:
_tile_overlayer_lowered:
.L_overlay_start_2:
0x50: {  	(tag) =	ssettag $0x2  }
0x51: {  	s0 =	rddreg [dreg:$0x0];
	s2 =	stileid.u32  }
0x52: {  	s1 =	rddreg [dreg:$0x1];
	p0 =	sne.s32 s2, $0x0  }
0x53: {  	s3 =	rddreg [dreg:$0x2];
	[bflag:$0x3] =	sbarrier.arrive $0xFFFF;
	s2 =	simm.s32 @!p0 $0x1C01  }
0x54: {  	[timem:s3], [sflag:s2] =	dma.local @!p0 [hbm:s0], s1  }
0x55: {  	s0 =	simm.s32 @!p0 $0x1  }
0x56: {  	_ =	swait.ge @!p0 [sflag:s0], s1  }
0x57: {  	s1 =	ssub.s32 @!p0 $0x0, s1;
	[sflag:s0] =	ssyncset.done @!p0 $0x0  }
0x58: {  	[sflag:s0] =	ssyncadd.s32 @!p0 s1  }
0x59: {  	[bflag:$0x3] =	sbarrier.arrive $0xFFFF  }
0x5a: {  	_ =	shalt  }

// kernel: sparse-core-data-format-call.2.cloned.1.call-start
scs
called_computation.2_lowered:
.L_overlay_start_0:
0x0: {  	s1 =	sld [smem:$0x3FD9]  }
0x1: {  	s2 =	sld [smem:$0x3FFE];
	_ =	sdelay $0x1  }
0x2: {  	s3 =	srdreg.scid  }
0x3: {  	s0 =	sand.u32 $0x1, s3  }
0x4: {  	s17 =	sshll.u32 s0, $0xA;
	s1 =	sadd.s32 s2, s1  }
0x5: {  	s1 =	sadd.s32 s1, s17  }
0x6: {  	[smem:$0x3FBF] =	sst s1  }
0x7: {  	_ = 	snop  }
0x8: {  	(tm) =	ssettm $0x1  }
0x9: {  	s18 =	sld [smem:$0x3FFB];
	_ =	sdelay $0x3  }
0xa: {  	_ =	strace s18  }
0xb: {  	s1 =	sld [smem:$0x3FFC];
	_ =	sdelay $0x3  }
0xc: {  	_ =	strace s1  }
0xd: {  	s1 =	sld [smem:$0x3FFD];
	_ =	sdelay $0x3  }
0xe: {  	_ =	strace s1  }
0xf: {  	_ =	strace $0x8FFFFFFF  }
0x10: {  	s19 =	sld [smem:$0x3FDB];
	_ =	sdelay $0x1  }
0x11: {  	s20 =	simm.s32 $_scs_section_size  }
0x12: {  	s4 =	simm.s32 $_size__tile_overlayer_lowered;
	s5 =	simm.s32 $_tile_overlayer_lowered  }
0x13: {  	s23 =	simm.s32 $0x1BFF;
	s22 =	sshll.u32 s5, $0x1;
	s1 =	sadd.s32 s20, s19  }
0x14: {  	s6 =	simm.s32 $0x0;
	s21 =	sshll.u32 s4, $0x1;
	s4 =	sadd.s32 s22, s1  }
0x15: {  	[timem:s6], [sflag:s23] =	dma.local [hbm:s4], s21  }
0x16: {  	_ =	swait.ge [sflag:s23], s21  }
0x17: {  	s2 =	ssub.s32 $0x0, s21;
	[sflag:s23] =	ssyncset.done $0x0  }
0x18: {  	[sflag:s23] =	ssyncadd.s32 s2;
	_ =	sdelay $0x1  }
0x19: {  	s24 =	simm.s32 $0x1B8B  }
0x1a: {  	_ =	swait.ge [sflag:s24], $0x1  }
0x1b: {  	[sflag:s24] =	ssyncset.done $0x0  }
0x1c: {  	s26 =	simm.s32 $0x1B8E;
	s25 =	sld [smem:$0x3FFE];
	[sflag:s24] =	ssyncadd.s32 $0xFFFFFFFF  }
0x1d: {  	s27 =	simm.s32 $execute0_lowered;
	[smem:$0x3FD2] =	sst s26  }
0x1e: {  	s4 =	sshll.u32 s27, $0x1;
	_ =	strace $0x80000055;
	[dreg:$0x1] =	wrdreg $0xFFFFFFFF  }
0x1f: {  	s28 =	simm.s32 $_size_execute0_lowered;
	s1 =	sadd.s32 s1, s4;
	[dreg:$0x0] =	wrdreg $0x0  }
0x20: {  	s4 =	sshll.u32 s28, $0x1;
	[dreg:$0x2] =	wrdreg s1  }
0x21: {  	[dreg:$0x3] =	wrdreg s4  }
0x22: {  	[dreg:$0x4] =	wrdreg $0xC0  }
0x23: {  	_ =	task [dreg:s6], $0x5FFFF  }
0x24: {  	[dreg:$0x1] =	wrdreg $0xFFFFFFFF  }
0x25: {  	[dreg:$0x0] =	wrdreg $0x60  }
0x26: {  	[dreg:$0x2] =	wrdreg s25  }
0x27: {  	[dreg:$0x3] =	wrdreg $0x9  }
0x28: {  	_ =	task.clear_ibuf [dreg:s6], $0x4FFFF;
	_ =	strace $0x90000055  }
0x29: {  	s29 =	simm.s32 $0x9;
	_ =	strace $0x80000057  }
0x2a: {  	_ =	swait.ge [sflag:s29], $0x1  }
0x2b: {  	[sflag:s29] =	ssyncadd.s32 $0xFFFFFFFF  }
0x2c: {  	_ =	strace $0x90000057  }
0x2d: {  	_ =	sfence  }
0x2e: {  	s30 =	sld [smem:$0x0];
	_ =	sdelay $0x2  }
0x2f: {  	s31 =	sshll.u32 s3, $0xD;
	s3 =	sshrl.u32 s3, $0x2  }
0x30: {  	s2 =	sand.u32 $0x4000, s31;
	s1 =	sadd.s32 s3, s30  }
0x31: {  	s0 =	sor.u32 s2, s0;
	s1 =	sshll.u32 s1, $0x11  }
0x32: {  	s0 =	sor.u32 s1, s0  }
0x33: {  	s0 =	sadd.s32 $0x8F2B, s0  }
0x34: {  	[sflag:s0] =	ssyncadd.remote.s32 $0x1  }
0x35: {  	_ =	sfence.sel $0xFFFF  }
0x36: {  	[dreg:$0x0] =	wrdreg $0xFFFFFFFF;
	(pc) =	sbr.abs _section_cstart, $3  }
0x37: {  	[dreg:$0x1] =	wrdreg $0xFFFFFFFF  }
0x38: {  	_ =	task.clear_ibuf [dreg:s6], $0x2FFFF;
	_ =	strace $0x9FFFFFFF  }
0x39: {  	(tm) =	ssettm $0x7FFFFFFF  }
tec
execute0_lowered:
.L_overlay_start_1:
0x0: {  	(tag) =	ssettag $0x1  }
0x1: {  	s0 =	srdreg.scid  }
0x2: {  	s1 =	sshll.u32 s0, $0x4  }
0x3: {  	s6 =	rddreg [dreg:$0x0];
	s0 =	stileid.u32;
	s1 =	sand.u32 $0x10, s1  }
0x4: {  	s5 =	simm.s32 $0x1;
	s31 =	simm.s32 $0x2;
	s1 =	sor.u32 s0, s1  }
0x5: {  	s13 =	simm.s32 $0x0;
	s8 =	simm.s32 $0x10000;
	s2 =	sshll.u32 s1, $0x7  }
0x6: {  	s12 =	simm.s32 $0x0;
	s9 =	simm.s32 $0x0;
	s3 =	ssub.s32 $0x2000, s2  }
0x7: {  	s11 =	simm.s32 $0x0;
	s1 =	rddreg [dreg:$0x1];
	s4 =	sand.u32 $0xF80, s3  }
.Ltmp0:
0x8: {  	_ =	strace $0x80000056;
	p0 =	sne.s32 s4, $0x0;
	(pc) =	sbr.rel .LBB1_1-.Ltmp0, $4  }
0x9: {  	s10 =	smov.u32 s2;
	s7 =	sshrl.u32 s3, $0xC;
	s5 =	simm.s32 @!p0 $0x0  }
0xa: {  	s3 =	sadd.s32 $0x122200, s6;
	s4 =	simm.s32 $0x1;
	s5 =	sadd.s32 s5, s7  }
0xb: {  	s6 =	sadd.s32 $0x322200, s6;
	[sflag:s4] =	ssyncpa.u1 $0x0;
	s5 =	sshll.u32 s5, $0x4  }
0xc: {  	p0 =	por $0x0, $0x0;
	[sflag:s31] =	ssyncpa.u1 $0x0;
	s7 =	sor.u32 $0x1, s5  }
.LBB1_4:
0xd: {  	v5 =	vld [tilespmem:s16+$0xFFFFFFD0]  }
0xe: {  	[tilespmem:s17+$0x2040 ss:$0x81] =	vst.msk $0xffff, v1;
	v58 =	vld [tilespmem:s16+$0xFFFFFFE0]  }
0xf: {  	[tilespmem:s17+$0x2850 ss:$0x81] =	vst.msk $0xffff, v2;
	v59 =	vld [tilespmem:s16+$0xFFFFFFF0]  }
0x10: {  	s18 =	sshra.s32 s18, $0x2;
	[tilespmem:s17+$0x3060 ss:$0x81] =	vst.msk $0xffff, v3;
	v60 =	vld [tilespmem:s16+$0x0]  }
0x11: {  	[tilespmem:s17+$0x0 ss:$0x81] =	vst.msk $0xffff, v0;
	v61 =	vld [tilespmem:s16+$0x10];
	s15 =	sadd.s32 s18, s15  }
0x12: {  	s26 =	sshll.u32 s13, $0xD;
	v62 =	vld [tilespmem:s16+$0x20];
	[tilespmem:s15+$0x3870 ss:$0x81] =	vst.msk $0xffff, v4  }
0x13: {  	s27 =	sand.u32 $0x78, s12;
	s19 =	sshll.u32 s12, $0x3;
	v63 =	vld [tilespmem:s16+$0xFFFFFFC0];
	s29 =	sshll.u32 s13, $0x7;
	[tilespmem:s15+$0x810 ss:$0x81] =	vst.msk $0xffff, v5  }
0x14: {  	s17 =	sand.u32 $0xFF0000, s26;
	s28 =	sand.u32 $0xFFFC00, s19;
	s19 =	sand.u32 $0x1C00, s19;
	[tilespmem:s15+$0x1020 ss:$0x81] =	vst.msk $0xffff, v58  }
0x15: {  	s13 =	sand.u32 $0x380, s29;
	s16 =	sadd.s32 s28, s17;
	s30 =	sor.u32 s27, s19;
	[tilespmem:s15+$0x1830 ss:$0x81] =	vst.msk $0xffff, v59  }
0x16: {  	s16 =	sand.u32 $0xFFE000, s16;
	s13 =	sor.u32 s13, s30;
	[tilespmem:s15+$0x2040 ss:$0x81] =	vst.msk $0xffff, v60  }
0x17: {  	s31 =	sand.u32 $0x7, s12;
	s13 =	sor.u32 s16, s13;
	[tilespmem:s15+$0x2850 ss:$0x81] =	vst.msk $0xffff, v61  }
0x18: {  	s12 =	sshll.u32 s31, $0x12;
	[tilespmem:s15+$0x3060 ss:$0x81] =	vst.msk $0xffff, v62;
	s13 =	sshrl.u32 s13, $0x3  }
0x19: {  	s12 =	sor.u32 $0x400, s12;
	[tilespmem:s15+$0x0 ss:$0x81] =	vst.msk $0xffff, v63;
	s13 =	sadd.s32 s6, s13  }
0x1a: {  	[hbm4b:s13+s12] =	stream.strided.scatter [tilespmem:s14], [sflag:$0x2], $0x4000, s8, s12, $0x20;
	[tilespmem:$0x10100] =	vst v63  }
.LBB1_5:
0x1b: {  	s14 =	sadd.s32 $0x80, s9  }
0x1c: {  	s12 =	sadd.s32 $0x1000, s10;
	s16 =	smov.u32 s10;
	p2 =	sgt.s32 s14, $0x7FF  }
0x1d: {  	s16 =	smov.u32 @p2 s12  }
0x1e: {  	s14 =	simm.s32 @p2 $0x0;
	p2 =	sgt.s32 s16, $0x1FFF  }
0x1f: {  	s16 =	smov.u32 @p2 s2;
	p2 =	sne.s32 s11, s7  }
.Ltmp1:
0x20: {  	p1 =	slt.u32 s11, $0x2;
	(pc) =	sbr.rel @!p2 .LBB1_6-.Ltmp1, $4  }
0x21: {  	s15 =	simm.s32 @!p1 $0x2  }
0x22: {  	s13 =	smov.u32 s9;
	p0 =	por !p0, !p0;
	_ =	swait.ge @!p1 [sflag:s15], $0x4000  }
0x23: {  	s12 =	smov.u32 s10;
	[sflag:s15] =	ssyncset.done @!p1 $0x0;
	s9 =	smov.u32 s14  }
0x24: {  	s11 =	sadd.s32 $0x1, s11;
	[sflag:s15] =	ssyncadd.s32 @!p1 $0xFFFFC000;
	s10 =	smov.u32 s16  }
.LBB1_1:
0x25: {  	p1 =	sge.u32 s11, s5;
	s31 =	sadd.s32 $0xFFFFFFFF, s11  }
0x26: {  	s14 =	sand.u32 @!p1 $0x78, s9;
	s15 =	sshll.u32 @!p1 s10, $0xB;
	s16 =	sshll.u32 @!p1 s10, $0x7  }
0x27: {  	s17 =	sshll.u32 @!p1 s9, $0x3;
	s15 =	sand.u32 @!p1 $0xFFC000, s15;
	s16 =	sand.u32 @!p1 $0x380, s16  }
0x28: {  	s15 =	sadd.s32 @!p1 s15, s17;
	s17 =	sand.u32 @!p1 $0x400, s17;
	s14 =	sor.u32 @!p1 s16, s14  }
0x29: {  	s16 =	sxor.u32 @!p1 $0xFFFFFFFF, s11;
	s15 =	sand.u32 @!p1 $0xFFF800, s15;
	s14 =	sor.u32 @!p1 s17, s14  }
0x2a: {  	s16 =	sshll.u32 @!p1 s16, $0xE;
	s14 =	sor.u32 @!p1 s15, s14;
	s15 =	sand.u32 @!p1 $0x7, s9  }
0x2b: {  	s17 =	simm.s32 @!p1 $0x4000;
	s14 =	sshrl.u32 @!p1 s14, $0x3;
	s15 =	sshll.u32 @!p1 s15, $0x12  }
0x2c: {  	s16 =	sand.u32 @!p1 $0x4000, s16;
	s14 =	sadd.s32 @!p1 s3, s14;
	s15 =	sor.u32 @!p1 $0x400, s15  }
0x2d: {  	[tilespmem:s16], [sflag:$0x1] =	stream.strided.gather @!p1 [hbm4b:s14+s15], $0x4000, s17, s15, $0x38;
	[tilespmem:$0x10100] =	vst v63  }
0x2e: {  	p1 =	sge.u32 s31, s5  }
.Ltmp2:
0x2f: {  	_ = 	snop;
	(pc) =	sbr.rel @p1 .LBB1_5-.Ltmp2, $1  }
0x30: {  	_ =	sdelay $0x3  }
0x31: {  	s14 =	simm.s32 $0x1  }
0x32: {  	_ =	swait.ge [sflag:s4], $0x4000;
	s14 =	simm.s32 @!p0 $0x0  }
0x33: {  	[sflag:s4] =	ssyncset.done $0x0;
	s15 =	sshll.u32 s14, $0xE  }
0x34: {  	[sflag:s4] =	ssyncadd.s32 $0xFFFFC000;
	s16 =	sor.u32 $0x40, s15  }
0x35: {  	s14 =	smul.u32 $0x10200, s14;
	v0 =	vld [tilespmem:s16+$0x30]  }
0x36: {  	v3 =	vld [tilespmem:s16+$0xFFFFFFD0]  }
0x37: {  	s14 =	sshrl.u32 s14, $0x2;
	v4 =	vld [tilespmem:s16+$0xFFFFFFE0]  }
0x38: {  	v5 =	vld [tilespmem:s16+$0xFFFFFFF0];
	s15 =	sor.u32 $0x8000, s14  }
0x39: {  	s31 =	sand.u32 $0x1, s11;
	v1 =	vld [tilespmem:s16+$0x0];
	s17 =	sadd.s32 $0x0, s15  }
0x3a: {  	v2 =	vld [tilespmem:s16+$0x10];
	s14 =	smul.u32 $0x10200, s31;
	[tilespmem:s17+$0x3870 ss:$0x81] =	vst.msk $0xffff, v0  }
0x3b: {  	[tilespmem:s17+$0x810 ss:$0x81] =	vst.msk $0xffff, v3;
	v3 =	vld [tilespmem:s16+$0x20]  }
0x3c: {  	s14 =	sshrl.u32 s14, $0x2;
	v0 =	vld [tilespmem:s16+$0xFFFFFFC0];
	[tilespmem:s17+$0x1020 ss:$0x81] =	vst.msk $0xffff, v4;
	s16 =	sadd.s32 $0x80, s16  }
0x3d: {  	s18 =	simm.s32 $0x4;
	s19 =	simm.s32 $0x8;
	s14 =	sor.u32 $0x8000, s14;
	[tilespmem:s17+$0x1830 ss:$0x81] =	vst.msk $0xffff, v5;
	v4 =	vld [tilespmem:s16+$0x30]  }
.LBB1_3:
0x3e: {  	p1 =	sne.s32 s19, $0x1FC;
	v5 =	vld [tilespmem:s16+$0xFFFFFFD0];
	[tilespmem:s17+$0x2040 ss:$0x81] =	vst.msk $0xffff, v1  }
0x3f: {  	v6 =	vld [tilespmem:s16+$0xFFFFFFE0];
	[tilespmem:s17+$0x2850 ss:$0x81] =	vst.msk $0xffff, v2  }
0x40: {  	s20 =	sshra.s32 s18, $0x2;
	s18 =	smov.u32 s19;
	v7 =	vld [tilespmem:s16+$0xFFFFFFF0];
	[tilespmem:s17+$0x3060 ss:$0x81] =	vst.msk $0xffff, v3  }
.Ltmp3:
0x41: {  	v1 =	vld [tilespmem:s16+$0x0];
	[tilespmem:s17+$0x0 ss:$0x81] =	vst.msk $0xffff, v0;
	s17 =	sadd.s32 s20, s15;
	(pc) =	sbr.rel @p1 .LBB1_3-.Ltmp3, $4  }
0x42: {  	v2 =	vld [tilespmem:s16+$0x10];
	[tilespmem:s17+$0x3870 ss:$0x81] =	vst.msk $0xffff, v4  }
0x43: {  	[tilespmem:s17+$0x810 ss:$0x81] =	vst.msk $0xffff, v5;
	v3 =	vld [tilespmem:s16+$0x20]  }
0x44: {  	v0 =	vld [tilespmem:s16+$0xFFFFFFC0];
	[tilespmem:s17+$0x1020 ss:$0x81] =	vst.msk $0xffff, v6;
	s16 =	sadd.s32 $0x80, s16  }
0x45: {  	s19 =	sadd.s32 $0x4, s19;
	v4 =	vld [tilespmem:s16+$0x30];
	[tilespmem:s17+$0x1830 ss:$0x81] =	vst.msk $0xffff, v7  }
.Ltmp4:
0x46: {  	_ = 	snop;
	(pc) =	sbr.rel .LBB1_4-.Ltmp4, $1  }
0x47: {  	_ =	sdelay $0x3  }
.LBB1_6:
0x48: {  	_ =	sfence.sel $0x180000  }
0x49: {  	s2 =	simm.s32 $0x1;
	[bflag:$0x0] =	sbarrier.arrive $0xFFFF  }
0x4a: {  	s31 =	simm.s32 $0x2;
	[sflag:s2] =	ssyncpa.u1 $0x1  }
0x4b: {  	[sflag:s31] =	ssyncpa.u1 $0x1  }
0x4c: {  	p0 =	sne.s32 s0, $0x0;
	_ =	strace $0x90000056  }
0x4d: {  	s0 =	sadd.s32 @!p0 $0x100000, s1;
	[bflag:$0x2] =	sbarrier.arrive $0xFFFF  }
0x4e: {  	[sflag:s0] =	ssyncadd.tile.s32 @!p0 $0x1;
	_ =	shalt  }
.Lfunc_end1:
_tile_overlayer_lowered:
.L_overlay_start_2:
0x4f: {  	(tag) =	ssettag $0x2  }
0x50: {  	s0 =	rddreg [dreg:$0x0];
	s2 =	stileid.u32  }
0x51: {  	s1 =	rddreg [dreg:$0x1];
	p0 =	sne.s32 s2, $0x0  }
0x52: {  	s3 =	rddreg [dreg:$0x2];
	[bflag:$0x3] =	sbarrier.arrive $0xFFFF;
	s2 =	simm.s32 @!p0 $0x1C01  }
0x53: {  	[timem:s3], [sflag:s2] =	dma.local @!p0 [hbm:s0], s1  }
0x54: {  	s0 =	simm.s32 @!p0 $0x1  }
0x55: {  	_ =	swait.ge @!p0 [sflag:s0], s1  }
0x56: {  	s1 =	ssub.s32 @!p0 $0x0, s1;
	[sflag:s0] =	ssyncset.done @!p0 $0x0  }
0x57: {  	[sflag:s0] =	ssyncadd.s32 @!p0 s1  }
0x58: {  	[bflag:$0x3] =	sbarrier.arrive $0xFFFF  }
0x59: {  	_ =	shalt  }

// kernel: sparse-core-data-format-call.3.cloned.1.call-start
scs
called_computation.3_lowered:
.L_overlay_start_0:
0x0: {  	s1 =	sld [smem:$0x3FD9]  }
0x1: {  	s2 =	sld [smem:$0x3FFE];
	_ =	sdelay $0x1  }
0x2: {  	s3 =	srdreg.scid  }
0x3: {  	s0 =	sand.u32 $0x1, s3  }
0x4: {  	s17 =	sshll.u32 s0, $0xA;
	s1 =	sadd.s32 s2, s1  }
0x5: {  	s1 =	sadd.s32 s1, s17  }
0x6: {  	[smem:$0x3FBF] =	sst s1  }
0x7: {  	_ = 	snop  }
0x8: {  	(tm) =	ssettm $0x1  }
0x9: {  	s18 =	sld [smem:$0x3FFB];
	_ =	sdelay $0x3  }
0xa: {  	_ =	strace s18  }
0xb: {  	s1 =	sld [smem:$0x3FFC];
	_ =	sdelay $0x3  }
0xc: {  	_ =	strace s1  }
0xd: {  	s1 =	sld [smem:$0x3FFD];
	_ =	sdelay $0x3  }
0xe: {  	_ =	strace s1  }
0xf: {  	_ =	strace $0x8FFFFFFF  }
0x10: {  	s19 =	sld [smem:$0x3FDB];
	_ =	sdelay $0x1  }
0x11: {  	s20 =	simm.s32 $_scs_section_size  }
0x12: {  	s4 =	simm.s32 $_size__tile_overlayer_lowered;
	s5 =	simm.s32 $_tile_overlayer_lowered  }
0x13: {  	s23 =	simm.s32 $0x1BFF;
	s22 =	sshll.u32 s5, $0x1;
	s1 =	sadd.s32 s20, s19  }
0x14: {  	s6 =	simm.s32 $0x0;
	s21 =	sshll.u32 s4, $0x1;
	s4 =	sadd.s32 s22, s1  }
0x15: {  	[timem:s6], [sflag:s23] =	dma.local [hbm:s4], s21  }
0x16: {  	_ =	swait.ge [sflag:s23], s21  }
0x17: {  	s2 =	ssub.s32 $0x0, s21;
	[sflag:s23] =	ssyncset.done $0x0  }
0x18: {  	[sflag:s23] =	ssyncadd.s32 s2;
	_ =	sdelay $0x1  }
0x19: {  	s24 =	simm.s32 $0x1B8B  }
0x1a: {  	_ =	swait.ge [sflag:s24], $0x1  }
0x1b: {  	[sflag:s24] =	ssyncset.done $0x0  }
0x1c: {  	s26 =	simm.s32 $0x1B8E;
	s25 =	sld [smem:$0x3FFE];
	[sflag:s24] =	ssyncadd.s32 $0xFFFFFFFF  }
0x1d: {  	s27 =	simm.s32 $execute0_lowered;
	[smem:$0x3FD2] =	sst s26  }
0x1e: {  	s4 =	sshll.u32 s27, $0x1;
	_ =	strace $0x80000052;
	[dreg:$0x1] =	wrdreg $0xFFFFFFFF  }
0x1f: {  	s28 =	simm.s32 $_size_execute0_lowered;
	s1 =	sadd.s32 s1, s4;
	[dreg:$0x0] =	wrdreg $0x0  }
0x20: {  	s4 =	sshll.u32 s28, $0x1;
	[dreg:$0x2] =	wrdreg s1  }
0x21: {  	[dreg:$0x3] =	wrdreg s4  }
0x22: {  	[dreg:$0x4] =	wrdreg $0xC0  }
0x23: {  	_ =	task [dreg:s6], $0x5FFFF  }
0x24: {  	[dreg:$0x1] =	wrdreg $0xFFFFFFFF  }
0x25: {  	[dreg:$0x0] =	wrdreg $0x60  }
0x26: {  	[dreg:$0x2] =	wrdreg s25  }
0x27: {  	[dreg:$0x3] =	wrdreg $0x9  }
0x28: {  	_ =	task.clear_ibuf [dreg:s6], $0x4FFFF;
	_ =	strace $0x90000052  }
0x29: {  	s29 =	simm.s32 $0x9;
	_ =	strace $0x80000054  }
0x2a: {  	_ =	swait.ge [sflag:s29], $0x1  }
0x2b: {  	[sflag:s29] =	ssyncadd.s32 $0xFFFFFFFF  }
0x2c: {  	_ =	strace $0x90000054  }
0x2d: {  	_ =	sfence  }
0x2e: {  	s30 =	sld [smem:$0x0];
	_ =	sdelay $0x2  }
0x2f: {  	s31 =	sshll.u32 s3, $0xD;
	s3 =	sshrl.u32 s3, $0x2  }
0x30: {  	s2 =	sand.u32 $0x4000, s31;
	s1 =	sadd.s32 s3, s30  }
0x31: {  	s0 =	sor.u32 s2, s0;
	s1 =	sshll.u32 s1, $0x11  }
0x32: {  	s0 =	sor.u32 s1, s0  }
0x33: {  	s0 =	sadd.s32 $0x8F2B, s0  }
0x34: {  	[sflag:s0] =	ssyncadd.remote.s32 $0x1  }
0x35: {  	_ =	sfence.sel $0xFFFF  }
0x36: {  	[dreg:$0x0] =	wrdreg $0xFFFFFFFF;
	(pc) =	sbr.abs _section_cstart, $3  }
0x37: {  	[dreg:$0x1] =	wrdreg $0xFFFFFFFF  }
0x38: {  	_ =	task.clear_ibuf [dreg:s6], $0x2FFFF;
	_ =	strace $0x9FFFFFFF  }
0x39: {  	(tm) =	ssettm $0x7FFFFFFF  }
tec
execute0_lowered:
.L_overlay_start_1:
0x0: {  	(tag) =	ssettag $0x1  }
0x1: {  	s7 =	rddreg [dreg:$0x0]  }
0x2: {  	s1 =	stileid.u32;
	s3 =	srdreg.scid  }
0x3: {  	s0 =	rddreg [dreg:$0x1];
	_ =	strace $0x80000053;
	s8 =	simm.s32 $0x1  }
0x4: {  	s31 =	simm.s32 $0x2;
	s14 =	simm.s32 $0x0;
	s13 =	simm.s32 $0x0  }
0x5: {  	s12 =	simm.s32 $0x0;
	s2 =	sshll.u32 s1, $0x7;
	s3 =	sshll.u32 s3, $0x7  }
0x6: {  	s3 =	sand.u32 $0x80, s3;
	s4 =	ssub.s32 $0x800, s2;
	s11 =	smov.u32 s2  }
0x7: {  	s5 =	sshrl.u32 s4, $0xB;
	s4 =	sand.u32 $0x780, s4;
	s6 =	ssub.s32 $0x2000, s3  }
0x8: {  	p0 =	sne.s32 s4, $0x0;
	s30 =	sshrl.u32 s6, $0x7;
	s6 =	sshrl.u32 s6, $0x8  }
.Ltmp0:
0x9: {  	s8 =	simm.s32 @!p0 $0x0;
	s9 =	sand.u32 $0x1, s30;
	(pc) =	sbr.rel .LBB1_1-.Ltmp0, $4  }
0xa: {  	s4 =	simm.s32 $0x1;
	s5 =	sadd.s32 s8, s5;
	s6 =	sadd.s32 s6, s9  }
0xb: {  	s10 =	smov.u32 s3;
	[sflag:s4] =	ssyncpa.u1 $0x0;
	s5 =	smul.u32 s5, s6  }
0xc: {  	p0 =	por $0x0, $0x0;
	[sflag:s31] =	ssyncpa.u1 $0x0;
	s9 =	simm.s32 $0x4000  }
0xd: {  	s6 =	sadd.s32 $0x22200, s7;
	s7 =	sadd.s32 $0x222200, s7;
	s8 =	sadd.s32 $0x1, s5  }
.LBB1_4:
0xe: {  	v5 =	vld [tilespmem:s17+$0xFFFFFFD0]  }
0xf: {  	[tilespmem:s18+$0x2040 ss:$0x81] =	vst.msk $0xffff, v1;
	v58 =	vld [tilespmem:s17+$0xFFFFFFE0]  }
0x10: {  	[tilespmem:s18+$0x2850 ss:$0x81] =	vst.msk $0xffff, v2;
	v59 =	vld [tilespmem:s17+$0xFFFFFFF0]  }
0x11: {  	s19 =	sshra.s32 s19, $0x2;
	[tilespmem:s18+$0x3060 ss:$0x81] =	vst.msk $0xffff, v3;
	v60 =	vld [tilespmem:s17+$0x0]  }
0x12: {  	[tilespmem:s18+$0x0 ss:$0x81] =	vst.msk $0xffff, v0;
	v61 =	vld [tilespmem:s17+$0x10];
	s16 =	sadd.s32 s19, s16  }
0x13: {  	s26 =	sshll.u32 s14, $0xB;
	v62 =	vld [tilespmem:s17+$0x20];
	[tilespmem:s16+$0x3870 ss:$0x81] =	vst.msk $0xffff, v4  }
0x14: {  	s27 =	sand.u32 $0x78, s13;
	s20 =	sshll.u32 s13, $0x3;
	v63 =	vld [tilespmem:s17+$0xFFFFFFC0];
	s29 =	sshll.u32 s14, $0x7;
	[tilespmem:s16+$0x810 ss:$0x81] =	vst.msk $0xffff, v5  }
0x15: {  	s18 =	sand.u32 $0xFFC000, s26;
	s28 =	sand.u32 $0xFFFC00, s20;
	s20 =	sand.u32 $0x400, s20;
	[tilespmem:s16+$0x1020 ss:$0x81] =	vst.msk $0xffff, v58  }
0x16: {  	s14 =	sand.u32 $0x380, s29;
	s17 =	sadd.s32 s28, s18;
	s30 =	sor.u32 s27, s20;
	[tilespmem:s16+$0x1830 ss:$0x81] =	vst.msk $0xffff, v59  }
0x17: {  	s17 =	sand.u32 $0xFFF800, s17;
	s14 =	sor.u32 s14, s30;
	[tilespmem:s16+$0x2040 ss:$0x81] =	vst.msk $0xffff, v60  }
0x18: {  	s31 =	sand.u32 $0x7, s13;
	s14 =	sor.u32 s17, s14;
	[tilespmem:s16+$0x2850 ss:$0x81] =	vst.msk $0xffff, v61  }
0x19: {  	s13 =	sshll.u32 s31, $0x12;
	[tilespmem:s16+$0x3060 ss:$0x81] =	vst.msk $0xffff, v62;
	s14 =	sshrl.u32 s14, $0x3  }
0x1a: {  	s13 =	sor.u32 $0x400, s13;
	[tilespmem:s16+$0x0 ss:$0x81] =	vst.msk $0xffff, v63;
	s14 =	sadd.s32 s7, s14  }
0x1b: {  	[hbm4b:s14+s13] =	stream.strided.scatter [tilespmem:s15], [sflag:$0x2], $0x4000, s9, s13, $0x20;
	[tilespmem:$0x10100] =	vst v63  }
.LBB1_5:
0x1c: {  	s15 =	sadd.s32 $0x100, s10  }
0x1d: {  	s13 =	sadd.s32 $0x800, s11;
	s17 =	smov.u32 s11;
	p2 =	sgt.s32 s15, $0x1FFF  }
0x1e: {  	s17 =	smov.u32 @p2 s13  }
0x1f: {  	s15 =	smov.u32 @p2 s3;
	p2 =	sgt.s32 s17, $0x7FF  }
0x20: {  	s17 =	smov.u32 @p2 s2;
	p2 =	sne.s32 s12, s8  }
.Ltmp1:
0x21: {  	p1 =	slt.u32 s12, $0x2;
	(pc) =	sbr.rel @!p2 .LBB1_6-.Ltmp1, $4  }
0x22: {  	s16 =	simm.s32 @!p1 $0x2  }
0x23: {  	s14 =	smov.u32 s10;
	p0 =	por !p0, !p0;
	_ =	swait.ge @!p1 [sflag:s16], $0x4000  }
0x24: {  	s13 =	smov.u32 s11;
	[sflag:s16] =	ssyncset.done @!p1 $0x0;
	s10 =	smov.u32 s15  }
0x25: {  	s12 =	sadd.s32 $0x1, s12;
	[sflag:s16] =	ssyncadd.s32 @!p1 $0xFFFFC000;
	s11 =	smov.u32 s17  }
.LBB1_1:
0x26: {  	p1 =	sge.u32 s12, s5;
	s31 =	sadd.s32 $0xFFFFFFFF, s12  }
0x27: {  	s15 =	sand.u32 @!p1 $0x78, s10;
	s16 =	sshll.u32 @!p1 s11, $0xD;
	s17 =	sshll.u32 @!p1 s11, $0x7  }
0x28: {  	s18 =	sshll.u32 @!p1 s10, $0x3;
	s16 =	sand.u32 @!p1 $0xFF0000, s16;
	s17 =	sand.u32 @!p1 $0x380, s17  }
0x29: {  	s16 =	sadd.s32 @!p1 s16, s18;
	s18 =	sand.u32 @!p1 $0x1C00, s18;
	s15 =	sor.u32 @!p1 s17, s15  }
0x2a: {  	s17 =	sxor.u32 @!p1 $0xFFFFFFFF, s12;
	s16 =	sand.u32 @!p1 $0xFFE000, s16;
	s15 =	sor.u32 @!p1 s18, s15  }
0x2b: {  	s17 =	sshll.u32 @!p1 s17, $0xE;
	s15 =	sor.u32 @!p1 s16, s15;
	s16 =	sand.u32 @!p1 $0x7, s10  }
0x2c: {  	s18 =	simm.s32 @!p1 $0x10000;
	s15 =	sshrl.u32 @!p1 s15, $0x3;
	s16 =	sshll.u32 @!p1 s16, $0x12  }
0x2d: {  	s17 =	sand.u32 @!p1 $0x4000, s17;
	s15 =	sadd.s32 @!p1 s6, s15;
	s16 =	sor.u32 @!p1 $0x400, s16  }
0x2e: {  	[tilespmem:s17], [sflag:$0x1] =	stream.strided.gather @!p1 [hbm4b:s15+s16], $0x4000, s18, s16, $0x38;
	[tilespmem:$0x10100] =	vst v63  }
0x2f: {  	p1 =	sge.u32 s31, s5  }
.Ltmp2:
0x30: {  	_ = 	snop;
	(pc) =	sbr.rel @p1 .LBB1_5-.Ltmp2, $1  }
0x31: {  	_ =	sdelay $0x3  }
0x32: {  	s15 =	simm.s32 $0x1  }
0x33: {  	_ =	swait.ge [sflag:s4], $0x4000;
	s15 =	simm.s32 @!p0 $0x0  }
0x34: {  	[sflag:s4] =	ssyncset.done $0x0;
	s16 =	sshll.u32 s15, $0xE  }
0x35: {  	[sflag:s4] =	ssyncadd.s32 $0xFFFFC000;
	s17 =	sor.u32 $0x40, s16  }
0x36: {  	s15 =	smul.u32 $0x10200, s15;
	v0 =	vld [tilespmem:s17+$0x30]  }
0x37: {  	v3 =	vld [tilespmem:s17+$0xFFFFFFD0]  }
0x38: {  	s15 =	sshrl.u32 s15, $0x2;
	v4 =	vld [tilespmem:s17+$0xFFFFFFE0]  }
0x39: {  	v5 =	vld [tilespmem:s17+$0xFFFFFFF0];
	s16 =	sor.u32 $0x8000, s15  }
0x3a: {  	s31 =	sand.u32 $0x1, s12;
	v1 =	vld [tilespmem:s17+$0x0];
	s18 =	sadd.s32 $0x0, s16  }
0x3b: {  	v2 =	vld [tilespmem:s17+$0x10];
	s15 =	smul.u32 $0x10200, s31;
	[tilespmem:s18+$0x3870 ss:$0x81] =	vst.msk $0xffff, v0  }
0x3c: {  	[tilespmem:s18+$0x810 ss:$0x81] =	vst.msk $0xffff, v3;
	v3 =	vld [tilespmem:s17+$0x20]  }
0x3d: {  	s15 =	sshrl.u32 s15, $0x2;
	v0 =	vld [tilespmem:s17+$0xFFFFFFC0];
	[tilespmem:s18+$0x1020 ss:$0x81] =	vst.msk $0xffff, v4;
	s17 =	sadd.s32 $0x80, s17  }
0x3e: {  	s19 =	simm.s32 $0x4;
	s20 =	simm.s32 $0x8;
	s15 =	sor.u32 $0x8000, s15;
	[tilespmem:s18+$0x1830 ss:$0x81] =	vst.msk $0xffff, v5;
	v4 =	vld [tilespmem:s17+$0x30]  }
.LBB1_3:
0x3f: {  	p1 =	sne.s32 s20, $0x1FC;
	v5 =	vld [tilespmem:s17+$0xFFFFFFD0];
	[tilespmem:s18+$0x2040 ss:$0x81] =	vst.msk $0xffff, v1  }
0x40: {  	v6 =	vld [tilespmem:s17+$0xFFFFFFE0];
	[tilespmem:s18+$0x2850 ss:$0x81] =	vst.msk $0xffff, v2  }
0x41: {  	s21 =	sshra.s32 s19, $0x2;
	s19 =	smov.u32 s20;
	v7 =	vld [tilespmem:s17+$0xFFFFFFF0];
	[tilespmem:s18+$0x3060 ss:$0x81] =	vst.msk $0xffff, v3  }
.Ltmp3:
0x42: {  	v1 =	vld [tilespmem:s17+$0x0];
	[tilespmem:s18+$0x0 ss:$0x81] =	vst.msk $0xffff, v0;
	s18 =	sadd.s32 s21, s16;
	(pc) =	sbr.rel @p1 .LBB1_3-.Ltmp3, $4  }
0x43: {  	v2 =	vld [tilespmem:s17+$0x10];
	[tilespmem:s18+$0x3870 ss:$0x81] =	vst.msk $0xffff, v4  }
0x44: {  	[tilespmem:s18+$0x810 ss:$0x81] =	vst.msk $0xffff, v5;
	v3 =	vld [tilespmem:s17+$0x20]  }
0x45: {  	v0 =	vld [tilespmem:s17+$0xFFFFFFC0];
	[tilespmem:s18+$0x1020 ss:$0x81] =	vst.msk $0xffff, v6;
	s17 =	sadd.s32 $0x80, s17  }
0x46: {  	s20 =	sadd.s32 $0x4, s20;
	v4 =	vld [tilespmem:s17+$0x30];
	[tilespmem:s18+$0x1830 ss:$0x81] =	vst.msk $0xffff, v7  }
.Ltmp4:
0x47: {  	_ = 	snop;
	(pc) =	sbr.rel .LBB1_4-.Ltmp4, $1  }
0x48: {  	_ =	sdelay $0x3  }
.LBB1_6:
0x49: {  	_ =	sfence.sel $0x180000  }
0x4a: {  	s2 =	simm.s32 $0x1;
	[bflag:$0x0] =	sbarrier.arrive $0xFFFF  }
0x4b: {  	s31 =	simm.s32 $0x2;
	[sflag:s2] =	ssyncpa.u1 $0x1  }
0x4c: {  	[sflag:s31] =	ssyncpa.u1 $0x1  }
0x4d: {  	p0 =	sne.s32 s1, $0x0;
	_ =	strace $0x90000053  }
0x4e: {  	s0 =	sadd.s32 @!p0 $0x100000, s0;
	[bflag:$0x2] =	sbarrier.arrive $0xFFFF  }
0x4f: {  	[sflag:s0] =	ssyncadd.tile.s32 @!p0 $0x1;
	_ =	shalt  }
.Lfunc_end1:
_tile_overlayer_lowered:
.L_overlay_start_2:
0x50: {  	(tag) =	ssettag $0x2  }
0x51: {  	s0 =	rddreg [dreg:$0x0];
	s2 =	stileid.u32  }
0x52: {  	s1 =	rddreg [dreg:$0x1];
	p0 =	sne.s32 s2, $0x0  }
0x53: {  	s3 =	rddreg [dreg:$0x2];
	[bflag:$0x3] =	sbarrier.arrive $0xFFFF;
	s2 =	simm.s32 @!p0 $0x1C01  }
0x54: {  	[timem:s3], [sflag:s2] =	dma.local @!p0 [hbm:s0], s1  }
0x55: {  	s0 =	simm.s32 @!p0 $0x1  }
0x56: {  	_ =	swait.ge @!p0 [sflag:s0], s1  }
0x57: {  	s1 =	ssub.s32 @!p0 $0x0, s1;
	[sflag:s0] =	ssyncset.done @!p0 $0x0  }
0x58: {  	[sflag:s0] =	ssyncadd.s32 @!p0 s1  }
0x59: {  	[bflag:$0x3] =	sbarrier.arrive $0xFFFF  }
0x5a: {  	_ =	shalt  }

// kernel: sparse-core-data-format-call.4.cloned.1.call-start
scs
called_computation.4_lowered:
.L_overlay_start_0:
0x0: {  	s1 =	sld [smem:$0x3FD9]  }
0x1: {  	s2 =	sld [smem:$0x3FFE];
	_ =	sdelay $0x1  }
0x2: {  	s3 =	srdreg.scid  }
0x3: {  	s0 =	sand.u32 $0x1, s3  }
0x4: {  	s17 =	sshll.u32 s0, $0xA;
	s1 =	sadd.s32 s2, s1  }
0x5: {  	s1 =	sadd.s32 s1, s17  }
0x6: {  	[smem:$0x3FBF] =	sst s1  }
0x7: {  	_ = 	snop  }
0x8: {  	(tm) =	ssettm $0x1  }
0x9: {  	s18 =	sld [smem:$0x3FFB];
	_ =	sdelay $0x3  }
0xa: {  	_ =	strace s18  }
0xb: {  	s1 =	sld [smem:$0x3FFC];
	_ =	sdelay $0x3  }
0xc: {  	_ =	strace s1  }
0xd: {  	s1 =	sld [smem:$0x3FFD];
	_ =	sdelay $0x3  }
0xe: {  	_ =	strace s1  }
0xf: {  	_ =	strace $0x8FFFFFFF  }
0x10: {  	s19 =	sld [smem:$0x3FDB];
	_ =	sdelay $0x1  }
0x11: {  	s20 =	simm.s32 $_scs_section_size  }
0x12: {  	s4 =	simm.s32 $_size__tile_overlayer_lowered;
	s5 =	simm.s32 $_tile_overlayer_lowered  }
0x13: {  	s23 =	simm.s32 $0x1BFF;
	s22 =	sshll.u32 s5, $0x1;
	s1 =	sadd.s32 s20, s19  }
0x14: {  	s6 =	simm.s32 $0x0;
	s21 =	sshll.u32 s4, $0x1;
	s4 =	sadd.s32 s22, s1  }
0x15: {  	[timem:s6], [sflag:s23] =	dma.local [hbm:s4], s21  }
0x16: {  	_ =	swait.ge [sflag:s23], s21  }
0x17: {  	s2 =	ssub.s32 $0x0, s21;
	[sflag:s23] =	ssyncset.done $0x0  }
0x18: {  	[sflag:s23] =	ssyncadd.s32 s2;
	_ =	sdelay $0x1  }
0x19: {  	s24 =	simm.s32 $0x1B8B  }
0x1a: {  	_ =	swait.ge [sflag:s24], $0x1  }
0x1b: {  	[sflag:s24] =	ssyncset.done $0x0  }
0x1c: {  	s26 =	simm.s32 $0x1B8E;
	s25 =	sld [smem:$0x3FFE];
	[sflag:s24] =	ssyncadd.s32 $0xFFFFFFFF  }
0x1d: {  	s27 =	simm.s32 $execute0_lowered;
	[smem:$0x3FD2] =	sst s26  }
0x1e: {  	s4 =	sshll.u32 s27, $0x1;
	_ =	strace $0x8000004F;
	[dreg:$0x1] =	wrdreg $0xFFFFFFFF  }
0x1f: {  	s28 =	simm.s32 $_size_execute0_lowered;
	s1 =	sadd.s32 s1, s4;
	[dreg:$0x0] =	wrdreg $0x0  }
0x20: {  	s4 =	sshll.u32 s28, $0x1;
	[dreg:$0x2] =	wrdreg s1  }
0x21: {  	[dreg:$0x3] =	wrdreg s4  }
0x22: {  	[dreg:$0x4] =	wrdreg $0xC0  }
0x23: {  	_ =	task [dreg:s6], $0x5FFFF  }
0x24: {  	[dreg:$0x1] =	wrdreg $0xFFFFFFFF  }
0x25: {  	[dreg:$0x0] =	wrdreg $0x60  }
0x26: {  	[dreg:$0x2] =	wrdreg s25  }
0x27: {  	[dreg:$0x3] =	wrdreg $0x9  }
0x28: {  	_ =	task.clear_ibuf [dreg:s6], $0x4FFFF;
	_ =	strace $0x9000004F  }
0x29: {  	s29 =	simm.s32 $0x9;
	_ =	strace $0x80000051  }
0x2a: {  	_ =	swait.ge [sflag:s29], $0x1  }
0x2b: {  	[sflag:s29] =	ssyncadd.s32 $0xFFFFFFFF  }
0x2c: {  	_ =	strace $0x90000051  }
0x2d: {  	_ =	sfence  }
0x2e: {  	s30 =	sld [smem:$0x0];
	_ =	sdelay $0x2  }
0x2f: {  	s31 =	sshll.u32 s3, $0xD;
	s3 =	sshrl.u32 s3, $0x2  }
0x30: {  	s2 =	sand.u32 $0x4000, s31;
	s1 =	sadd.s32 s3, s30  }
0x31: {  	s0 =	sor.u32 s2, s0;
	s1 =	sshll.u32 s1, $0x11  }
0x32: {  	s0 =	sor.u32 s1, s0  }
0x33: {  	s0 =	sadd.s32 $0x8F2B, s0  }
0x34: {  	[sflag:s0] =	ssyncadd.remote.s32 $0x1  }
0x35: {  	_ =	sfence.sel $0xFFFF  }
0x36: {  	[dreg:$0x0] =	wrdreg $0xFFFFFFFF;
	(pc) =	sbr.abs _section_cstart, $3  }
0x37: {  	[dreg:$0x1] =	wrdreg $0xFFFFFFFF  }
0x38: {  	_ =	task.clear_ibuf [dreg:s6], $0x2FFFF;
	_ =	strace $0x9FFFFFFF  }
0x39: {  	(tm) =	ssettm $0x7FFFFFFF  }
tec
execute0_lowered:
.L_overlay_start_1:
0x0: {  	(tag) =	ssettag $0x1  }
0x1: {  	s0 =	srdreg.scid  }
0x2: {  	s1 =	sshll.u32 s0, $0x4  }
0x3: {  	s6 =	rddreg [dreg:$0x0];
	s0 =	stileid.u32;
	s1 =	sand.u32 $0x10, s1  }
0x4: {  	s5 =	simm.s32 $0x1;
	s31 =	simm.s32 $0x2;
	s1 =	sor.u32 s0, s1  }
0x5: {  	s13 =	simm.s32 $0x0;
	s8 =	simm.s32 $0x10000;
	s2 =	sshll.u32 s1, $0x7  }
0x6: {  	s12 =	simm.s32 $0x0;
	s9 =	simm.s32 $0x0;
	s3 =	ssub.s32 $0x2000, s2  }
0x7: {  	s11 =	simm.s32 $0x0;
	s1 =	rddreg [dreg:$0x1];
	s4 =	sand.u32 $0xF80, s3  }
.Ltmp0:
0x8: {  	_ =	strace $0x80000050;
	p0 =	sne.s32 s4, $0x0;
	(pc) =	sbr.rel .LBB1_1-.Ltmp0, $4  }
0x9: {  	s10 =	smov.u32 s2;
	s7 =	sshrl.u32 s3, $0xC;
	s5 =	simm.s32 @!p0 $0x0  }
0xa: {  	s3 =	sadd.s32 $0x22200, s6;
	s4 =	simm.s32 $0x1;
	s5 =	sadd.s32 s5, s7  }
0xb: {  	s6 =	sadd.s32 $0x122200, s6;
	[sflag:s4] =	ssyncpa.u1 $0x0;
	s5 =	sshll.u32 s5, $0x3  }
0xc: {  	p0 =	por $0x0, $0x0;
	[sflag:s31] =	ssyncpa.u1 $0x0;
	s7 =	sor.u32 $0x1, s5  }
.LBB1_4:
0xd: {  	v5 =	vld [tilespmem:s16+$0xFFFFFFD0]  }
0xe: {  	[tilespmem:s17+$0x2040 ss:$0x81] =	vst.msk $0xffff, v1;
	v58 =	vld [tilespmem:s16+$0xFFFFFFE0]  }
0xf: {  	[tilespmem:s17+$0x2850 ss:$0x81] =	vst.msk $0xffff, v2;
	v59 =	vld [tilespmem:s16+$0xFFFFFFF0]  }
0x10: {  	s18 =	sshra.s32 s18, $0x2;
	[tilespmem:s17+$0x3060 ss:$0x81] =	vst.msk $0xffff, v3;
	v60 =	vld [tilespmem:s16+$0x0]  }
0x11: {  	[tilespmem:s17+$0x0 ss:$0x81] =	vst.msk $0xffff, v0;
	v61 =	vld [tilespmem:s16+$0x10];
	s15 =	sadd.s32 s18, s15  }
0x12: {  	s26 =	sshll.u32 s13, $0xD;
	v62 =	vld [tilespmem:s16+$0x20];
	[tilespmem:s15+$0x3870 ss:$0x81] =	vst.msk $0xffff, v4  }
0x13: {  	s27 =	sand.u32 $0x78, s12;
	s19 =	sshll.u32 s12, $0x3;
	v63 =	vld [tilespmem:s16+$0xFFFFFFC0];
	s29 =	sshll.u32 s13, $0x7;
	[tilespmem:s15+$0x810 ss:$0x81] =	vst.msk $0xffff, v5  }
0x14: {  	s17 =	sand.u32 $0x7F0000, s26;
	s28 =	sand.u32 $0x7FFC00, s19;
	s19 =	sand.u32 $0x1C00, s19;
	[tilespmem:s15+$0x1020 ss:$0x81] =	vst.msk $0xffff, v58  }
0x15: {  	s13 =	sand.u32 $0x380, s29;
	s16 =	sadd.s32 s28, s17;
	s30 =	sor.u32 s27, s19;
	[tilespmem:s15+$0x1830 ss:$0x81] =	vst.msk $0xffff, v59  }
0x16: {  	s16 =	sand.u32 $0x7FE000, s16;
	s13 =	sor.u32 s13, s30;
	[tilespmem:s15+$0x2040 ss:$0x81] =	vst.msk $0xffff, v60  }
0x17: {  	s31 =	sand.u32 $0x7, s12;
	s13 =	sor.u32 s16, s13;
	[tilespmem:s15+$0x2850 ss:$0x81] =	vst.msk $0xffff, v61  }
0x18: {  	s12 =	sshll.u32 s31, $0x12;
	[tilespmem:s15+$0x3060 ss:$0x81] =	vst.msk $0xffff, v62;
	s13 =	sshrl.u32 s13, $0x3  }
0x19: {  	s12 =	sor.u32 $0x400, s12;
	[tilespmem:s15+$0x0 ss:$0x81] =	vst.msk $0xffff, v63;
	s13 =	sadd.s32 s6, s13  }
0x1a: {  	[hbm4b:s13+s12] =	stream.strided.scatter [tilespmem:s14], [sflag:$0x2], $0x4000, s8, s12, $0x20;
	[tilespmem:$0x10100] =	vst v63  }
.LBB1_5:
0x1b: {  	s14 =	sadd.s32 $0x80, s9  }
0x1c: {  	s12 =	sadd.s32 $0x1000, s10;
	s16 =	smov.u32 s10;
	p2 =	sgt.s32 s14, $0x3FF  }
0x1d: {  	s16 =	smov.u32 @p2 s12  }
0x1e: {  	s14 =	simm.s32 @p2 $0x0;
	p2 =	sgt.s32 s16, $0x1FFF  }
0x1f: {  	s16 =	smov.u32 @p2 s2;
	p2 =	sne.s32 s11, s7  }
.Ltmp1:
0x20: {  	p1 =	slt.u32 s11, $0x2;
	(pc) =	sbr.rel @!p2 .LBB1_6-.Ltmp1, $4  }
0x21: {  	s15 =	simm.s32 @!p1 $0x2  }
0x22: {  	s13 =	smov.u32 s9;
	p0 =	por !p0, !p0;
	_ =	swait.ge @!p1 [sflag:s15], $0x4000  }
0x23: {  	s12 =	smov.u32 s10;
	[sflag:s15] =	ssyncset.done @!p1 $0x0;
	s9 =	smov.u32 s14  }
0x24: {  	s11 =	sadd.s32 $0x1, s11;
	[sflag:s15] =	ssyncadd.s32 @!p1 $0xFFFFC000;
	s10 =	smov.u32 s16  }
.LBB1_1:
0x25: {  	p1 =	sge.u32 s11, s5  }
0x26: {  	s31 =	sadd.s32 $0xFFFFFFFF, s11;
	s14 =	sshll.u32 @!p1 s10, $0xA  }
0x27: {  	s15 =	sshll.u32 @!p1 s9, $0x3;
	s16 =	sshll.u32 @!p1 s10, $0x7;
	s14 =	sand.u32 @!p1 $0x7FE000, s14  }
0x28: {  	s17 =	sand.u32 @!p1 $0x78, s9;
	s14 =	sadd.s32 @!p1 s14, s15;
	s15 =	sand.u32 @!p1 $0x380, s16  }
0x29: {  	s16 =	sxor.u32 @!p1 $0xFFFFFFFF, s11;
	s14 =	sand.u32 @!p1 $0x7FFC00, s14;
	s15 =	sor.u32 @!p1 s15, s17  }
0x2a: {  	s16 =	sshll.u32 @!p1 s16, $0xE;
	s14 =	sor.u32 @!p1 s14, s15;
	s15 =	sand.u32 @!p1 $0x7, s9  }
0x2b: {  	s17 =	simm.s32 @!p1 $0x2000;
	s14 =	sshrl.u32 @!p1 s14, $0x3;
	s15 =	sshll.u32 @!p1 s15, $0x12  }
0x2c: {  	s16 =	sand.u32 @!p1 $0x4000, s16;
	s14 =	sadd.s32 @!p1 s3, s14;
	s15 =	sor.u32 @!p1 $0x400, s15  }
0x2d: {  	[tilespmem:s16], [sflag:$0x1] =	stream.strided.gather @!p1 [hbm4b:s14+s15], $0x4000, s17, s15, $0x38;
	[tilespmem:$0x10100] =	vst v63  }
0x2e: {  	p1 =	sge.u32 s31, s5  }
.Ltmp2:
0x2f: {  	_ = 	snop;
	(pc) =	sbr.rel @p1 .LBB1_5-.Ltmp2, $1  }
0x30: {  	_ =	sdelay $0x3  }
0x31: {  	s14 =	simm.s32 $0x1  }
0x32: {  	_ =	swait.ge [sflag:s4], $0x4000;
	s14 =	simm.s32 @!p0 $0x0  }
0x33: {  	[sflag:s4] =	ssyncset.done $0x0;
	s15 =	sshll.u32 s14, $0xE  }
0x34: {  	[sflag:s4] =	ssyncadd.s32 $0xFFFFC000;
	s16 =	sor.u32 $0x40, s15  }
0x35: {  	s14 =	smul.u32 $0x10200, s14;
	v0 =	vld [tilespmem:s16+$0x30]  }
0x36: {  	v3 =	vld [tilespmem:s16+$0xFFFFFFD0]  }
0x37: {  	s14 =	sshrl.u32 s14, $0x2;
	v4 =	vld [tilespmem:s16+$0xFFFFFFE0]  }
0x38: {  	v5 =	vld [tilespmem:s16+$0xFFFFFFF0];
	s15 =	sor.u32 $0x8000, s14  }
0x39: {  	s31 =	sand.u32 $0x1, s11;
	v1 =	vld [tilespmem:s16+$0x0];
	s17 =	sadd.s32 $0x0, s15  }
0x3a: {  	v2 =	vld [tilespmem:s16+$0x10];
	s14 =	smul.u32 $0x10200, s31;
	[tilespmem:s17+$0x3870 ss:$0x81] =	vst.msk $0xffff, v0  }
0x3b: {  	[tilespmem:s17+$0x810 ss:$0x81] =	vst.msk $0xffff, v3;
	v3 =	vld [tilespmem:s16+$0x20]  }
0x3c: {  	s14 =	sshrl.u32 s14, $0x2;
	v0 =	vld [tilespmem:s16+$0xFFFFFFC0];
	[tilespmem:s17+$0x1020 ss:$0x81] =	vst.msk $0xffff, v4;
	s16 =	sadd.s32 $0x80, s16  }
0x3d: {  	s18 =	simm.s32 $0x4;
	s19 =	simm.s32 $0x8;
	s14 =	sor.u32 $0x8000, s14;
	[tilespmem:s17+$0x1830 ss:$0x81] =	vst.msk $0xffff, v5;
	v4 =	vld [tilespmem:s16+$0x30]  }
.LBB1_3:
0x3e: {  	p1 =	sne.s32 s19, $0x1FC;
	v5 =	vld [tilespmem:s16+$0xFFFFFFD0];
	[tilespmem:s17+$0x2040 ss:$0x81] =	vst.msk $0xffff, v1  }
0x3f: {  	v6 =	vld [tilespmem:s16+$0xFFFFFFE0];
	[tilespmem:s17+$0x2850 ss:$0x81] =	vst.msk $0xffff, v2  }
0x40: {  	s20 =	sshra.s32 s18, $0x2;
	s18 =	smov.u32 s19;
	v7 =	vld [tilespmem:s16+$0xFFFFFFF0];
	[tilespmem:s17+$0x3060 ss:$0x81] =	vst.msk $0xffff, v3  }
.Ltmp3:
0x41: {  	v1 =	vld [tilespmem:s16+$0x0];
	[tilespmem:s17+$0x0 ss:$0x81] =	vst.msk $0xffff, v0;
	s17 =	sadd.s32 s20, s15;
	(pc) =	sbr.rel @p1 .LBB1_3-.Ltmp3, $4  }
0x42: {  	v2 =	vld [tilespmem:s16+$0x10];
	[tilespmem:s17+$0x3870 ss:$0x81] =	vst.msk $0xffff, v4  }
0x43: {  	[tilespmem:s17+$0x810 ss:$0x81] =	vst.msk $0xffff, v5;
	v3 =	vld [tilespmem:s16+$0x20]  }
0x44: {  	v0 =	vld [tilespmem:s16+$0xFFFFFFC0];
	[tilespmem:s17+$0x1020 ss:$0x81] =	vst.msk $0xffff, v6;
	s16 =	sadd.s32 $0x80, s16  }
0x45: {  	s19 =	sadd.s32 $0x4, s19;
	v4 =	vld [tilespmem:s16+$0x30];
	[tilespmem:s17+$0x1830 ss:$0x81] =	vst.msk $0xffff, v7  }
.Ltmp4:
0x46: {  	_ = 	snop;
	(pc) =	sbr.rel .LBB1_4-.Ltmp4, $1  }
0x47: {  	_ =	sdelay $0x3  }
.LBB1_6:
0x48: {  	_ =	sfence.sel $0x180000  }
0x49: {  	s2 =	simm.s32 $0x1;
	[bflag:$0x0] =	sbarrier.arrive $0xFFFF  }
0x4a: {  	s31 =	simm.s32 $0x2;
	[sflag:s2] =	ssyncpa.u1 $0x1  }
0x4b: {  	[sflag:s31] =	ssyncpa.u1 $0x1  }
0x4c: {  	p0 =	sne.s32 s0, $0x0;
	_ =	strace $0x90000050  }
0x4d: {  	s0 =	sadd.s32 @!p0 $0x100000, s1;
	[bflag:$0x2] =	sbarrier.arrive $0xFFFF  }
0x4e: {  	[sflag:s0] =	ssyncadd.tile.s32 @!p0 $0x1;
	_ =	shalt  }
.Lfunc_end1:
_tile_overlayer_lowered:
.L_overlay_start_2:
0x4f: {  	(tag) =	ssettag $0x2  }
0x50: {  	s0 =	rddreg [dreg:$0x0];
	s2 =	stileid.u32  }
0x51: {  	s1 =	rddreg [dreg:$0x1];
	p0 =	sne.s32 s2, $0x0  }
0x52: {  	s3 =	rddreg [dreg:$0x2];
	[bflag:$0x3] =	sbarrier.arrive $0xFFFF;
	s2 =	simm.s32 @!p0 $0x1C01  }
0x53: {  	[timem:s3], [sflag:s2] =	dma.local @!p0 [hbm:s0], s1  }
0x54: {  	s0 =	simm.s32 @!p0 $0x1  }
0x55: {  	_ =	swait.ge @!p0 [sflag:s0], s1  }
0x56: {  	s1 =	ssub.s32 @!p0 $0x0, s1;
	[sflag:s0] =	ssyncset.done @!p0 $0x0  }
0x57: {  	[sflag:s0] =	ssyncadd.s32 @!p0 s1  }
0x58: {  	[bflag:$0x3] =	sbarrier.arrive $0xFFFF  }
0x59: {  	_ =	shalt  }

// kernel: sparse-core-data-format-call.cloned.1.call-start
scs
called_computation_lowered:
.L_overlay_start_0:
0x0: {  	s1 =	sld [smem:$0x3FD9]  }
0x1: {  	s2 =	sld [smem:$0x3FFE];
	_ =	sdelay $0x1  }
0x2: {  	s3 =	srdreg.scid  }
0x3: {  	s0 =	sand.u32 $0x1, s3  }
0x4: {  	s17 =	sshll.u32 s0, $0xA;
	s1 =	sadd.s32 s2, s1  }
0x5: {  	s1 =	sadd.s32 s1, s17  }
0x6: {  	[smem:$0x3FBF] =	sst s1  }
0x7: {  	_ = 	snop  }
0x8: {  	(tm) =	ssettm $0x1  }
0x9: {  	s18 =	sld [smem:$0x3FFB];
	_ =	sdelay $0x3  }
0xa: {  	_ =	strace s18  }
0xb: {  	s1 =	sld [smem:$0x3FFC];
	_ =	sdelay $0x3  }
0xc: {  	_ =	strace s1  }
0xd: {  	s1 =	sld [smem:$0x3FFD];
	_ =	sdelay $0x3  }
0xe: {  	_ =	strace s1  }
0xf: {  	_ =	strace $0x8FFFFFFF  }
0x10: {  	s19 =	sld [smem:$0x3FDB];
	_ =	sdelay $0x1  }
0x11: {  	s20 =	simm.s32 $_scs_section_size  }
0x12: {  	s4 =	simm.s32 $_size__tile_overlayer_lowered;
	s5 =	simm.s32 $_tile_overlayer_lowered  }
0x13: {  	s23 =	simm.s32 $0x1BFF;
	s22 =	sshll.u32 s5, $0x1;
	s1 =	sadd.s32 s20, s19  }
0x14: {  	s6 =	simm.s32 $0x0;
	s21 =	sshll.u32 s4, $0x1;
	s4 =	sadd.s32 s22, s1  }
0x15: {  	[timem:s6], [sflag:s23] =	dma.local [hbm:s4], s21  }
0x16: {  	_ =	swait.ge [sflag:s23], s21  }
0x17: {  	s2 =	ssub.s32 $0x0, s21;
	[sflag:s23] =	ssyncset.done $0x0  }
0x18: {  	[sflag:s23] =	ssyncadd.s32 s2;
	_ =	sdelay $0x1  }
0x19: {  	s24 =	simm.s32 $0x1B8B  }
0x1a: {  	_ =	swait.ge [sflag:s24], $0x1  }
0x1b: {  	[sflag:s24] =	ssyncset.done $0x0  }
0x1c: {  	s26 =	simm.s32 $0x1B8E;
	s25 =	sld [smem:$0x3FFE];
	[sflag:s24] =	ssyncadd.s32 $0xFFFFFFFF  }
0x1d: {  	s27 =	simm.s32 $execute0_lowered;
	[smem:$0x3FD2] =	sst s26  }
0x1e: {  	s4 =	sshll.u32 s27, $0x1;
	_ =	strace $0x80000065;
	[dreg:$0x1] =	wrdreg $0xFFFFFFFF  }
0x1f: {  	s28 =	simm.s32 $_size_execute0_lowered;
	s1 =	sadd.s32 s1, s4;
	[dreg:$0x0] =	wrdreg $0x0  }
0x20: {  	s4 =	sshll.u32 s28, $0x1;
	[dreg:$0x2] =	wrdreg s1  }
0x21: {  	[dreg:$0x3] =	wrdreg s4  }
0x22: {  	[dreg:$0x4] =	wrdreg $0xC0  }
0x23: {  	_ =	task [dreg:s6], $0x5FFFF  }
0x24: {  	[dreg:$0x1] =	wrdreg $0xFFFFFFFF  }
0x25: {  	[dreg:$0x0] =	wrdreg $0x60  }
0x26: {  	[dreg:$0x2] =	wrdreg s25  }
0x27: {  	[dreg:$0x3] =	wrdreg $0x9  }
0x28: {  	_ =	task.clear_ibuf [dreg:s6], $0x4FFFF;
	_ =	strace $0x90000065  }
0x29: {  	s29 =	simm.s32 $0x9;
	_ =	strace $0x80000067  }
0x2a: {  	_ =	swait.ge [sflag:s29], $0x1  }
0x2b: {  	[sflag:s29] =	ssyncadd.s32 $0xFFFFFFFF  }
0x2c: {  	_ =	strace $0x90000067  }
0x2d: {  	_ =	sfence  }
0x2e: {  	s30 =	sld [smem:$0x0];
	_ =	sdelay $0x2  }
0x2f: {  	s31 =	sshll.u32 s3, $0xD;
	s3 =	sshrl.u32 s3, $0x2  }
0x30: {  	s2 =	sand.u32 $0x4000, s31;
	s1 =	sadd.s32 s3, s30  }
0x31: {  	s0 =	sor.u32 s2, s0;
	s1 =	sshll.u32 s1, $0x11  }
0x32: {  	s0 =	sor.u32 s1, s0  }
0x33: {  	s0 =	sadd.s32 $0x8F2B, s0  }
0x34: {  	[sflag:s0] =	ssyncadd.remote.s32 $0x1  }
0x35: {  	_ =	sfence.sel $0xFFFF  }
0x36: {  	[dreg:$0x0] =	wrdreg $0xFFFFFFFF;
	(pc) =	sbr.abs _section_cstart, $3  }
0x37: {  	[dreg:$0x1] =	wrdreg $0xFFFFFFFF  }
0x38: {  	_ =	task.clear_ibuf [dreg:s6], $0x2FFFF;
	_ =	strace $0x9FFFFFFF  }
0x39: {  	(tm) =	ssettm $0x7FFFFFFF  }
tec
execute0_lowered:
.L_overlay_start_1:
0x0: {  	(tag) =	ssettag $0x1  }
0x1: {  	s7 =	rddreg [dreg:$0x0]  }
0x2: {  	s1 =	stileid.u32;
	s3 =	srdreg.scid  }
0x3: {  	s0 =	rddreg [dreg:$0x1];
	_ =	strace $0x80000066;
	s8 =	simm.s32 $0x1  }
0x4: {  	s31 =	simm.s32 $0x2;
	s14 =	simm.s32 $0x0;
	s13 =	simm.s32 $0x0  }
0x5: {  	s12 =	simm.s32 $0x0;
	s2 =	sshll.u32 s1, $0x7;
	s3 =	sshll.u32 s3, $0x7  }
0x6: {  	s3 =	sand.u32 $0x80, s3;
	s4 =	ssub.s32 $0x800, s2;
	s11 =	smov.u32 s2  }
0x7: {  	s5 =	sshrl.u32 s4, $0xB;
	s4 =	sand.u32 $0x780, s4;
	s6 =	ssub.s32 $0x1000, s3  }
0x8: {  	p0 =	sne.s32 s4, $0x0;
	s30 =	sshrl.u32 s6, $0x7;
	s6 =	sshrl.u32 s6, $0x8  }
.Ltmp0:
0x9: {  	s8 =	simm.s32 @!p0 $0x0;
	s9 =	sand.u32 $0x1, s30;
	(pc) =	sbr.rel .LBB1_1-.Ltmp0, $4  }
0xa: {  	s4 =	simm.s32 $0x1;
	s5 =	sadd.s32 s8, s5;
	s6 =	sadd.s32 s6, s9  }
0xb: {  	s10 =	smov.u32 s3;
	[sflag:s4] =	ssyncpa.u1 $0x0;
	s5 =	smul.u32 s5, s6  }
0xc: {  	p0 =	por $0x0, $0x0;
	[sflag:s31] =	ssyncpa.u1 $0x0;
	s9 =	simm.s32 $0x4000  }
0xd: {  	s6 =	sadd.s32 $0x122200, s7;
	s7 =	sadd.s32 $0x22200, s7;
	s8 =	sadd.s32 $0x1, s5  }
.LBB1_4:
0xe: {  	v5 =	vld [tilespmem:s17+$0xFFFFFFD0]  }
0xf: {  	[tilespmem:s18+$0x2040 ss:$0x81] =	vst.msk $0xffff, v1;
	v58 =	vld [tilespmem:s17+$0xFFFFFFE0]  }
0x10: {  	[tilespmem:s18+$0x2850 ss:$0x81] =	vst.msk $0xffff, v2;
	v59 =	vld [tilespmem:s17+$0xFFFFFFF0]  }
0x11: {  	s19 =	sshra.s32 s19, $0x2;
	[tilespmem:s18+$0x3060 ss:$0x81] =	vst.msk $0xffff, v3;
	v60 =	vld [tilespmem:s17+$0x0]  }
0x12: {  	[tilespmem:s18+$0x0 ss:$0x81] =	vst.msk $0xffff, v0;
	v61 =	vld [tilespmem:s17+$0x10];
	s16 =	sadd.s32 s19, s16  }
0x13: {  	s26 =	sshll.u32 s14, $0xB;
	v62 =	vld [tilespmem:s17+$0x20];
	[tilespmem:s16+$0x3870 ss:$0x81] =	vst.msk $0xffff, v4  }
0x14: {  	s27 =	sand.u32 $0x78, s13;
	s20 =	sshll.u32 s13, $0x3;
	v63 =	vld [tilespmem:s17+$0xFFFFFFC0];
	s29 =	sshll.u32 s14, $0x7;
	[tilespmem:s16+$0x810 ss:$0x81] =	vst.msk $0xffff, v5  }
0x15: {  	s18 =	sand.u32 $0x7FC000, s26;
	s28 =	sand.u32 $0x7FFC00, s20;
	s20 =	sand.u32 $0x400, s20;
	[tilespmem:s16+$0x1020 ss:$0x81] =	vst.msk $0xffff, v58  }
0x16: {  	s14 =	sand.u32 $0x380, s29;
	s17 =	sadd.s32 s28, s18;
	s30 =	sor.u32 s27, s20;
	[tilespmem:s16+$0x1830 ss:$0x81] =	vst.msk $0xffff, v59  }
0x17: {  	s17 =	sand.u32 $0x7FF800, s17;
	s14 =	sor.u32 s14, s30;
	[tilespmem:s16+$0x2040 ss:$0x81] =	vst.msk $0xffff, v60  }
0x18: {  	s31 =	sand.u32 $0x7, s13;
	s14 =	sor.u32 s17, s14;
	[tilespmem:s16+$0x2850 ss:$0x81] =	vst.msk $0xffff, v61  }
0x19: {  	s13 =	sshll.u32 s31, $0x12;
	[tilespmem:s16+$0x3060 ss:$0x81] =	vst.msk $0xffff, v62;
	s14 =	sshrl.u32 s14, $0x3  }
0x1a: {  	s13 =	sor.u32 $0x400, s13;
	[tilespmem:s16+$0x0 ss:$0x81] =	vst.msk $0xffff, v63;
	s14 =	sadd.s32 s7, s14  }
0x1b: {  	[hbm4b:s14+s13] =	stream.strided.scatter [tilespmem:s15], [sflag:$0x2], $0x4000, s9, s13, $0x20;
	[tilespmem:$0x10100] =	vst v63  }
.LBB1_5:
0x1c: {  	s15 =	sadd.s32 $0x100, s10  }
0x1d: {  	s13 =	sadd.s32 $0x800, s11;
	s17 =	smov.u32 s11;
	p2 =	sgt.s32 s15, $0xFFF  }
0x1e: {  	s17 =	smov.u32 @p2 s13  }
0x1f: {  	s15 =	smov.u32 @p2 s3;
	p2 =	sgt.s32 s17, $0x7FF  }
0x20: {  	s17 =	smov.u32 @p2 s2;
	p2 =	sne.s32 s12, s8  }
.Ltmp1:
0x21: {  	p1 =	slt.u32 s12, $0x2;
	(pc) =	sbr.rel @!p2 .LBB1_6-.Ltmp1, $4  }
0x22: {  	s16 =	simm.s32 @!p1 $0x2  }
0x23: {  	s14 =	smov.u32 s10;
	p0 =	por !p0, !p0;
	_ =	swait.ge @!p1 [sflag:s16], $0x4000  }
0x24: {  	s13 =	smov.u32 s11;
	[sflag:s16] =	ssyncset.done @!p1 $0x0;
	s10 =	smov.u32 s15  }
0x25: {  	s12 =	sadd.s32 $0x1, s12;
	[sflag:s16] =	ssyncadd.s32 @!p1 $0xFFFFC000;
	s11 =	smov.u32 s17  }
.LBB1_1:
0x26: {  	p1 =	sge.u32 s12, s5;
	s31 =	sadd.s32 $0xFFFFFFFF, s12  }
0x27: {  	s15 =	sand.u32 @!p1 $0x78, s10;
	s16 =	sshll.u32 @!p1 s11, $0xC;
	s17 =	sshll.u32 @!p1 s11, $0x7  }
0x28: {  	s18 =	sshll.u32 @!p1 s10, $0x3;
	s16 =	sand.u32 @!p1 $0x7F8000, s16;
	s17 =	sand.u32 @!p1 $0x380, s17  }
0x29: {  	s16 =	sadd.s32 @!p1 s16, s18;
	s18 =	sand.u32 @!p1 $0xC00, s18;
	s15 =	sor.u32 @!p1 s17, s15  }
0x2a: {  	s17 =	sxor.u32 @!p1 $0xFFFFFFFF, s12;
	s16 =	sand.u32 @!p1 $0x7FF000, s16;
	s15 =	sor.u32 @!p1 s18, s15  }
0x2b: {  	s17 =	sshll.u32 @!p1 s17, $0xE;
	s15 =	sor.u32 @!p1 s16, s15;
	s16 =	sand.u32 @!p1 $0x7, s10  }
0x2c: {  	s18 =	simm.s32 @!p1 $0x8000;
	s15 =	sshrl.u32 @!p1 s15, $0x3;
	s16 =	sshll.u32 @!p1 s16, $0x12  }
0x2d: {  	s17 =	sand.u32 @!p1 $0x4000, s17;
	s15 =	sadd.s32 @!p1 s6, s15;
	s16 =	sor.u32 @!p1 $0x400, s16  }
0x2e: {  	[tilespmem:s17], [sflag:$0x1] =	stream.strided.gather @!p1 [hbm4b:s15+s16], $0x4000, s18, s16, $0x38;
	[tilespmem:$0x10100] =	vst v63  }
0x2f: {  	p1 =	sge.u32 s31, s5  }
.Ltmp2:
0x30: {  	_ = 	snop;
	(pc) =	sbr.rel @p1 .LBB1_5-.Ltmp2, $1  }
0x31: {  	_ =	sdelay $0x3  }
0x32: {  	s15 =	simm.s32 $0x1  }
0x33: {  	_ =	swait.ge [sflag:s4], $0x4000;
	s15 =	simm.s32 @!p0 $0x0  }
0x34: {  	[sflag:s4] =	ssyncset.done $0x0;
	s16 =	sshll.u32 s15, $0xE  }
0x35: {  	[sflag:s4] =	ssyncadd.s32 $0xFFFFC000;
	s17 =	sor.u32 $0x40, s16  }
0x36: {  	s15 =	smul.u32 $0x10200, s15;
	v0 =	vld [tilespmem:s17+$0x30]  }
0x37: {  	v3 =	vld [tilespmem:s17+$0xFFFFFFD0]  }
0x38: {  	s15 =	sshrl.u32 s15, $0x2;
	v4 =	vld [tilespmem:s17+$0xFFFFFFE0]  }
0x39: {  	v5 =	vld [tilespmem:s17+$0xFFFFFFF0];
	s16 =	sor.u32 $0x8000, s15  }
0x3a: {  	s31 =	sand.u32 $0x1, s12;
	v1 =	vld [tilespmem:s17+$0x0];
	s18 =	sadd.s32 $0x0, s16  }
0x3b: {  	v2 =	vld [tilespmem:s17+$0x10];
	s15 =	smul.u32 $0x10200, s31;
	[tilespmem:s18+$0x3870 ss:$0x81] =	vst.msk $0xffff, v0  }
0x3c: {  	[tilespmem:s18+$0x810 ss:$0x81] =	vst.msk $0xffff, v3;
	v3 =	vld [tilespmem:s17+$0x20]  }
0x3d: {  	s15 =	sshrl.u32 s15, $0x2;
	v0 =	vld [tilespmem:s17+$0xFFFFFFC0];
	[tilespmem:s18+$0x1020 ss:$0x81] =	vst.msk $0xffff, v4;
	s17 =	sadd.s32 $0x80, s17  }
0x3e: {  	s19 =	simm.s32 $0x4;
	s20 =	simm.s32 $0x8;
	s15 =	sor.u32 $0x8000, s15;
	[tilespmem:s18+$0x1830 ss:$0x81] =	vst.msk $0xffff, v5;
	v4 =	vld [tilespmem:s17+$0x30]  }
.LBB1_3:
0x3f: {  	p1 =	sne.s32 s20, $0x1FC;
	v5 =	vld [tilespmem:s17+$0xFFFFFFD0];
	[tilespmem:s18+$0x2040 ss:$0x81] =	vst.msk $0xffff, v1  }
0x40: {  	v6 =	vld [tilespmem:s17+$0xFFFFFFE0];
	[tilespmem:s18+$0x2850 ss:$0x81] =	vst.msk $0xffff, v2  }
0x41: {  	s21 =	sshra.s32 s19, $0x2;
	s19 =	smov.u32 s20;
	v7 =	vld [tilespmem:s17+$0xFFFFFFF0];
	[tilespmem:s18+$0x3060 ss:$0x81] =	vst.msk $0xffff, v3  }
.Ltmp3:
0x42: {  	v1 =	vld [tilespmem:s17+$0x0];
	[tilespmem:s18+$0x0 ss:$0x81] =	vst.msk $0xffff, v0;
	s18 =	sadd.s32 s21, s16;
	(pc) =	sbr.rel @p1 .LBB1_3-.Ltmp3, $4  }
0x43: {  	v2 =	vld [tilespmem:s17+$0x10];
	[tilespmem:s18+$0x3870 ss:$0x81] =	vst.msk $0xffff, v4  }
0x44: {  	[tilespmem:s18+$0x810 ss:$0x81] =	vst.msk $0xffff, v5;
	v3 =	vld [tilespmem:s17+$0x20]  }
0x45: {  	v0 =	vld [tilespmem:s17+$0xFFFFFFC0];
	[tilespmem:s18+$0x1020 ss:$0x81] =	vst.msk $0xffff, v6;
	s17 =	sadd.s32 $0x80, s17  }
0x46: {  	s20 =	sadd.s32 $0x4, s20;
	v4 =	vld [tilespmem:s17+$0x30];
	[tilespmem:s18+$0x1830 ss:$0x81] =	vst.msk $0xffff, v7  }
.Ltmp4:
0x47: {  	_ = 	snop;
	(pc) =	sbr.rel .LBB1_4-.Ltmp4, $1  }
0x48: {  	_ =	sdelay $0x3  }
.LBB1_6:
0x49: {  	_ =	sfence.sel $0x180000  }
0x4a: {  	s2 =	simm.s32 $0x1;
	[bflag:$0x0] =	sbarrier.arrive $0xFFFF  }
0x4b: {  	s31 =	simm.s32 $0x2;
	[sflag:s2] =	ssyncpa.u1 $0x1  }
0x4c: {  	[sflag:s31] =	ssyncpa.u1 $0x1  }
0x4d: {  	p0 =	sne.s32 s1, $0x0;
	_ =	strace $0x90000066  }
0x4e: {  	s0 =	sadd.s32 @!p0 $0x100000, s0;
	[bflag:$0x2] =	sbarrier.arrive $0xFFFF  }
0x4f: {  	[sflag:s0] =	ssyncadd.tile.s32 @!p0 $0x1;
	_ =	shalt  }
.Lfunc_end1:
_tile_overlayer_lowered:
.L_overlay_start_2:
0x50: {  	(tag) =	ssettag $0x2  }
0x51: {  	s0 =	rddreg [dreg:$0x0];
	s2 =	stileid.u32  }
0x52: {  	s1 =	rddreg [dreg:$0x1];
	p0 =	sne.s32 s2, $0x0  }
0x53: {  	s3 =	rddreg [dreg:$0x2];
	[bflag:$0x3] =	sbarrier.arrive $0xFFFF;
	s2 =	simm.s32 @!p0 $0x1C01  }
0x54: {  	[timem:s3], [sflag:s2] =	dma.local @!p0 [hbm:s0], s1  }
0x55: {  	s0 =	simm.s32 @!p0 $0x1  }
0x56: {  	_ =	swait.ge @!p0 [sflag:s0], s1  }
0x57: {  	s1 =	ssub.s32 @!p0 $0x0, s1;
	[sflag:s0] =	ssyncset.done @!p0 $0x0  }
0x58: {  	[sflag:s0] =	ssyncadd.s32 @!p0 s1  }
0x59: {  	[bflag:$0x3] =	sbarrier.arrive $0xFFFF  }
0x5a: {  	_ =	shalt  }

</sc_bundles>
